<compile_context>
chip_gen: v7x
topology: tpu7x:2x2x1
jax: 0.10.2.dev20260603
libtpu: 0.0.44.dev20260713+nightly
codegen_flags: <defaults>
</compile_context>

<pallas_src>
import functools

import jax
import jax.numpy as jnp
from jax import lax
from jax.experimental import pallas as pl
from jax.experimental.pallas import tpu as pltpu
from jax.experimental.pallas import tpu_sc as plsc

F32 = jnp.float32
HI = jax.lax.Precision.HIGHEST

B = 8
S = 32
P = 32
L = S * P
C_SP = 128
C_DN = 128
SU = 256
K_SP = 2
K_DN = 10
DW = 128


def _silu(x):
    return x * jax.nn.sigmoid(x)


def _bn_rows(x, g, b):
    m = jnp.mean(x, axis=0, keepdims=True)
    v = jnp.mean((x - m) * (x - m), axis=0, keepdims=True)
    return (x - m) / jnp.sqrt(v + 1e-5) * g + b


def _roll_axis1(x3, off):
    n = x3.shape[1]
    off = off % n
    if off == 0:
        return x3
    return jnp.concatenate([x3[:, off:, :], x3[:, :off, :]], axis=1)


def _dot(a, b):
    return jnp.dot(a, b, precision=HI, preferred_element_type=F32)


def _pc1a_body(xd_ref, w5_ref, cb_ref, out_ref):
    xd3 = xd_ref[...]
    acc = cb_ref[...] + jnp.zeros((L, C_DN), F32)
    for t in range(5):
        sh = _roll_axis1(xd3, t - 2).reshape(L, C_DN)
        acc = acc + _dot(sh, w5_ref[t])
    out_ref[...] = acc.reshape(1, L, C_DN)


def _pc1b_body(cr_ref, xs_ref, csf_ref, csl_ref,
               cbng_ref, cbnb_ref,
               mwT_ref, mb_ref, mbng_ref, mbnb_ref,
               suWc_ref, suWg_ref, suW3_ref, suWa_ref, su_bm_ref,
               subng_ref, subnb_ref,
               sp_out_ref):
    df = _silu(_bn_rows(cr_ref[...], cbng_ref[...], cbnb_ref[...]))
    spd = jnp.max(df.reshape(B * S, P, C_DN), axis=1)
    xs_f = xs_ref[...]
    us0 = jnp.concatenate([xs_f, spd], axis=1)
    us = _dot(us0, mwT_ref[...]) + mb_ref[...]
    us = _silu(_bn_rows(us, mbng_ref[...], mbnb_ref[...]))
    csf = csf_ref[...]
    cw3s = _dot(csf, suW3_ref[...])
    cen_s = _dot(us, suWc_ref[...]) + su_bm_ref[...] - cw3s
    srcS = jnp.concatenate(
        [_dot(us, suWg_ref[...]) + cw3s, _dot(csf, suWa_ref[...])], axis=1)
    csn3 = csf.reshape(B, S, 3)
    srcS3 = srcS.reshape(B, S, C_SP + 1)
    cen_s3 = cen_s.reshape(B, S, C_SP)
    ilane = lax.broadcasted_iota(jnp.int32, (S, S), 1)
    outs = []
    for b in range(8):
        cb3 = csn3[b]
        clb = csl_ref[b]
        sq_c = jnp.sum(cb3 * cb3, axis=1, keepdims=True)
        sq_r = jnp.sum(clb * clb, axis=0, keepdims=True)
        cross = (cb3[:, 0:1] * clb[0:1, :] + cb3[:, 1:2] * clb[1:2, :]
                 + cb3[:, 2:3] * clb[2:3, :])
        d2 = sq_c + sq_r - 2.0 * cross
        msgs, logits = [], []
        for _ in range(K_SP):
            mrow = jnp.min(d2, axis=1, keepdims=True)
            idxc = jnp.min(jnp.where(d2 <= mrow, ilane, 2 * S),
                           axis=1, keepdims=True)
            oh = (ilane == idxc).astype(F32)
            g = _dot(oh, srcS3[b])
            logits.append(g[:, C_SP:C_SP + 1])
            msgs.append(_silu(cen_s3[b] + g[:, :C_SP]))
            d2 = jnp.where(ilane == idxc, F32(1e30), d2)
        mx = jnp.maximum(logits[0], logits[1])
        e0 = jnp.exp(logits[0] - mx)
        e1 = jnp.exp(logits[1] - mx)
        outs.append((e0 * msgs[0] + e1 * msgs[1]) / (e0 + e1))
    sp_raw = jnp.concatenate(outs, axis=0)
    sp_out_ref[...] = _silu(_bn_rows(sp_raw, subng_ref[...], subnb_ref[...]))


def _pc1c_body(xd_ref, xs_ref, stdTa_ref, stdTb_ref, stdb_ref, udraw_ref):
    xd_f = xd_ref[...].reshape(L, C_DN)
    rep = jnp.broadcast_to(
        xs_ref[...].reshape(S, 1, C_SP), (S, P, C_SP)).reshape(L, C_SP)
    ud = _dot(xd_f, stdTa_ref[...]) + _dot(rep, stdTb_ref[...]) + stdb_ref[...]
    udraw_ref[...] = ud.reshape(1, L, SU)


def _bnstats_body(x_ref, m_ref, v_ref):
    x = x_ref[...]
    m = jnp.mean(x, axis=0, keepdims=True)
    m_ref[...] = m
    v_ref[...] = jnp.mean((x - m) * (x - m), axis=0, keepdims=True)


def _pc1d_body(udraw_ref, m_ref, v_ref, stdg_ref, stdbb_ref, cdf_ref,
               duWc_ref, duWg_ref, duW3_ref, duWa_ref, du_bm_ref,
               cen_ref, src_ref, cwa_ref):
    udr = udraw_ref[...].reshape(L, SU)
    ud = _silu((udr - m_ref[...]) / jnp.sqrt(v_ref[...] + 1e-5)
               * stdg_ref[...] + stdbb_ref[...])
    cdf = cdf_ref[...].reshape(L, 3)
    cw3d = _dot(cdf, duW3_ref[...])
    cen_ref[...] = (_dot(ud, duWc_ref[...]) + du_bm_ref[...]
                    - cw3d).reshape(1, L, C_DN)
    src_ref[...] = (_dot(ud, duWg_ref[...]) + cw3d).reshape(1, L, DW)
    cwa_ref[...] = jnp.broadcast_to(
        _dot(cdf, duWa_ref[...]), (L, 8)).reshape(1, L, 8)


def _make_pc2_body(off):
    def _pc2_body(cdn_ref, cdl_ref, cwa_ref, idx_ref, lg_ref):
        b = pl.program_id(0) + off
        cdn = cdn_ref[0]
        cdl = cdl_ref[0]
        cwa_row = cwa_ref[0][0:1, :]
        sq_c = jnp.sum(cdn * cdn, axis=1, keepdims=True)
        sq_r = jnp.sum(cdl * cdl, axis=0, keepdims=True)
        cross = (cdn[:, 0:1] * cdl[0:1, :] + cdn[:, 1:2] * cdl[1:2, :]
                 + cdn[:, 2:3] * cdl[2:3, :])
        d2 = sq_c + sq_r - 2.0 * cross
        ilane = lax.broadcasted_iota(jnp.int32, (L, L), 1)
        for j in range(K_DN):
            mrow = jnp.min(d2, axis=1, keepdims=True)
            idxc = jnp.min(jnp.where(d2 <= mrow, ilane, 2 * L),
                           axis=1, keepdims=True)
            sel = ilane == idxc
            idx_ref[0, :, j:j + 1] = idxc + b * L
            lg_ref[0, :, j:j + 1] = jnp.sum(
                jnp.where(sel, cwa_row, F32(0.0)), axis=1, keepdims=True)
            d2 = jnp.where(sel, F32(1e30), d2)
        idx_ref[0, :, K_DN:16] = jnp.zeros((L, 16 - K_DN), jnp.int32)
        lg_ref[0, :, K_DN:16] = jnp.zeros((L, 16 - K_DN), F32)
    return _pc2_body


NC, NS = 2, 16
NW = NC * NS
ROWS = B * K_DN * L
RPW = ROWS // NW
CH = 256
NCHUNK = RPW // CH


def _sc_gather(table, idx):
    rows = idx.shape[0]
    rpw = rows // NW
    nchunk = rpw // CH
    mesh = plsc.VectorSubcoreMesh(core_axis_name="c", subcore_axis_name="s")

    @functools.partial(
        pl.kernel, mesh=mesh,
        out_type=jax.ShapeDtypeStruct((rows, DW), F32),
        scratch_types=[
            pltpu.VMEM((rpw,), jnp.int32),
            pltpu.VMEM((CH, DW), F32),
            pltpu.SemaphoreType.DMA,
        ],
    )
    def k(table_hbm, idx_hbm, out_hbm, idx_v, rows_v, sem):
        wid = lax.axis_index("s") * NC + lax.axis_index("c")
        base = wid * rpw
        pltpu.sync_copy(idx_hbm.at[pl.ds(base, rpw)], idx_v)
        for i in range(nchunk):
            pltpu.async_copy(
                table_hbm.at[idx_v.at[pl.ds(i * CH, CH)]], rows_v, sem).wait()
            pltpu.sync_copy(rows_v, out_hbm.at[pl.ds(base + i * CH, CH)])

    return k(table, idx)


def _pc3a_body(g_ref, cen_ref, lg_ref, out_ref):
    gb = g_ref[0]
    cen = cen_ref[0]
    lmat = lg_ref[0][:, :K_DN]
    mx = jnp.max(lmat, axis=1, keepdims=True)
    e = jnp.exp(lmat - mx)
    s = jnp.sum(e, axis=1, keepdims=True)
    acc = jnp.zeros((L, C_DN), F32)
    for k in range(K_DN):
        acc = acc + e[:, k:k + 1] * _silu(cen + gb[k, :, :C_DN])
    out_ref[0] = acc / s


def _pc3b_body(x_ref, g_ref, b_ref, out_ref):
    out_ref[...] = _silu(_bn_rows(x_ref[...], g_ref[...], b_ref[...]))


def _pc3c_body(xe_ref, xo_ref, w6_ref, cb_ref, g_ref, b_ref, out_ref):
    xe = xe_ref[...]
    xo = xo_ref[...]
    H = L // 2
    acc = _dot(_roll_axis1(xe, -1).reshape(B * H, C_DN), w6_ref[0])
    acc = acc + _dot(_roll_axis1(xo, -1).reshape(B * H, C_DN), w6_ref[1])
    acc = acc + _dot(xe.reshape(B * H, C_DN), w6_ref[2])
    acc = acc + _dot(xo.reshape(B * H, C_DN), w6_ref[3])
    acc = acc + _dot(_roll_axis1(xe, 1).reshape(B * H, C_DN), w6_ref[4])
    acc = acc + _dot(_roll_axis1(xo, 1).reshape(B * H, C_DN), w6_ref[5])
    acc = acc + cb_ref[...]
    out_ref[...] = _silu(_bn_rows(acc, g_ref[...], b_ref[...]))


def _row(v):
    return v.reshape(1, -1)


def kernel(sparse_fea, dense_fea, sparse_coor, dense_coor, params):
    p = params
    xd = jnp.transpose(dense_fea.reshape(B, C_DN, L), (0, 2, 1))
    xs = jnp.transpose(sparse_fea, (0, 2, 1))
    cdf = jnp.transpose(dense_coor.reshape(B, 3, L), (0, 2, 1))
    cdl = jnp.concatenate(
        [dense_coor.reshape(B, 3, L), jnp.zeros((B, 5, L), F32)], axis=1)
    csf = jnp.transpose(sparse_coor, (0, 2, 1)).reshape(B * S, 3)
    csl = jnp.concatenate(
        [sparse_coor, jnp.zeros((B, 5, S), F32)], axis=1)

    w5 = jnp.transpose(p['dts_cw'], (2, 1, 0))
    w6 = jnp.transpose(p['ds_cw'], (2, 1, 0))
    suWc = p['su_wm'][:SU] - p['su_wm'][SU:2 * SU]
    suWg = p['su_wm'][SU:2 * SU]
    suW3 = p['su_wm'][2 * SU:]
    duWc = p['du_wm'][:SU] - p['du_wm'][SU:2 * SU]
    duWg = p['du_wm'][SU:2 * SU]
    duW3 = p['du_wm'][2 * SU:]

    conv_raw = pl.pallas_call(
        _pc1a_body,
        grid=(B,),
        in_specs=[
            pl.BlockSpec((1, L, C_DN), lambda b: (b, 0, 0)),
            pl.BlockSpec((5, C_DN, C_DN), lambda b: (0, 0, 0)),
            pl.BlockSpec((1, C_DN), lambda b: (0, 0)),
        ],
        out_specs=pl.BlockSpec((1, L, C_DN), lambda b: (b, 0, 0)),
        out_shape=jax.ShapeDtypeStruct((B, L, C_DN), F32),
    )(xd, w5, _row(p['dts_cb']))
    conv_raw = conv_raw.reshape(B * L, C_DN)

    sp_out_f = pl.pallas_call(
        _pc1b_body,
        out_shape=jax.ShapeDtypeStruct((B * S, C_SP), F32),
    )(conv_raw, xs.reshape(B * S, C_SP), csf, csl,
      _row(p['dts_bng']), _row(p['dts_bnb']),
      p['dts_mw'].T, _row(p['dts_mb']), _row(p['dts_mbng']), _row(p['dts_mbnb']),
      suWc, suWg, suW3, p['su_wa'], _row(p['su_bm']),
      _row(p['su_bng']), _row(p['su_bnb']))

    udraw = pl.pallas_call(
        _pc1c_body,
        grid=(B,),
        in_specs=[
            pl.BlockSpec((1, L, C_DN), lambda b: (b, 0, 0)),
            pl.BlockSpec((1, S, C_SP), lambda b: (b, 0, 0)),
            pl.BlockSpec((C_DN, SU), lambda b: (0, 0)),
            pl.BlockSpec((C_SP, SU), lambda b: (0, 0)),
            pl.BlockSpec((1, SU), lambda b: (0, 0)),
        ],
        out_specs=pl.BlockSpec((1, L, SU), lambda b: (b, 0, 0)),
        out_shape=jax.ShapeDtypeStruct((B, L, SU), F32),
    )(xd, xs, p['std_mw'].T[:C_DN], p['std_mw'].T[C_DN:], _row(p['std_mb']))

    ud_m, ud_v = pl.pallas_call(
        _bnstats_body,
        out_shape=[
            jax.ShapeDtypeStruct((1, SU), F32),
            jax.ShapeDtypeStruct((1, SU), F32),
        ],
    )(udraw.reshape(B * L, SU))

    cen3, src3, cwa3 = pl.pallas_call(
        _pc1d_body,
        grid=(B,),
        in_specs=[
            pl.BlockSpec((1, L, SU), lambda b: (b, 0, 0)),
            pl.BlockSpec((1, SU), lambda b: (0, 0)),
            pl.BlockSpec((1, SU), lambda b: (0, 0)),
            pl.BlockSpec((1, SU), lambda b: (0, 0)),
            pl.BlockSpec((1, SU), lambda b: (0, 0)),
            pl.BlockSpec((1, L, 3), lambda b: (b, 0, 0)),
            pl.BlockSpec((SU, C_DN), lambda b: (0, 0)),
            pl.BlockSpec((SU, C_DN), lambda b: (0, 0)),
            pl.BlockSpec((3, C_DN), lambda b: (0, 0)),
            pl.BlockSpec((3, 1), lambda b: (0, 0)),
            pl.BlockSpec((1, C_DN), lambda b: (0, 0)),
        ],
        out_specs=[
            pl.BlockSpec((1, L, C_DN), lambda b: (b, 0, 0)),
            pl.BlockSpec((1, L, DW), lambda b: (b, 0, 0)),
            pl.BlockSpec((1, L, 8), lambda b: (b, 0, 0)),
        ],
        out_shape=[
            jax.ShapeDtypeStruct((B, L, C_DN), F32),
            jax.ShapeDtypeStruct((B, L, DW), F32),
            jax.ShapeDtypeStruct((B, L, 8), F32),
        ],
    )(udraw, ud_m, ud_v, _row(p['std_bng']), _row(p['std_bnb']), cdf,
      duWc, duWg, duW3, p['du_wa'], _row(p['du_bm']))
    cen_f = cen3.reshape(B * L, C_DN)
    src_f = src3.reshape(B * L, DW)
    cwa_f = cwa3.reshape(B * L, 8)

    cwaR = jnp.broadcast_to(
        cwa_f[:, 0].reshape(B, 1, L), (B, 8, L))
    idxg, lgT = pl.pallas_call(
        _make_pc2_body(0),
        grid=(B,),
        in_specs=[
            pl.BlockSpec((1, L, 3), lambda b: (b, 0, 0)),
            pl.BlockSpec((1, 8, L), lambda b: (b, 0, 0)),
            pl.BlockSpec((1, 8, L), lambda b: (b, 0, 0)),
        ],
        out_specs=[
            pl.BlockSpec((1, L, 16), lambda b: (b, 0, 0)),
            pl.BlockSpec((1, L, 16), lambda b: (b, 0, 0)),
        ],
        out_shape=[
            jax.ShapeDtypeStruct((B, L, 16), jnp.int32),
            jax.ShapeDtypeStruct((B, L, 16), F32),
        ],
    )(cdf, cdl, cwaR)

    idx_flat = jnp.transpose(idxg[:, :, :K_DN], (0, 2, 1)).reshape(ROWS)
    g = _sc_gather(src_f, idx_flat)

    o3 = pl.pallas_call(
        _pc3a_body,
        grid=(B,),
        in_specs=[
            pl.BlockSpec((1, K_DN, L, DW), lambda b: (b, 0, 0, 0)),
            pl.BlockSpec((1, L, C_DN), lambda b: (b, 0, 0)),
            pl.BlockSpec((1, L, 16), lambda b: (b, 0, 0)),
        ],
        out_specs=pl.BlockSpec((1, L, C_DN), lambda b: (b, 0, 0)),
        out_shape=jax.ShapeDtypeStruct((B, L, C_DN), F32),
    )(g.reshape(B, K_DN, L, DW), cen_f.reshape(B, L, C_DN), lgT)

    dnf = pl.pallas_call(
        _pc3b_body,
        out_shape=jax.ShapeDtypeStruct((B * L, C_DN), F32),
    )(o3.reshape(B * L, C_DN), _row(p['du_bng']), _row(p['du_bnb']))

    dnf3 = dnf.reshape(B, L, C_DN)
    xe = dnf3[:, 0::2, :]
    xo = dnf3[:, 1::2, :]
    y = pl.pallas_call(
        _pc3c_body,
        out_shape=jax.ShapeDtypeStruct((B * L // 2, C_DN), F32),
    )(xe, xo, w6, _row(p['ds_cb']), _row(p['ds_bng']), _row(p['ds_bnb']))

    sp_out = jnp.transpose(sp_out_f.reshape(B, S, C_SP), (0, 2, 1))
    x = jnp.transpose(y.reshape(B, L // 2, C_DN), (0, 2, 1)).reshape(
        B, C_DN, S, P // 2)
    coor_ds = dense_coor[..., ::2]
    return (sp_out, x, coor_ds)

# --- scband reference (transcript-rebuilt; emitter-appended) ---
"""Pipeline reference for scband-sdgraph-encoder-29334626632178 (READ-ONLY COPY).

The authoritative reference and input builder live on the scoring server;
editing this copy changes nothing except your own understanding.
"""

import jax, jax.numpy as jnp
import numpy as np

BS = 8; N_STK = 32; N_PNT = 32
SP_IN = 128; SP_OUT = 128; DN_IN = 128; DN_OUT = 128
CC = 3; SP_NEAR = 2; DN_NEAR = 10
SU = SP_IN + DN_IN


def setup_inputs(seed: int = 0) -> dict:
    key = jax.random.key(seed)
    ks = jax.random.split(key, 16)
    def nrm(k, shape, s=0.02):
        return jax.random.normal(k, shape, dtype=jnp.float32) * s
    sparse_fea = jax.random.normal(ks[0], (BS, SP_IN, N_STK), dtype=jnp.float32)
    dense_fea = jax.random.normal(ks[1], (BS, DN_IN, N_STK, N_PNT), dtype=jnp.float32)
    sparse_coor = jax.random.normal(ks[2], (BS, CC, N_STK), dtype=jnp.float32)
    dense_coor = jax.random.normal(ks[3], (BS, CC, N_STK, N_PNT), dtype=jnp.float32)
    params = {
        'dts_cw': nrm(ks[4], (DN_IN, DN_IN, 5)), 'dts_cb': jnp.zeros((DN_IN,), jnp.float32),
        'dts_bng': jnp.ones((DN_IN,), jnp.float32), 'dts_bnb': jnp.zeros((DN_IN,), jnp.float32),
        'dts_mw': nrm(ks[5], (SU, SU)), 'dts_mb': jnp.zeros((SU,), jnp.float32),
        'dts_mbng': jnp.ones((SU,), jnp.float32), 'dts_mbnb': jnp.zeros((SU,), jnp.float32),
        'std_mw': nrm(ks[6], (SU, SU)), 'std_mb': jnp.zeros((SU,), jnp.float32),
        'std_bng': jnp.ones((SU,), jnp.float32), 'std_bnb': jnp.zeros((SU,), jnp.float32),
        'su_wm': nrm(ks[7], (2 * SU + CC, SP_OUT)), 'su_bm': jnp.zeros((SP_OUT,), jnp.float32),
        'su_wa': nrm(ks[8], (CC, 1), 0.1), 'su_ba': jnp.zeros((1,), jnp.float32),
        'su_bng': jnp.ones((SP_OUT,), jnp.float32), 'su_bnb': jnp.zeros((SP_OUT,), jnp.float32),
        'du_wm': nrm(ks[9], (2 * SU + CC, DN_OUT)), 'du_bm': jnp.zeros((DN_OUT,), jnp.float32),
        'du_wa': nrm(ks[10], (CC, 1), 0.1), 'du_ba': jnp.zeros((1,), jnp.float32),
        'du_bng': jnp.ones((DN_OUT,), jnp.float32), 'du_bnb': jnp.zeros((DN_OUT,), jnp.float32),
        'ds_cw': nrm(ks[11], (DN_OUT, DN_OUT, 6)), 'ds_cb': jnp.zeros((DN_OUT,), jnp.float32),
        'ds_bng': jnp.ones((DN_OUT,), jnp.float32), 'ds_bnb': jnp.zeros((DN_OUT,), jnp.float32),
    }
    return {'sparse_fea': sparse_fea, 'dense_fea': dense_fea,
            'sparse_coor': sparse_coor, 'dense_coor': dense_coor, 'params': params}


def _silu(x):
    return x * jax.nn.sigmoid(x)


def _bn(x, g, b):
    axes = tuple(i for i in range(x.ndim) if i != 1)
    m = x.mean(axis=axes, keepdims=True)
    v = x.var(axis=axes, keepdims=True)
    shp = [1] * x.ndim; shp[1] = -1
    return (x - m) / jnp.sqrt(v + 1e-5) * g.reshape(shp) + b.reshape(shp)


def _cpad(x, p):
    return jnp.concatenate([x[..., -p:], x, x[..., :p]], axis=-1)


def _conv1d(x, w, b, stride=1):
    y = jax.lax.conv_general_dilated(x, w, (stride,), 'VALID', dimension_numbers=('NCH', 'OIH', 'NCH'))
    return y + b[None, :, None]


def _attn_gcn(coor, fea, wm, bm, wa, ba, bng, bnb, k):
    # AttnGCN3D: kNN on coords, coord-attention weighted message aggregation
    c = jnp.transpose(coor, (0, 2, 1))  # [b,N,cc]
    f = jnp.transpose(fea, (0, 2, 1))   # [b,N,cin]
    sq = jnp.sum(c * c, axis=-1)
    d2 = sq[:, :, None] + sq[:, None, :] - 2.0 * jnp.einsum('bnc,bmc->bnm', c, c)
    _, idx = jax.lax.top_k(-d2, k)      # [b,N,k] nearest neighbors
    nb_f = jax.vmap(lambda ff, ii: ff[ii])(f, idx)  # gather [b,N,k,cin]
    nb_c = jax.vmap(lambda cc_, ii: cc_[ii])(c, idx)
    rel = nb_c - c[:, :, None, :]
    center = jnp.broadcast_to(f[:, :, None, :], nb_f.shape)
    edge = jnp.concatenate([center, nb_f - center, rel], axis=-1)
    msg = _silu(jnp.einsum('bnke,eo->bnko', edge, wm) + bm)
    logits = jnp.squeeze(jnp.einsum('bnkc,co->bnko', rel, wa) + ba, -1)
    attn = jax.nn.softmax(logits, axis=-1)
    out = jnp.einsum('bnko,bnk->bno', msg, attn)
    out = jnp.transpose(out, (0, 2, 1))
    return _silu(_bn(out, bng, bnb))


def reference(sparse_fea, dense_fea, sparse_coor, dense_coor, params):
    p = params
    b, dn, S, P = dense_fea.shape
    # ---- DenseToSparse ----
    df = dense_fea.reshape(b, dn, S * P)
    df = _conv1d(_cpad(df, 2), p['dts_cw'], p['dts_cb'])
    df = _silu(_bn(df, p['dts_bng'], p['dts_bnb']))
    df = df.reshape(b, dn, S, P)
    sp_from_dn = jnp.max(df, axis=3)
    us = jnp.concatenate([sparse_fea, sp_from_dn], axis=1)
    us = jnp.einsum('oc,bcn->bon', p['dts_mw'], us) + p['dts_mb'][None, :, None]
    us = _silu(_bn(us, p['dts_mbng'], p['dts_mbnb']))
    # ---- SparseToDense ----
    rep = jnp.broadcast_to(sparse_fea[:, :, :, None], (b, sparse_fea.shape[1], S, P))
    ud = jnp.concatenate([dense_fea, rep], axis=1)
    ud = jnp.einsum('oc,bcsp->bosp', p['std_mw'], ud) + p['std_mb'][None, :, None, None]
    ud = _silu(_bn(ud, p['std_bng'], p['std_bnb']))
    # ---- SparseUpdate (AttnGCN3D on stroke graph) ----
    sp_out = _attn_gcn(sparse_coor, us, p['su_wm'], p['su_bm'], p['su_wa'], p['su_ba'],
                       p['su_bng'], p['su_bnb'], SP_NEAR)
    # ---- DenseUpdate (AttnGCN3D on point graph) ----
    udf = ud.reshape(b, ud.shape[1], S * P)
    dcf = dense_coor.reshape(b, dense_coor.shape[1], S * P)
    dnf = _attn_gcn(dcf, udf, p['du_wm'], p['du_bm'], p['du_wa'], p['du_ba'],
                    p['du_bng'], p['du_bnb'], DN_NEAR)
    dnf = dnf.reshape(b, dnf.shape[1], S, P)
    # ---- DownSample ----
    x = dnf.reshape(b, dnf.shape[1], S * P)
    x = _conv1d(_cpad(x, 2), p['ds_cw'], p['ds_cb'], stride=2)
    x = _silu(_bn(x, p['ds_bng'], p['ds_bnb']))
    x = x.reshape(b, x.shape[1], S, P // 2)
    coor_ds = dense_coor[..., ::2]
    return (sp_out, x, coor_ds)

if __name__ == "__main__":
    import jax
    _d = setup_inputs()
    print(jax.jit(kernel)(*tuple(_d.values())))

</pallas_src>

<mosaic_0001>
#map = affine_map<(d0, d1) -> (0, 0)>
#map1 = affine_map<(d0, d1) -> (0)>
module attributes {stable_mosaic.version = 14 : i64} {
  func.func @k(%arg0: i32, %arg1: i32, %arg2: memref<8192x128xf32, #tpu.memory_space<hbm>>, %arg3: memref<81920xi32, #tpu.memory_space<hbm>>, %arg4: memref<81920x128xf32, #tpu.memory_space<hbm>>, %arg5: memref<2560xi32, #tpu.memory_space<vmem>>, %arg6: memref<256x128xf32, #tpu.memory_space<vmem>>, %arg7: memref<!tpu.dma_semaphore, #tpu.memory_space<semaphore_mem>>) attributes {dimension_semantics = [#tpu.dimension_semantics<core_parallel>, #tpu.dimension_semantics<subcore_parallel>], iteration_bounds = array<i64: 2, 16>, scalar_prefetch = 0 : i64, scratch_operands = 3 : i64, tpu.core_type = #tpu.core_type<sc_vector_subcore>, window_params = [{transform_indices = #map}, {transform_indices = #map1}, {transform_indices = #map}]} {
    %mul3A = arith.constant 2 : i32
    %mul3A_0 = arith.muli %arg1, %mul3A : i32
    %add3A = arith.addi %mul3A_0, %arg0 : i32
    %mul3A_1 = arith.constant 2560 : i32
    %mul3A_2 = arith.muli %add3A, %mul3A_1 : i32
    "tpu.region"() ({
      %run_scoped3A = tpu.sem_alloc : memref<!tpu.dma_semaphore, #tpu.memory_space<semaphore_mem>>
      %dma_start3A_121 = tpu.memref_slice %arg3[%mul3A_2] : memref<81920xi32, #tpu.memory_space<hbm>> -> memref<2560xi32, #tpu.memory_space<hbm>>
      %dma_start3A_122 = tpu.memref_slice %arg3[%mul3A_2] : memref<81920xi32, #tpu.memory_space<hbm>> -> memref<2560xi32, #tpu.memory_space<hbm>>
      tpu.enqueue_dma source(%dma_start3A_122 : memref<2560xi32, #tpu.memory_space<hbm>>) target(%arg5 : memref<2560xi32, #tpu.memory_space<vmem>>) target_semaphore(%run_scoped3A : memref<!tpu.dma_semaphore, #tpu.memory_space<semaphore_mem>>)
      %dma_wait3A_123 = tpu.memref_slice %arg3[%mul3A_2] : memref<81920xi32, #tpu.memory_space<hbm>> -> memref<2560xi32, #tpu.memory_space<hbm>>
      %dma_wait3A_124 = tpu.memref_slice %arg3[%mul3A_2] : memref<81920xi32, #tpu.memory_space<hbm>> -> memref<2560xi32, #tpu.memory_space<hbm>>
      tpu.wait_dma2 semaphore(%run_scoped3A : memref<!tpu.dma_semaphore, #tpu.memory_space<semaphore_mem>>) src(%dma_wait3A_124 : memref<2560xi32, #tpu.memory_space<hbm>>) dst(%arg5 : memref<2560xi32, #tpu.memory_space<vmem>>)
      tpu.yield
    }) : () -> ()
    %dma_start3A = arith.constant 0 : i32
    %dma_start3A_3 = tpu.memref_slice %arg5[%dma_start3A] : memref<2560xi32, #tpu.memory_space<vmem>> -> memref<256xi32, #tpu.memory_space<vmem>>
    %dma_start3A_4 = arith.constant 0 : i32
    %dma_start3A_5 = arith.constant 0 : i32
    %dma_start3A_6 = tpu.memref_slice %arg2[%dma_start3A_4, %dma_start3A_5] : memref<8192x128xf32, #tpu.memory_space<hbm>> -> memref<8192x128xf32, #tpu.memory_space<hbm>>
    tpu.enqueue_indirect_dma source(%dma_start3A_6 : memref<8192x128xf32, #tpu.memory_space<hbm>>) target(%arg6 : memref<256x128xf32, #tpu.memory_space<vmem>>) offsets(%dma_start3A_3 : memref<256xi32, #tpu.memory_space<vmem>>) semaphore(%arg7 : memref<!tpu.dma_semaphore, #tpu.memory_space<semaphore_mem>>)
    %dma_wait3A = arith.constant 0 : i32
    %dma_wait3A_7 = tpu.memref_slice %arg5[%dma_wait3A] : memref<2560xi32, #tpu.memory_space<vmem>> -> memref<256xi32, #tpu.memory_space<vmem>>
    %dma_wait3A_8 = arith.constant 0 : i32
    %dma_wait3A_9 = arith.constant 0 : i32
    %dma_wait3A_10 = tpu.memref_slice %arg2[%dma_wait3A_8, %dma_wait3A_9] : memref<8192x128xf32, #tpu.memory_space<hbm>> -> memref<8192x128xf32, #tpu.memory_space<hbm>>
    tpu.wait_indirect_dma semaphore(%arg7 : memref<!tpu.dma_semaphore, #tpu.memory_space<semaphore_mem>>) src(%dma_wait3A_10 : memref<8192x128xf32, #tpu.memory_space<hbm>>) dst(%arg6 : memref<256x128xf32, #tpu.memory_space<vmem>>)
    %add3A_11 = arith.constant 0 : i32
    %add3A_12 = arith.addi %mul3A_2, %add3A_11 : i32
    "tpu.region"() ({
      %run_scoped3A = tpu.sem_alloc : memref<!tpu.dma_semaphore, #tpu.memory_space<semaphore_mem>>
      %dma_start3A_121 = arith.constant 0 : i32
      %dma_start3A_122 = tpu.memref_slice %arg4[%add3A_12, %dma_start3A_121] : memref<81920x128xf32, #tpu.memory_space<hbm>> -> memref<256x128xf32, #tpu.memory_space<hbm>>
      %dma_start3A_123 = arith.constant 0 : i32
      %dma_start3A_124 = tpu.memref_slice %arg4[%add3A_12, %dma_start3A_123] : memref<81920x128xf32, #tpu.memory_space<hbm>> -> memref<256x128xf32, #tpu.memory_space<hbm>>
      tpu.enqueue_dma source(%arg6 : memref<256x128xf32, #tpu.memory_space<vmem>>) target(%dma_start3A_124 : memref<256x128xf32, #tpu.memory_space<hbm>>) target_semaphore(%run_scoped3A : memref<!tpu.dma_semaphore, #tpu.memory_space<semaphore_mem>>)
      %dma_wait3A_125 = arith.constant 0 : i32
      %dma_wait3A_126 = tpu.memref_slice %arg4[%add3A_12, %dma_wait3A_125] : memref<81920x128xf32, #tpu.memory_space<hbm>> -> memref<256x128xf32, #tpu.memory_space<hbm>>
      %dma_wait3A_127 = arith.constant 0 : i32
      %dma_wait3A_128 = tpu.memref_slice %arg4[%add3A_12, %dma_wait3A_127] : memref<81920x128xf32, #tpu.memory_space<hbm>> -> memref<256x128xf32, #tpu.memory_space<hbm>>
      tpu.wait_dma2 semaphore(%run_scoped3A : memref<!tpu.dma_semaphore, #tpu.memory_space<semaphore_mem>>) src(%arg6 : memref<256x128xf32, #tpu.memory_space<vmem>>) dst(%dma_wait3A_128 : memref<256x128xf32, #tpu.memory_space<hbm>>)
      tpu.yield
    }) : () -> ()
    %dma_start3A_13 = arith.constant 256 : i32
    %dma_start3A_14 = tpu.memref_slice %arg5[%dma_start3A_13] : memref<2560xi32, #tpu.memory_space<vmem>> -> memref<256xi32, #tpu.memory_space<vmem>>
    %dma_start3A_15 = arith.constant 0 : i32
    %dma_start3A_16 = arith.constant 0 : i32
    %dma_start3A_17 = tpu.memref_slice %arg2[%dma_start3A_15, %dma_start3A_16] : memref<8192x128xf32, #tpu.memory_space<hbm>> -> memref<8192x128xf32, #tpu.memory_space<hbm>>
    tpu.enqueue_indirect_dma source(%dma_start3A_17 : memref<8192x128xf32, #tpu.memory_space<hbm>>) target(%arg6 : memref<256x128xf32, #tpu.memory_space<vmem>>) offsets(%dma_start3A_14 : memref<256xi32, #tpu.memory_space<vmem>>) semaphore(%arg7 : memref<!tpu.dma_semaphore, #tpu.memory_space<semaphore_mem>>)
    %dma_wait3A_18 = arith.constant 256 : i32
    %dma_wait3A_19 = tpu.memref_slice %arg5[%dma_wait3A_18] : memref<2560xi32, #tpu.memory_space<vmem>> -> memref<256xi32, #tpu.memory_space<vmem>>
    %dma_wait3A_20 = arith.constant 0 : i32
    %dma_wait3A_21 = arith.constant 0 : i32
    %dma_wait3A_22 = tpu.memref_slice %arg2[%dma_wait3A_20, %dma_wait3A_21] : memref<8192x128xf32, #tpu.memory_space<hbm>> -> memref<8192x128xf32, #tpu.memory_space<hbm>>
    tpu.wait_indirect_dma semaphore(%arg7 : memref<!tpu.dma_semaphore, #tpu.memory_space<semaphore_mem>>) src(%dma_wait3A_22 : memref<8192x128xf32, #tpu.memory_space<hbm>>) dst(%arg6 : memref<256x128xf32, #tpu.memory_space<vmem>>)
    %add3A_23 = arith.constant 256 : i32
    %add3A_24 = arith.addi %mul3A_2, %add3A_23 : i32
    "tpu.region"() ({
      %run_scoped3A = tpu.sem_alloc : memref<!tpu.dma_semaphore, #tpu.memory_space<semaphore_mem>>
      %dma_start3A_121 = arith.constant 0 : i32
      %dma_start3A_122 = tpu.memref_slice %arg4[%add3A_24, %dma_start3A_121] : memref<81920x128xf32, #tpu.memory_space<hbm>> -> memref<256x128xf32, #tpu.memory_space<hbm>>
      %dma_start3A_123 = arith.constant 0 : i32
      %dma_start3A_124 = tpu.memref_slice %arg4[%add3A_24, %dma_start3A_123] : memref<81920x128xf32, #tpu.memory_space<hbm>> -> memref<256x128xf32, #tpu.memory_space<hbm>>
      tpu.enqueue_dma source(%arg6 : memref<256x128xf32, #tpu.memory_space<vmem>>) target(%dma_start3A_124 : memref<256x128xf32, #tpu.memory_space<hbm>>) target_semaphore(%run_scoped3A : memref<!tpu.dma_semaphore, #tpu.memory_space<semaphore_mem>>)
      %dma_wait3A_125 = arith.constant 0 : i32
      %dma_wait3A_126 = tpu.memref_slice %arg4[%add3A_24, %dma_wait3A_125] : memref<81920x128xf32, #tpu.memory_space<hbm>> -> memref<256x128xf32, #tpu.memory_space<hbm>>
      %dma_wait3A_127 = arith.constant 0 : i32
      %dma_wait3A_128 = tpu.memref_slice %arg4[%add3A_24, %dma_wait3A_127] : memref<81920x128xf32, #tpu.memory_space<hbm>> -> memref<256x128xf32, #tpu.memory_space<hbm>>
      tpu.wait_dma2 semaphore(%run_scoped3A : memref<!tpu.dma_semaphore, #tpu.memory_space<semaphore_mem>>) src(%arg6 : memref<256x128xf32, #tpu.memory_space<vmem>>) dst(%dma_wait3A_128 : memref<256x128xf32, #tpu.memory_space<hbm>>)
      tpu.yield
    }) : () -> ()
    %dma_start3A_25 = arith.constant 512 : i32
    %dma_start3A_26 = tpu.memref_slice %arg5[%dma_start3A_25] : memref<2560xi32, #tpu.memory_space<vmem>> -> memref<256xi32, #tpu.memory_space<vmem>>
    %dma_start3A_27 = arith.constant 0 : i32
    %dma_start3A_28 = arith.constant 0 : i32
    %dma_start3A_29 = tpu.memref_slice %arg2[%dma_start3A_27, %dma_start3A_28] : memref<8192x128xf32, #tpu.memory_space<hbm>> -> memref<8192x128xf32, #tpu.memory_space<hbm>>
    tpu.enqueue_indirect_dma source(%dma_start3A_29 : memref<8192x128xf32, #tpu.memory_space<hbm>>) target(%arg6 : memref<256x128xf32, #tpu.memory_space<vmem>>) offsets(%dma_start3A_26 : memref<256xi32, #tpu.memory_space<vmem>>) semaphore(%arg7 : memref<!tpu.dma_semaphore, #tpu.memory_space<semaphore_mem>>)
    %dma_wait3A_30 = arith.constant 512 : i32
    %dma_wait3A_31 = tpu.memref_slice %arg5[%dma_wait3A_30] : memref<2560xi32, #tpu.memory_space<vmem>> -> memref<256xi32, #tpu.memory_space<vmem>>
    %dma_wait3A_32 = arith.constant 0 : i32
    %dma_wait3A_33 = arith.constant 0 : i32
    %dma_wait3A_34 = tpu.memref_slice %arg2[%dma_wait3A_32, %dma_wait3A_33] : memref<8192x128xf32, #tpu.memory_space<hbm>> -> memref<8192x128xf32, #tpu.memory_space<hbm>>
    tpu.wait_indirect_dma semaphore(%arg7 : memref<!tpu.dma_semaphore, #tpu.memory_space<semaphore_mem>>) src(%dma_wait3A_34 : memref<8192x128xf32, #tpu.memory_space<hbm>>) dst(%arg6 : memref<256x128xf32, #tpu.memory_space<vmem>>)
    %add3A_35 = arith.constant 512 : i32
    %add3A_36 = arith.addi %mul3A_2, %add3A_35 : i32
    "tpu.region"() ({
      %run_scoped3A = tpu.sem_alloc : memref<!tpu.dma_semaphore, #tpu.memory_space<semaphore_mem>>
      %dma_start3A_121 = arith.constant 0 : i32
      %dma_start3A_122 = tpu.memref_slice %arg4[%add3A_36, %dma_start3A_121] : memref<81920x128xf32, #tpu.memory_space<hbm>> -> memref<256x128xf32, #tpu.memory_space<hbm>>
      %dma_start3A_123 = arith.constant 0 : i32
      %dma_start3A_124 = tpu.memref_slice %arg4[%add3A_36, %dma_start3A_123] : memref<81920x128xf32, #tpu.memory_space<hbm>> -> memref<256x128xf32, #tpu.memory_space<hbm>>
      tpu.enqueue_dma source(%arg6 : memref<256x128xf32, #tpu.memory_space<vmem>>) target(%dma_start3A_124 : memref<256x128xf32, #tpu.memory_space<hbm>>) target_semaphore(%run_scoped3A : memref<!tpu.dma_semaphore, #tpu.memory_space<semaphore_mem>>)
      %dma_wait3A_125 = arith.constant 0 : i32
      %dma_wait3A_126 = tpu.memref_slice %arg4[%add3A_36, %dma_wait3A_125] : memref<81920x128xf32, #tpu.memory_space<hbm>> -> memref<256x128xf32, #tpu.memory_space<hbm>>
      %dma_wait3A_127 = arith.constant 0 : i32
      %dma_wait3A_128 = tpu.memref_slice %arg4[%add3A_36, %dma_wait3A_127] : memref<81920x128xf32, #tpu.memory_space<hbm>> -> memref<256x128xf32, #tpu.memory_space<hbm>>
      tpu.wait_dma2 semaphore(%run_scoped3A : memref<!tpu.dma_semaphore, #tpu.memory_space<semaphore_mem>>) src(%arg6 : memref<256x128xf32, #tpu.memory_space<vmem>>) dst(%dma_wait3A_128 : memref<256x128xf32, #tpu.memory_space<hbm>>)
      tpu.yield
    }) : () -> ()
    %dma_start3A_37 = arith.constant 768 : i32
    %dma_start3A_38 = tpu.memref_slice %arg5[%dma_start3A_37] : memref<2560xi32, #tpu.memory_space<vmem>> -> memref<256xi32, #tpu.memory_space<vmem>>
    %dma_start3A_39 = arith.constant 0 : i32
    %dma_start3A_40 = arith.constant 0 : i32
    %dma_start3A_41 = tpu.memref_slice %arg2[%dma_start3A_39, %dma_start3A_40] : memref<8192x128xf32, #tpu.memory_space<hbm>> -> memref<8192x128xf32, #tpu.memory_space<hbm>>
    tpu.enqueue_indirect_dma source(%dma_start3A_41 : memref<8192x128xf32, #tpu.memory_space<hbm>>) target(%arg6 : memref<256x128xf32, #tpu.memory_space<vmem>>) offsets(%dma_start3A_38 : memref<256xi32, #tpu.memory_space<vmem>>) semaphore(%arg7 : memref<!tpu.dma_semaphore, #tpu.memory_space<semaphore_mem>>)
    %dma_wait3A_42 = arith.constant 768 : i32
    %dma_wait3A_43 = tpu.memref_slice %arg5[%dma_wait3A_42] : memref<2560xi32, #tpu.memory_space<vmem>> -> memref<256xi32, #tpu.memory_space<vmem>>
    %dma_wait3A_44 = arith.constant 0 : i32
    %dma_wait3A_45 = arith.constant 0 : i32
    %dma_wait3A_46 = tpu.memref_slice %arg2[%dma_wait3A_44, %dma_wait3A_45] : memref<8192x128xf32, #tpu.memory_space<hbm>> -> memref<8192x128xf32, #tpu.memory_space<hbm>>
    tpu.wait_indirect_dma semaphore(%arg7 : memref<!tpu.dma_semaphore, #tpu.memory_space<semaphore_mem>>) src(%dma_wait3A_46 : memref<8192x128xf32, #tpu.memory_space<hbm>>) dst(%arg6 : memref<256x128xf32, #tpu.memory_space<vmem>>)
    %add3A_47 = arith.constant 768 : i32
    %add3A_48 = arith.addi %mul3A_2, %add3A_47 : i32
    "tpu.region"() ({
      %run_scoped3A = tpu.sem_alloc : memref<!tpu.dma_semaphore, #tpu.memory_space<semaphore_mem>>
      %dma_start3A_121 = arith.constant 0 : i32
      %dma_start3A_122 = tpu.memref_slice %arg4[%add3A_48, %dma_start3A_121] : memref<81920x128xf32, #tpu.memory_space<hbm>> -> memref<256x128xf32, #tpu.memory_space<hbm>>
      %dma_start3A_123 = arith.constant 0 : i32
      %dma_start3A_124 = tpu.memref_slice %arg4[%add3A_48, %dma_start3A_123] : memref<81920x128xf32, #tpu.memory_space<hbm>> -> memref<256x128xf32, #tpu.memory_space<hbm>>
      tpu.enqueue_dma source(%arg6 : memref<256x128xf32, #tpu.memory_space<vmem>>) target(%dma_start3A_124 : memref<256x128xf32, #tpu.memory_space<hbm>>) target_semaphore(%run_scoped3A : memref<!tpu.dma_semaphore, #tpu.memory_space<semaphore_mem>>)
      %dma_wait3A_125 = arith.constant 0 : i32
      %dma_wait3A_126 = tpu.memref_slice %arg4[%add3A_48, %dma_wait3A_125] : memref<81920x128xf32, #tpu.memory_space<hbm>> -> memref<256x128xf32, #tpu.memory_space<hbm>>
      %dma_wait3A_127 = arith.constant 0 : i32
      %dma_wait3A_128 = tpu.memref_slice %arg4[%add3A_48, %dma_wait3A_127] : memref<81920x128xf32, #tpu.memory_space<hbm>> -> memref<256x128xf32, #tpu.memory_space<hbm>>
      tpu.wait_dma2 semaphore(%run_scoped3A : memref<!tpu.dma_semaphore, #tpu.memory_space<semaphore_mem>>) src(%arg6 : memref<256x128xf32, #tpu.memory_space<vmem>>) dst(%dma_wait3A_128 : memref<256x128xf32, #tpu.memory_space<hbm>>)
      tpu.yield
    }) : () -> ()
    %dma_start3A_49 = arith.constant 1024 : i32
    %dma_start3A_50 = tpu.memref_slice %arg5[%dma_start3A_49] : memref<2560xi32, #tpu.memory_space<vmem>> -> memref<256xi32, #tpu.memory_space<vmem>>
    %dma_start3A_51 = arith.constant 0 : i32
    %dma_start3A_52 = arith.constant 0 : i32
    %dma_start3A_53 = tpu.memref_slice %arg2[%dma_start3A_51, %dma_start3A_52] : memref<8192x128xf32, #tpu.memory_space<hbm>> -> memref<8192x128xf32, #tpu.memory_space<hbm>>
    tpu.enqueue_indirect_dma source(%dma_start3A_53 : memref<8192x128xf32, #tpu.memory_space<hbm>>) target(%arg6 : memref<256x128xf32, #tpu.memory_space<vmem>>) offsets(%dma_start3A_50 : memref<256xi32, #tpu.memory_space<vmem>>) semaphore(%arg7 : memref<!tpu.dma_semaphore, #tpu.memory_space<semaphore_mem>>)
    %dma_wait3A_54 = arith.constant 1024 : i32
    %dma_wait3A_55 = tpu.memref_slice %arg5[%dma_wait3A_54] : memref<2560xi32, #tpu.memory_space<vmem>> -> memref<256xi32, #tpu.memory_space<vmem>>
    %dma_wait3A_56 = arith.constant 0 : i32
    %dma_wait3A_57 = arith.constant 0 : i32
    %dma_wait3A_58 = tpu.memref_slice %arg2[%dma_wait3A_56, %dma_wait3A_57] : memref<8192x128xf32, #tpu.memory_space<hbm>> -> memref<8192x128xf32, #tpu.memory_space<hbm>>
    tpu.wait_indirect_dma semaphore(%arg7 : memref<!tpu.dma_semaphore, #tpu.memory_space<semaphore_mem>>) src(%dma_wait3A_58 : memref<8192x128xf32, #tpu.memory_space<hbm>>) dst(%arg6 : memref<256x128xf32, #tpu.memory_space<vmem>>)
    %add3A_59 = arith.constant 1024 : i32
    %add3A_60 = arith.addi %mul3A_2, %add3A_59 : i32
    "tpu.region"() ({
      %run_scoped3A = tpu.sem_alloc : memref<!tpu.dma_semaphore, #tpu.memory_space<semaphore_mem>>
      %dma_start3A_121 = arith.constant 0 : i32
      %dma_start3A_122 = tpu.memref_slice %arg4[%add3A_60, %dma_start3A_121] : memref<81920x128xf32, #tpu.memory_space<hbm>> -> memref<256x128xf32, #tpu.memory_space<hbm>>
      %dma_start3A_123 = arith.constant 0 : i32
      %dma_start3A_124 = tpu.memref_slice %arg4[%add3A_60, %dma_start3A_123] : memref<81920x128xf32, #tpu.memory_space<hbm>> -> memref<256x128xf32, #tpu.memory_space<hbm>>
      tpu.enqueue_dma source(%arg6 : memref<256x128xf32, #tpu.memory_space<vmem>>) target(%dma_start3A_124 : memref<256x128xf32, #tpu.memory_space<hbm>>) target_semaphore(%run_scoped3A : memref<!tpu.dma_semaphore, #tpu.memory_space<semaphore_mem>>)
      %dma_wait3A_125 = arith.constant 0 : i32
      %dma_wait3A_126 = tpu.memref_slice %arg4[%add3A_60, %dma_wait3A_125] : memref<81920x128xf32, #tpu.memory_space<hbm>> -> memref<256x128xf32, #tpu.memory_space<hbm>>
      %dma_wait3A_127 = arith.constant 0 : i32
      %dma_wait3A_128 = tpu.memref_slice %arg4[%add3A_60, %dma_wait3A_127] : memref<81920x128xf32, #tpu.memory_space<hbm>> -> memref<256x128xf32, #tpu.memory_space<hbm>>
      tpu.wait_dma2 semaphore(%run_scoped3A : memref<!tpu.dma_semaphore, #tpu.memory_space<semaphore_mem>>) src(%arg6 : memref<256x128xf32, #tpu.memory_space<vmem>>) dst(%dma_wait3A_128 : memref<256x128xf32, #tpu.memory_space<hbm>>)
      tpu.yield
    }) : () -> ()
    %dma_start3A_61 = arith.constant 1280 : i32
    %dma_start3A_62 = tpu.memref_slice %arg5[%dma_start3A_61] : memref<2560xi32, #tpu.memory_space<vmem>> -> memref<256xi32, #tpu.memory_space<vmem>>
    %dma_start3A_63 = arith.constant 0 : i32
    %dma_start3A_64 = arith.constant 0 : i32
    %dma_start3A_65 = tpu.memref_slice %arg2[%dma_start3A_63, %dma_start3A_64] : memref<8192x128xf32, #tpu.memory_space<hbm>> -> memref<8192x128xf32, #tpu.memory_space<hbm>>
    tpu.enqueue_indirect_dma source(%dma_start3A_65 : memref<8192x128xf32, #tpu.memory_space<hbm>>) target(%arg6 : memref<256x128xf32, #tpu.memory_space<vmem>>) offsets(%dma_start3A_62 : memref<256xi32, #tpu.memory_space<vmem>>) semaphore(%arg7 : memref<!tpu.dma_semaphore, #tpu.memory_space<semaphore_mem>>)
    %dma_wait3A_66 = arith.constant 1280 : i32
    %dma_wait3A_67 = tpu.memref_slice %arg5[%dma_wait3A_66] : memref<2560xi32, #tpu.memory_space<vmem>> -> memref<256xi32, #tpu.memory_space<vmem>>
    %dma_wait3A_68 = arith.constant 0 : i32
    %dma_wait3A_69 = arith.constant 0 : i32
    %dma_wait3A_70 = tpu.memref_slice %arg2[%dma_wait3A_68, %dma_wait3A_69] : memref<8192x128xf32, #tpu.memory_space<hbm>> -> memref<8192x128xf32, #tpu.memory_space<hbm>>
    tpu.wait_indirect_dma semaphore(%arg7 : memref<!tpu.dma_semaphore, #tpu.memory_space<semaphore_mem>>) src(%dma_wait3A_70 : memref<8192x128xf32, #tpu.memory_space<hbm>>) dst(%arg6 : memref<256x128xf32, #tpu.memory_space<vmem>>)
    %add3A_71 = arith.constant 1280 : i32
    %add3A_72 = arith.addi %mul3A_2, %add3A_71 : i32
    "tpu.region"() ({
      %run_scoped3A = tpu.sem_alloc : memref<!tpu.dma_semaphore, #tpu.memory_space<semaphore_mem>>
      %dma_start3A_121 = arith.constant 0 : i32
      %dma_start3A_122 = tpu.memref_slice %arg4[%add3A_72, %dma_start3A_121] : memref<81920x128xf32, #tpu.memory_space<hbm>> -> memref<256x128xf32, #tpu.memory_space<hbm>>
      %dma_start3A_123 = arith.constant 0 : i32
      %dma_start3A_124 = tpu.memref_slice %arg4[%add3A_72, %dma_start3A_123] : memref<81920x128xf32, #tpu.memory_space<hbm>> -> memref<256x128xf32, #tpu.memory_space<hbm>>
      tpu.enqueue_dma source(%arg6 : memref<256x128xf32, #tpu.memory_space<vmem>>) target(%dma_start3A_124 : memref<256x128xf32, #tpu.memory_space<hbm>>) target_semaphore(%run_scoped3A : memref<!tpu.dma_semaphore, #tpu.memory_space<semaphore_mem>>)
      %dma_wait3A_125 = arith.constant 0 : i32
      %dma_wait3A_126 = tpu.memref_slice %arg4[%add3A_72, %dma_wait3A_125] : memref<81920x128xf32, #tpu.memory_space<hbm>> -> memref<256x128xf32, #tpu.memory_space<hbm>>
      %dma_wait3A_127 = arith.constant 0 : i32
      %dma_wait3A_128 = tpu.memref_slice %arg4[%add3A_72, %dma_wait3A_127] : memref<81920x128xf32, #tpu.memory_space<hbm>> -> memref<256x128xf32, #tpu.memory_space<hbm>>
      tpu.wait_dma2 semaphore(%run_scoped3A : memref<!tpu.dma_semaphore, #tpu.memory_space<semaphore_mem>>) src(%arg6 : memref<256x128xf32, #tpu.memory_space<vmem>>) dst(%dma_wait3A_128 : memref<256x128xf32, #tpu.memory_space<hbm>>)
      tpu.yield
    }) : () -> ()
    %dma_start3A_73 = arith.constant 1536 : i32
    %dma_start3A_74 = tpu.memref_slice %arg5[%dma_start3A_73] : memref<2560xi32, #tpu.memory_space<vmem>> -> memref<256xi32, #tpu.memory_space<vmem>>
    %dma_start3A_75 = arith.constant 0 : i32
    %dma_start3A_76 = arith.constant 0 : i32
    %dma_start3A_77 = tpu.memref_slice %arg2[%dma_start3A_75, %dma_start3A_76] : memref<8192x128xf32, #tpu.memory_space<hbm>> -> memref<8192x128xf32, #tpu.memory_space<hbm>>
    tpu.enqueue_indirect_dma source(%dma_start3A_77 : memref<8192x128xf32, #tpu.memory_space<hbm>>) target(%arg6 : memref<256x128xf32, #tpu.memory_space<vmem>>) offsets(%dma_start3A_74 : memref<256xi32, #tpu.memory_space<vmem>>) semaphore(%arg7 : memref<!tpu.dma_semaphore, #tpu.memory_space<semaphore_mem>>)
    %dma_wait3A_78 = arith.constant 1536 : i32
    %dma_wait3A_79 = tpu.memref_slice %arg5[%dma_wait3A_78] : memref<2560xi32, #tpu.memory_space<vmem>> -> memref<256xi32, #tpu.memory_space<vmem>>
    %dma_wait3A_80 = arith.constant 0 : i32
    %dma_wait3A_81 = arith.constant 0 : i32
    %dma_wait3A_82 = tpu.memref_slice %arg2[%dma_wait3A_80, %dma_wait3A_81] : memref<8192x128xf32, #tpu.memory_space<hbm>> -> memref<8192x128xf32, #tpu.memory_space<hbm>>
    tpu.wait_indirect_dma semaphore(%arg7 : memref<!tpu.dma_semaphore, #tpu.memory_space<semaphore_mem>>) src(%dma_wait3A_82 : memref<8192x128xf32, #tpu.memory_space<hbm>>) dst(%arg6 : memref<256x128xf32, #tpu.memory_space<vmem>>)
    %add3A_83 = arith.constant 1536 : i32
    %add3A_84 = arith.addi %mul3A_2, %add3A_83 : i32
    "tpu.region"() ({
      %run_scoped3A = tpu.sem_alloc : memref<!tpu.dma_semaphore, #tpu.memory_space<semaphore_mem>>
      %dma_start3A_121 = arith.constant 0 : i32
      %dma_start3A_122 = tpu.memref_slice %arg4[%add3A_84, %dma_start3A_121] : memref<81920x128xf32, #tpu.memory_space<hbm>> -> memref<256x128xf32, #tpu.memory_space<hbm>>
      %dma_start3A_123 = arith.constant 0 : i32
      %dma_start3A_124 = tpu.memref_slice %arg4[%add3A_84, %dma_start3A_123] : memref<81920x128xf32, #tpu.memory_space<hbm>> -> memref<256x128xf32, #tpu.memory_space<hbm>>
      tpu.enqueue_dma source(%arg6 : memref<256x128xf32, #tpu.memory_space<vmem>>) target(%dma_start3A_124 : memref<256x128xf32, #tpu.memory_space<hbm>>) target_semaphore(%run_scoped3A : memref<!tpu.dma_semaphore, #tpu.memory_space<semaphore_mem>>)
      %dma_wait3A_125 = arith.constant 0 : i32
      %dma_wait3A_126 = tpu.memref_slice %arg4[%add3A_84, %dma_wait3A_125] : memref<81920x128xf32, #tpu.memory_space<hbm>> -> memref<256x128xf32, #tpu.memory_space<hbm>>
      %dma_wait3A_127 = arith.constant 0 : i32
      %dma_wait3A_128 = tpu.memref_slice %arg4[%add3A_84, %dma_wait3A_127] : memref<81920x128xf32, #tpu.memory_space<hbm>> -> memref<256x128xf32, #tpu.memory_space<hbm>>
      tpu.wait_dma2 semaphore(%run_scoped3A : memref<!tpu.dma_semaphore, #tpu.memory_space<semaphore_mem>>) src(%arg6 : memref<256x128xf32, #tpu.memory_space<vmem>>) dst(%dma_wait3A_128 : memref<256x128xf32, #tpu.memory_space<hbm>>)
      tpu.yield
    }) : () -> ()
    %dma_start3A_85 = arith.constant 1792 : i32
    %dma_start3A_86 = tpu.memref_slice %arg5[%dma_start3A_85] : memref<2560xi32, #tpu.memory_space<vmem>> -> memref<256xi32, #tpu.memory_space<vmem>>
    %dma_start3A_87 = arith.constant 0 : i32
    %dma_start3A_88 = arith.constant 0 : i32
    %dma_start3A_89 = tpu.memref_slice %arg2[%dma_start3A_87, %dma_start3A_88] : memref<8192x128xf32, #tpu.memory_space<hbm>> -> memref<8192x128xf32, #tpu.memory_space<hbm>>
    tpu.enqueue_indirect_dma source(%dma_start3A_89 : memref<8192x128xf32, #tpu.memory_space<hbm>>) target(%arg6 : memref<256x128xf32, #tpu.memory_space<vmem>>) offsets(%dma_start3A_86 : memref<256xi32, #tpu.memory_space<vmem>>) semaphore(%arg7 : memref<!tpu.dma_semaphore, #tpu.memory_space<semaphore_mem>>)
    %dma_wait3A_90 = arith.constant 1792 : i32
    %dma_wait3A_91 = tpu.memref_slice %arg5[%dma_wait3A_90] : memref<2560xi32, #tpu.memory_space<vmem>> -> memref<256xi32, #tpu.memory_space<vmem>>
    %dma_wait3A_92 = arith.constant 0 : i32
    %dma_wait3A_93 = arith.constant 0 : i32
    %dma_wait3A_94 = tpu.memref_slice %arg2[%dma_wait3A_92, %dma_wait3A_93] : memref<8192x128xf32, #tpu.memory_space<hbm>> -> memref<8192x128xf32, #tpu.memory_space<hbm>>
    tpu.wait_indirect_dma semaphore(%arg7 : memref<!tpu.dma_semaphore, #tpu.memory_space<semaphore_mem>>) src(%dma_wait3A_94 : memref<8192x128xf32, #tpu.memory_space<hbm>>) dst(%arg6 : memref<256x128xf32, #tpu.memory_space<vmem>>)
    %add3A_95 = arith.constant 1792 : i32
    %add3A_96 = arith.addi %mul3A_2, %add3A_95 : i32
    "tpu.region"() ({
      %run_scoped3A = tpu.sem_alloc : memref<!tpu.dma_semaphore, #tpu.memory_space<semaphore_mem>>
      %dma_start3A_121 = arith.constant 0 : i32
      %dma_start3A_122 = tpu.memref_slice %arg4[%add3A_96, %dma_start3A_121] : memref<81920x128xf32, #tpu.memory_space<hbm>> -> memref<256x128xf32, #tpu.memory_space<hbm>>
      %dma_start3A_123 = arith.constant 0 : i32
      %dma_start3A_124 = tpu.memref_slice %arg4[%add3A_96, %dma_start3A_123] : memref<81920x128xf32, #tpu.memory_space<hbm>> -> memref<256x128xf32, #tpu.memory_space<hbm>>
      tpu.enqueue_dma source(%arg6 : memref<256x128xf32, #tpu.memory_space<vmem>>) target(%dma_start3A_124 : memref<256x128xf32, #tpu.memory_space<hbm>>) target_semaphore(%run_scoped3A : memref<!tpu.dma_semaphore, #tpu.memory_space<semaphore_mem>>)
      %dma_wait3A_125 = arith.constant 0 : i32
      %dma_wait3A_126 = tpu.memref_slice %arg4[%add3A_96, %dma_wait3A_125] : memref<81920x128xf32, #tpu.memory_space<hbm>> -> memref<256x128xf32, #tpu.memory_space<hbm>>
      %dma_wait3A_127 = arith.constant 0 : i32
      %dma_wait3A_128 = tpu.memref_slice %arg4[%add3A_96, %dma_wait3A_127] : memref<81920x128xf32, #tpu.memory_space<hbm>> -> memref<256x128xf32, #tpu.memory_space<hbm>>
      tpu.wait_dma2 semaphore(%run_scoped3A : memref<!tpu.dma_semaphore, #tpu.memory_space<semaphore_mem>>) src(%arg6 : memref<256x128xf32, #tpu.memory_space<vmem>>) dst(%dma_wait3A_128 : memref<256x128xf32, #tpu.memory_space<hbm>>)
      tpu.yield
    }) : () -> ()
    %dma_start3A_97 = arith.constant 2048 : i32
    %dma_start3A_98 = tpu.memref_slice %arg5[%dma_start3A_97] : memref<2560xi32, #tpu.memory_space<vmem>> -> memref<256xi32, #tpu.memory_space<vmem>>
    %dma_start3A_99 = arith.constant 0 : i32
    %dma_start3A_100 = arith.constant 0 : i32
    %dma_start3A_101 = tpu.memref_slice %arg2[%dma_start3A_99, %dma_start3A_100] : memref<8192x128xf32, #tpu.memory_space<hbm>> -> memref<8192x128xf32, #tpu.memory_space<hbm>>
    tpu.enqueue_indirect_dma source(%dma_start3A_101 : memref<8192x128xf32, #tpu.memory_space<hbm>>) target(%arg6 : memref<256x128xf32, #tpu.memory_space<vmem>>) offsets(%dma_start3A_98 : memref<256xi32, #tpu.memory_space<vmem>>) semaphore(%arg7 : memref<!tpu.dma_semaphore, #tpu.memory_space<semaphore_mem>>)
    %dma_wait3A_102 = arith.constant 2048 : i32
    %dma_wait3A_103 = tpu.memref_slice %arg5[%dma_wait3A_102] : memref<2560xi32, #tpu.memory_space<vmem>> -> memref<256xi32, #tpu.memory_space<vmem>>
    %dma_wait3A_104 = arith.constant 0 : i32
    %dma_wait3A_105 = arith.constant 0 : i32
    %dma_wait3A_106 = tpu.memref_slice %arg2[%dma_wait3A_104, %dma_wait3A_105] : memref<8192x128xf32, #tpu.memory_space<hbm>> -> memref<8192x128xf32, #tpu.memory_space<hbm>>
    tpu.wait_indirect_dma semaphore(%arg7 : memref<!tpu.dma_semaphore, #tpu.memory_space<semaphore_mem>>) src(%dma_wait3A_106 : memref<8192x128xf32, #tpu.memory_space<hbm>>) dst(%arg6 : memref<256x128xf32, #tpu.memory_space<vmem>>)
    %add3A_107 = arith.constant 2048 : i32
    %add3A_108 = arith.addi %mul3A_2, %add3A_107 : i32
    "tpu.region"() ({
      %run_scoped3A = tpu.sem_alloc : memref<!tpu.dma_semaphore, #tpu.memory_space<semaphore_mem>>
      %dma_start3A_121 = arith.constant 0 : i32
      %dma_start3A_122 = tpu.memref_slice %arg4[%add3A_108, %dma_start3A_121] : memref<81920x128xf32, #tpu.memory_space<hbm>> -> memref<256x128xf32, #tpu.memory_space<hbm>>
      %dma_start3A_123 = arith.constant 0 : i32
      %dma_start3A_124 = tpu.memref_slice %arg4[%add3A_108, %dma_start3A_123] : memref<81920x128xf32, #tpu.memory_space<hbm>> -> memref<256x128xf32, #tpu.memory_space<hbm>>
      tpu.enqueue_dma source(%arg6 : memref<256x128xf32, #tpu.memory_space<vmem>>) target(%dma_start3A_124 : memref<256x128xf32, #tpu.memory_space<hbm>>) target_semaphore(%run_scoped3A : memref<!tpu.dma_semaphore, #tpu.memory_space<semaphore_mem>>)
      %dma_wait3A_125 = arith.constant 0 : i32
      %dma_wait3A_126 = tpu.memref_slice %arg4[%add3A_108, %dma_wait3A_125] : memref<81920x128xf32, #tpu.memory_space<hbm>> -> memref<256x128xf32, #tpu.memory_space<hbm>>
      %dma_wait3A_127 = arith.constant 0 : i32
      %dma_wait3A_128 = tpu.memref_slice %arg4[%add3A_108, %dma_wait3A_127] : memref<81920x128xf32, #tpu.memory_space<hbm>> -> memref<256x128xf32, #tpu.memory_space<hbm>>
      tpu.wait_dma2 semaphore(%run_scoped3A : memref<!tpu.dma_semaphore, #tpu.memory_space<semaphore_mem>>) src(%arg6 : memref<256x128xf32, #tpu.memory_space<vmem>>) dst(%dma_wait3A_128 : memref<256x128xf32, #tpu.memory_space<hbm>>)
      tpu.yield
    }) : () -> ()
    %dma_start3A_109 = arith.constant 2304 : i32
    %dma_start3A_110 = tpu.memref_slice %arg5[%dma_start3A_109] : memref<2560xi32, #tpu.memory_space<vmem>> -> memref<256xi32, #tpu.memory_space<vmem>>
    %dma_start3A_111 = arith.constant 0 : i32
    %dma_start3A_112 = arith.constant 0 : i32
    %dma_start3A_113 = tpu.memref_slice %arg2[%dma_start3A_111, %dma_start3A_112] : memref<8192x128xf32, #tpu.memory_space<hbm>> -> memref<8192x128xf32, #tpu.memory_space<hbm>>
    tpu.enqueue_indirect_dma source(%dma_start3A_113 : memref<8192x128xf32, #tpu.memory_space<hbm>>) target(%arg6 : memref<256x128xf32, #tpu.memory_space<vmem>>) offsets(%dma_start3A_110 : memref<256xi32, #tpu.memory_space<vmem>>) semaphore(%arg7 : memref<!tpu.dma_semaphore, #tpu.memory_space<semaphore_mem>>)
    %dma_wait3A_114 = arith.constant 2304 : i32
    %dma_wait3A_115 = tpu.memref_slice %arg5[%dma_wait3A_114] : memref<2560xi32, #tpu.memory_space<vmem>> -> memref<256xi32, #tpu.memory_space<vmem>>
    %dma_wait3A_116 = arith.constant 0 : i32
    %dma_wait3A_117 = arith.constant 0 : i32
    %dma_wait3A_118 = tpu.memref_slice %arg2[%dma_wait3A_116, %dma_wait3A_117] : memref<8192x128xf32, #tpu.memory_space<hbm>> -> memref<8192x128xf32, #tpu.memory_space<hbm>>
    tpu.wait_indirect_dma semaphore(%arg7 : memref<!tpu.dma_semaphore, #tpu.memory_space<semaphore_mem>>) src(%dma_wait3A_118 : memref<8192x128xf32, #tpu.memory_space<hbm>>) dst(%arg6 : memref<256x128xf32, #tpu.memory_space<vmem>>)
    %add3A_119 = arith.constant 2304 : i32
    %add3A_120 = arith.addi %mul3A_2, %add3A_119 : i32
    "tpu.region"() ({
      %run_scoped3A = tpu.sem_alloc : memref<!tpu.dma_semaphore, #tpu.memory_space<semaphore_mem>>
      %dma_start3A_121 = arith.constant 0 : i32
      %dma_start3A_122 = tpu.memref_slice %arg4[%add3A_120, %dma_start3A_121] : memref<81920x128xf32, #tpu.memory_space<hbm>> -> memref<256x128xf32, #tpu.memory_space<hbm>>
      %dma_start3A_123 = arith.constant 0 : i32
      %dma_start3A_124 = tpu.memref_slice %arg4[%add3A_120, %dma_start3A_123] : memref<81920x128xf32, #tpu.memory_space<hbm>> -> memref<256x128xf32, #tpu.memory_space<hbm>>
      tpu.enqueue_dma source(%arg6 : memref<256x128xf32, #tpu.memory_space<vmem>>) target(%dma_start3A_124 : memref<256x128xf32, #tpu.memory_space<hbm>>) target_semaphore(%run_scoped3A : memref<!tpu.dma_semaphore, #tpu.memory_space<semaphore_mem>>)
      %dma_wait3A_125 = arith.constant 0 : i32
      %dma_wait3A_126 = tpu.memref_slice %arg4[%add3A_120, %dma_wait3A_125] : memref<81920x128xf32, #tpu.memory_space<hbm>> -> memref<256x128xf32, #tpu.memory_space<hbm>>
      %dma_wait3A_127 = arith.constant 0 : i32
      %dma_wait3A_128 = tpu.memref_slice %arg4[%add3A_120, %dma_wait3A_127] : memref<81920x128xf32, #tpu.memory_space<hbm>> -> memref<256x128xf32, #tpu.memory_space<hbm>>
      tpu.wait_dma2 semaphore(%run_scoped3A : memref<!tpu.dma_semaphore, #tpu.memory_space<semaphore_mem>>) src(%arg6 : memref<256x128xf32, #tpu.memory_space<vmem>>) dst(%dma_wait3A_128 : memref<256x128xf32, #tpu.memory_space<hbm>>)
      tpu.yield
    }) : () -> ()
    return
  }
}

module attributes {stable_mosaic.version = 14 : i64} {
  func.func @_pc1c_body(%arg0: i32, %arg1: memref<1x1024x128xf32, #tpu.memory_space<vmem>>, %arg2: memref<1x32x128xf32, #tpu.memory_space<vmem>>, %arg3: memref<128x256xf32, #tpu.memory_space<vmem>>, %arg4: memref<128x256xf32, #tpu.memory_space<vmem>>, %arg5: memref<1x256xf32, #tpu.memory_space<vmem>>, %arg6: memref<1x1024x256xf32, #tpu.memory_space<vmem>>) attributes {dimension_semantics = [#tpu.dimension_semantics<arbitrary>], iteration_bounds = array<i64: 8>, scalar_prefetch = 0 : i64, scratch_operands = 0 : i64, tpu.core_type = #tpu.core_type<tc>, window_params = [{transform_indices = @transform_0, window_bounds = array<i64: 1, 1024, 128>}, {transform_indices = @transform_1, window_bounds = array<i64: 1, 32, 128>}, {pipeline_mode = #tpu.pipeline_mode<synchronous>, transform_indices = @transform_2, window_bounds = array<i64: 128, 256>}, {pipeline_mode = #tpu.pipeline_mode<synchronous>, transform_indices = @transform_3, window_bounds = array<i64: 128, 256>}, {pipeline_mode = #tpu.pipeline_mode<synchronous>, transform_indices = @transform_4, window_bounds = array<i64: 1, 256>}, {transform_indices = @transform_5, window_bounds = array<i64: 1, 1024, 256>}]} {
    %get3A = arith.constant 0 : index
    %get3A_0 = arith.constant 0 : index
    %get3A_1 = arith.constant 0 : index
    %get3A_2 = vector.load %arg1[%get3A, %get3A_0, %get3A_1] : memref<1x1024x128xf32, #tpu.memory_space<vmem>>, vector<1x1024x128xf32>
    %reshape3A = vector.shape_cast %get3A_2 : vector<1x1024x128xf32> to vector<1024x128xf32>
    %get3A_3 = arith.constant 0 : index
    %get3A_4 = arith.constant 0 : index
    %get3A_5 = arith.constant 0 : index
    %get3A_6 = vector.load %arg2[%get3A_3, %get3A_4, %get3A_5] : memref<1x32x128xf32, #tpu.memory_space<vmem>>, vector<1x32x128xf32>
    %reshape3A_7 = vector.shape_cast %get3A_6 : vector<1x32x128xf32> to vector<32x1x128xf32>
    %broadcast_in_dim3A = vector.shape_cast %reshape3A_7 : vector<32x1x128xf32> to vector<32x1x128xf32>
    %broadcast_in_dim3A_8 = vector.broadcast %broadcast_in_dim3A : vector<32x1x128xf32> to vector<32x32x128xf32>
    %reshape3A_9 = vector.shape_cast %broadcast_in_dim3A_8 : vector<32x32x128xf32> to vector<1024x128xf32>
    %get3A_10 = arith.constant 0 : index
    %get3A_11 = arith.constant 0 : index
    %get3A_12 = vector.load %arg3[%get3A_10, %get3A_11] : memref<128x256xf32, #tpu.memory_space<vmem>>, vector<128x256xf32>
    %dot_general3A = arith.constant dense<0.000000e+00> : vector<1024x256xf32>
    %dot_general3A_13 = tpu.matmul %reshape3A, %get3A_12, %dot_general3A {dimension_numbers = #tpu.dot_dimension_numbers<[1], [0], [0], [1], [0, 0, 1, 1], [], []>, precision = #tpu.contract_precision<fp32>, transpose_lhs_hint = false} : vector<1024x128xf32>, vector<128x256xf32>, vector<1024x256xf32> -> vector<1024x256xf32>
    %get3A_14 = arith.constant 0 : index
    %get3A_15 = arith.constant 0 : index
    %get3A_16 = vector.load %arg4[%get3A_14, %get3A_15] : memref<128x256xf32, #tpu.memory_space<vmem>>, vector<128x256xf32>
    %dot_general3A_17 = arith.constant dense<0.000000e+00> : vector<1024x256xf32>
    %dot_general3A_18 = tpu.matmul %reshape3A_9, %get3A_16, %dot_general3A_17 {dimension_numbers = #tpu.dot_dimension_numbers<[1], [0], [0], [1], [0, 0, 1, 1], [], []>, precision = #tpu.contract_precision<fp32>, transpose_lhs_hint = false} : vector<1024x128xf32>, vector<128x256xf32>, vector<1024x256xf32> -> vector<1024x256xf32>
    %add3A = arith.addf %dot_general3A_13, %dot_general3A_18 : vector<1024x256xf32>
    %get3A_19 = arith.constant 0 : index
    %get3A_20 = arith.constant 0 : index
    %get3A_21 = vector.load %arg5[%get3A_19, %get3A_20] : memref<1x256xf32, #tpu.memory_space<vmem>>, vector<1x256xf32>
    %add3A_22 = vector.broadcast %get3A_21 : vector<1x256xf32> to vector<1024x256xf32>
    %add3A_23 = arith.addf %add3A, %add3A_22 : vector<1024x256xf32>
    %reshape3A_24 = vector.shape_cast %add3A_23 : vector<1024x256xf32> to vector<1x1024x256xf32>
    %swap3A = arith.constant 0 : index
    %swap3A_25 = arith.constant 0 : index
    %swap3A_26 = arith.constant 0 : index
    %swap3A_27 = vector.load %arg6[%swap3A, %swap3A_25, %swap3A_26] : memref<1x1024x256xf32, #tpu.memory_space<vmem>>, vector<1x1024x256xf32>
    tpu.vector_store %arg6[%swap3A, %swap3A_25, %swap3A_26], %reshape3A_24 {strides = array<i32>} : memref<1x1024x256xf32, #tpu.memory_space<vmem>>, vector<1x1024x256xf32>,
    return
  }
  func.func @transform_0(%arg0: i32) -> (i32, i32, i32) {
    %c0_i32 = arith.constant 0 : i32
    %c0_i32_0 = arith.constant 0 : i32
    %c0_i32_1 = arith.constant 0 : i32
    return %arg0, %c0_i32, %c0_i32_0 : i32, i32, i32
  }
  func.func @transform_1(%arg0: i32) -> (i32, i32, i32) {
    %c0_i32 = arith.constant 0 : i32
    %c0_i32_0 = arith.constant 0 : i32
    %c0_i32_1 = arith.constant 0 : i32
    return %arg0, %c0_i32, %c0_i32_0 : i32, i32, i32
  }
  func.func @transform_2(%arg0: i32) -> (i32, i32) {
    %c0_i32 = arith.constant 0 : i32
    %c0_i32_0 = arith.constant 0 : i32
    %c0_i32_1 = arith.constant 0 : i32
    return %c0_i32, %c0_i32_0 : i32, i32
  }
  func.func @transform_3(%arg0: i32) -> (i32, i32) {
    %c0_i32 = arith.constant 0 : i32
    %c0_i32_0 = arith.constant 0 : i32
    %c0_i32_1 = arith.constant 0 : i32
    return %c0_i32, %c0_i32_0 : i32, i32
  }
  func.func @transform_4(%arg0: i32) -> (i32, i32) {
    %c0_i32 = arith.constant 0 : i32
    %c0_i32_0 = arith.constant 0 : i32
    %c0_i32_1 = arith.constant 0 : i32
    return %c0_i32, %c0_i32_0 : i32, i32
  }
  func.func @transform_5(%arg0: i32) -> (i32, i32, i32) {
    %c0_i32 = arith.constant 0 : i32
    %c0_i32_0 = arith.constant 0 : i32
    %c0_i32_1 = arith.constant 0 : i32
    return %arg0, %c0_i32, %c0_i32_0 : i32, i32, i32
  }
}

module attributes {stable_mosaic.version = 14 : i64} {
  func.func @_bnstats_body(%arg0: memref<8192x256xf32, #tpu.memory_space<vmem>>, %arg1: memref<1x256xf32, #tpu.memory_space<vmem>>, %arg2: memref<1x256xf32, #tpu.memory_space<vmem>>) attributes {dimension_semantics = [], scalar_prefetch = 0 : i64, scratch_operands = 0 : i64, tpu.core_type = #tpu.core_type<tc>} {
    %get3A = arith.constant 0 : index
    %get3A_0 = arith.constant 0 : index
    %get3A_1 = vector.load %arg0[%get3A, %get3A_0] : memref<8192x256xf32, #tpu.memory_space<vmem>>, vector<8192x256xf32>
    %reduce_sum3A = arith.constant dense<0.000000e+00> : vector<256xf32>
    %reduce_sum3A_2 = vector.multi_reduction <add>, %get3A_1, %reduce_sum3A [0] : vector<8192x256xf32> to vector<256xf32>
    %broadcast_in_dim3A = vector.shape_cast %reduce_sum3A_2 : vector<256xf32> to vector<1x256xf32>
    %div3A = arith.constant 8.192000e+03 : f32
    %div3A_3 = vector.broadcast %div3A : f32 to vector<1x256xf32>
    %div3A_4 = arith.divf %broadcast_in_dim3A, %div3A_3 : vector<1x256xf32>
    %swap3A = arith.constant 0 : index
    %swap3A_5 = arith.constant 0 : index
    %swap3A_6 = vector.load %arg1[%swap3A, %swap3A_5] : memref<1x256xf32, #tpu.memory_space<vmem>>, vector<1x256xf32>
    tpu.vector_store %arg1[%swap3A, %swap3A_5], %div3A_4 {strides = array<i32>} : memref<1x256xf32, #tpu.memory_space<vmem>>, vector<1x256xf32>,
    %sub3A = vector.broadcast %div3A_4 : vector<1x256xf32> to vector<8192x256xf32>
    %sub3A_7 = arith.subf %get3A_1, %sub3A : vector<8192x256xf32>
    %sub3A_8 = vector.broadcast %div3A_4 : vector<1x256xf32> to vector<8192x256xf32>
    %sub3A_9 = arith.subf %get3A_1, %sub3A_8 : vector<8192x256xf32>
    %mul3A = arith.mulf %sub3A_7, %sub3A_9 : vector<8192x256xf32>
    %reduce_sum3A_10 = arith.constant dense<0.000000e+00> : vector<256xf32>
    %reduce_sum3A_11 = vector.multi_reduction <add>, %mul3A, %reduce_sum3A_10 [0] : vector<8192x256xf32> to vector<256xf32>
    %broadcast_in_dim3A_12 = vector.shape_cast %reduce_sum3A_11 : vector<256xf32> to vector<1x256xf32>
    %div3A_13 = arith.constant 8.192000e+03 : f32
    %div3A_14 = vector.broadcast %div3A_13 : f32 to vector<1x256xf32>
    %div3A_15 = arith.divf %broadcast_in_dim3A_12, %div3A_14 : vector<1x256xf32>
    %swap3A_16 = arith.constant 0 : index
    %swap3A_17 = arith.constant 0 : index
    %swap3A_18 = vector.load %arg2[%swap3A_16, %swap3A_17] : memref<1x256xf32, #tpu.memory_space<vmem>>, vector<1x256xf32>
    tpu.vector_store %arg2[%swap3A_16, %swap3A_17], %div3A_15 {strides = array<i32>} : memref<1x256xf32, #tpu.memory_space<vmem>>, vector<1x256xf32>,
    return
  }
}

module attributes {stable_mosaic.version = 14 : i64} {
  func.func @_pc1d_body(%arg0: i32, %arg1: memref<1x1024x256xf32, #tpu.memory_space<vmem>>, %arg2: memref<1x256xf32, #tpu.memory_space<vmem>>, %arg3: memref<1x256xf32, #tpu.memory_space<vmem>>, %arg4: memref<1x256xf32, #tpu.memory_space<vmem>>, %arg5: memref<1x256xf32, #tpu.memory_space<vmem>>, %arg6: memref<1x1024x3xf32, #tpu.memory_space<vmem>>, %arg7: memref<256x128xf32, #tpu.memory_space<vmem>>, %arg8: memref<256x128xf32, #tpu.memory_space<vmem>>, %arg9: memref<3x128xf32, #tpu.memory_space<vmem>>, %arg10: memref<3x1xf32, #tpu.memory_space<vmem>>, %arg11: memref<1x128xf32, #tpu.memory_space<vmem>>, %arg12: memref<1x1024x128xf32, #tpu.memory_space<vmem>>, %arg13: memref<1x1024x128xf32, #tpu.memory_space<vmem>>, %arg14: memref<1x1024x8xf32, #tpu.memory_space<vmem>>) attributes {dimension_semantics = [#tpu.dimension_semantics<arbitrary>], iteration_bounds = array<i64: 8>, scalar_prefetch = 0 : i64, scratch_operands = 0 : i64, tpu.core_type = #tpu.core_type<tc>, window_params = [{transform_indices = @transform_0, window_bounds = array<i64: 1, 1024, 256>}, {pipeline_mode = #tpu.pipeline_mode<synchronous>, transform_indices = @transform_1, window_bounds = array<i64: 1, 256>}, {pipeline_mode = #tpu.pipeline_mode<synchronous>, transform_indices = @transform_2, window_bounds = array<i64: 1, 256>}, {pipeline_mode = #tpu.pipeline_mode<synchronous>, transform_indices = @transform_3, window_bounds = array<i64: 1, 256>}, {pipeline_mode = #tpu.pipeline_mode<synchronous>, transform_indices = @transform_4, window_bounds = array<i64: 1, 256>}, {transform_indices = @transform_5, window_bounds = array<i64: 1, 1024, 3>}, {pipeline_mode = #tpu.pipeline_mode<synchronous>, transform_indices = @transform_6, window_bounds = array<i64: 256, 128>}, {pipeline_mode = #tpu.pipeline_mode<synchronous>, transform_indices = @transform_7, window_bounds = array<i64: 256, 128>}, {pipeline_mode = #tpu.pipeline_mode<synchronous>, transform_indices = @transform_8, window_bounds = array<i64: 3, 128>}, {pipeline_mode = #tpu.pipeline_mode<synchronous>, transform_indices = @transform_9, window_bounds = array<i64: 3, 1>}, {pipeline_mode = #tpu.pipeline_mode<synchronous>, transform_indices = @transform_10, window_bounds = array<i64: 1, 128>}, {transform_indices = @transform_11, window_bounds = array<i64: 1, 1024, 128>}, {transform_indices = @transform_12, window_bounds = array<i64: 1, 1024, 128>}, {transform_indices = @transform_13, window_bounds = array<i64: 1, 1024, 8>}]} {
    %get3A = arith.constant 0 : index
    %get3A_0 = arith.constant 0 : index
    %get3A_1 = arith.constant 0 : index
    %get3A_2 = vector.load %arg1[%get3A, %get3A_0, %get3A_1] : memref<1x1024x256xf32, #tpu.memory_space<vmem>>, vector<1x1024x256xf32>
    %reshape3A = vector.shape_cast %get3A_2 : vector<1x1024x256xf32> to vector<1024x256xf32>
    %get3A_3 = arith.constant 0 : index
    %get3A_4 = arith.constant 0 : index
    %get3A_5 = vector.load %arg2[%get3A_3, %get3A_4] : memref<1x256xf32, #tpu.memory_space<vmem>>, vector<1x256xf32>
    %sub3A = vector.broadcast %get3A_5 : vector<1x256xf32> to vector<1024x256xf32>
    %sub3A_6 = arith.subf %reshape3A, %sub3A : vector<1024x256xf32>
    %get3A_7 = arith.constant 0 : index
    %get3A_8 = arith.constant 0 : index
    %get3A_9 = vector.load %arg3[%get3A_7, %get3A_8] : memref<1x256xf32, #tpu.memory_space<vmem>>, vector<1x256xf32>
    %add3A = arith.constant 9.99999974E-6 : f32
    %add3A_10 = vector.broadcast %add3A : f32 to vector<1x256xf32>
    %add3A_11 = arith.addf %get3A_9, %add3A_10 : vector<1x256xf32>
    %sqrt3A = math.sqrt %add3A_11 : vector<1x256xf32>
    %div3A = vector.broadcast %sqrt3A : vector<1x256xf32> to vector<1024x256xf32>
    %div3A_12 = arith.divf %sub3A_6, %div3A : vector<1024x256xf32>
    %get3A_13 = arith.constant 0 : index
    %get3A_14 = arith.constant 0 : index
    %get3A_15 = vector.load %arg4[%get3A_13, %get3A_14] : memref<1x256xf32, #tpu.memory_space<vmem>>, vector<1x256xf32>
    %mul3A = vector.broadcast %get3A_15 : vector<1x256xf32> to vector<1024x256xf32>
    %mul3A_16 = arith.mulf %div3A_12, %mul3A : vector<1024x256xf32>
    %get3A_17 = arith.constant 0 : index
    %get3A_18 = arith.constant 0 : index
    %get3A_19 = vector.load %arg5[%get3A_17, %get3A_18] : memref<1x256xf32, #tpu.memory_space<vmem>>, vector<1x256xf32>
    %add3A_20 = vector.broadcast %get3A_19 : vector<1x256xf32> to vector<1024x256xf32>
    %add3A_21 = arith.addf %mul3A_16, %add3A_20 : vector<1024x256xf32>
    %logistic3A = arith.negf %add3A_21 : vector<1024x256xf32>
    %logistic3A_22 = math.exp %logistic3A : vector<1024x256xf32>
    %logistic3A_23 = arith.constant 1.000000e+00 : f32
    %logistic3A_24 = vector.broadcast %logistic3A_23 : f32 to vector<1024x256xf32>
    %logistic3A_25 = arith.addf %logistic3A_24, %logistic3A_22 : vector<1024x256xf32>
    %logistic3A_26 = arith.divf %logistic3A_24, %logistic3A_25 : vector<1024x256xf32>
    %mul3A_27 = arith.mulf %add3A_21, %logistic3A_26 : vector<1024x256xf32>
    %get3A_28 = arith.constant 0 : index
    %get3A_29 = arith.constant 0 : index
    %get3A_30 = arith.constant 0 : index
    %get3A_31 = vector.load %arg6[%get3A_28, %get3A_29, %get3A_30] : memref<1x1024x3xf32, #tpu.memory_space<vmem>>, vector<1x1024x3xf32>
    %reshape3A_32 = vector.shape_cast %get3A_31 : vector<1x1024x3xf32> to vector<1024x3xf32>
    %get3A_33 = arith.constant 0 : index
    %get3A_34 = arith.constant 0 : index
    %get3A_35 = vector.load %arg9[%get3A_33, %get3A_34] : memref<3x128xf32, #tpu.memory_space<vmem>>, vector<3x128xf32>
    %dot_general3A = arith.constant dense<0.000000e+00> : vector<1024x128xf32>
    %dot_general3A_36 = tpu.matmul %reshape3A_32, %get3A_35, %dot_general3A {dimension_numbers = #tpu.dot_dimension_numbers<[1], [0], [0], [1], [0, 0, 1, 1], [], []>, precision = #tpu.contract_precision<fp32>, transpose_lhs_hint = false} : vector<1024x3xf32>, vector<3x128xf32>, vector<1024x128xf32> -> vector<1024x128xf32>
    %get3A_37 = arith.constant 0 : index
    %get3A_38 = arith.constant 0 : index
    %get3A_39 = vector.load %arg7[%get3A_37, %get3A_38] : memref<256x128xf32, #tpu.memory_space<vmem>>, vector<256x128xf32>
    %dot_general3A_40 = arith.constant dense<0.000000e+00> : vector<1024x128xf32>
    %dot_general3A_41 = tpu.matmul %mul3A_27, %get3A_39, %dot_general3A_40 {dimension_numbers = #tpu.dot_dimension_numbers<[1], [0], [0], [1], [0, 0, 1, 1], [], []>, precision = #tpu.contract_precision<fp32>, transpose_lhs_hint = false} : vector<1024x256xf32>, vector<256x128xf32>, vector<1024x128xf32> -> vector<1024x128xf32>
    %get3A_42 = arith.constant 0 : index
    %get3A_43 = arith.constant 0 : index
    %get3A_44 = vector.load %arg11[%get3A_42, %get3A_43] : memref<1x128xf32, #tpu.memory_space<vmem>>, vector<1x128xf32>
    %add3A_45 = vector.broadcast %get3A_44 : vector<1x128xf32> to vector<1024x128xf32>
    %add3A_46 = arith.addf %dot_general3A_41, %add3A_45 : vector<1024x128xf32>
    %sub3A_47 = arith.subf %add3A_46, %dot_general3A_36 : vector<1024x128xf32>
    %reshape3A_48 = vector.shape_cast %sub3A_47 : vector<1024x128xf32> to vector<1x1024x128xf32>
    %swap3A = arith.constant 0 : index
    %swap3A_49 = arith.constant 0 : index
    %swap3A_50 = arith.constant 0 : index
    %swap3A_51 = vector.load %arg12[%swap3A, %swap3A_49, %swap3A_50] : memref<1x1024x128xf32, #tpu.memory_space<vmem>>, vector<1x1024x128xf32>
    tpu.vector_store %arg12[%swap3A, %swap3A_49, %swap3A_50], %reshape3A_48 {strides = array<i32>} : memref<1x1024x128xf32, #tpu.memory_space<vmem>>, vector<1x1024x128xf32>,
    %get3A_52 = arith.constant 0 : index
    %get3A_53 = arith.constant 0 : index
    %get3A_54 = vector.load %arg8[%get3A_52, %get3A_53] : memref<256x128xf32, #tpu.memory_space<vmem>>, vector<256x128xf32>
    %dot_general3A_55 = arith.constant dense<0.000000e+00> : vector<1024x128xf32>
    %dot_general3A_56 = tpu.matmul %mul3A_27, %get3A_54, %dot_general3A_55 {dimension_numbers = #tpu.dot_dimension_numbers<[1], [0], [0], [1], [0, 0, 1, 1], [], []>, precision = #tpu.contract_precision<fp32>, transpose_lhs_hint = false} : vector<1024x256xf32>, vector<256x128xf32>, vector<1024x128xf32> -> vector<1024x128xf32>
    %add3A_57 = arith.addf %dot_general3A_56, %dot_general3A_36 : vector<1024x128xf32>
    %reshape3A_58 = vector.shape_cast %add3A_57 : vector<1024x128xf32> to vector<1x1024x128xf32>
    %swap3A_59 = arith.constant 0 : index
    %swap3A_60 = arith.constant 0 : index
    %swap3A_61 = arith.constant 0 : index
    %swap3A_62 = vector.load %arg13[%swap3A_59, %swap3A_60, %swap3A_61] : memref<1x1024x128xf32, #tpu.memory_space<vmem>>, vector<1x1024x128xf32>
    tpu.vector_store %arg13[%swap3A_59, %swap3A_60, %swap3A_61], %reshape3A_58 {strides = array<i32>} : memref<1x1024x128xf32, #tpu.memory_space<vmem>>, vector<1x1024x128xf32>,
    %get3A_63 = arith.constant 0 : index
    %get3A_64 = arith.constant 0 : index
    %get3A_65 = vector.load %arg10[%get3A_63, %get3A_64] : memref<3x1xf32, #tpu.memory_space<vmem>>, vector<3x1xf32>
    %dot_general3A_66 = arith.constant dense<0.000000e+00> : vector<1024x1xf32>
    %dot_general3A_67 = tpu.matmul %reshape3A_32, %get3A_65, %dot_general3A_66 {dimension_numbers = #tpu.dot_dimension_numbers<[1], [0], [0], [1], [0, 0, 1, 1], [], []>, precision = #tpu.contract_precision<fp32>, transpose_lhs_hint = false} : vector<1024x3xf32>, vector<3x1xf32>, vector<1024x1xf32> -> vector<1024x1xf32>
    %broadcast_in_dim3A = vector.shape_cast %dot_general3A_67 : vector<1024x1xf32> to vector<1024x1xf32>
    %broadcast_in_dim3A_68 = vector.broadcast %broadcast_in_dim3A : vector<1024x1xf32> to vector<1024x8xf32>
    %reshape3A_69 = vector.shape_cast %broadcast_in_dim3A_68 : vector<1024x8xf32> to vector<1x1024x8xf32>
    %swap3A_70 = arith.constant 0 : index
    %swap3A_71 = arith.constant 0 : index
    %swap3A_72 = arith.constant 0 : index
    %swap3A_73 = vector.load %arg14[%swap3A_70, %swap3A_71, %swap3A_72] : memref<1x1024x8xf32, #tpu.memory_space<vmem>>, vector<1x1024x8xf32>
    tpu.vector_store %arg14[%swap3A_70, %swap3A_71, %swap3A_72], %reshape3A_69 {strides = array<i32>} : memref<1x1024x8xf32, #tpu.memory_space<vmem>>, vector<1x1024x8xf32>,
    return
  }
  func.func @transform_0(%arg0: i32) -> (i32, i32, i32) {
    %c0_i32 = arith.constant 0 : i32
    %c0_i32_0 = arith.constant 0 : i32
    %c0_i32_1 = arith.constant 0 : i32
    return %arg0, %c0_i32, %c0_i32_0 : i32, i32, i32
  }
  func.func @transform_1(%arg0: i32) -> (i32, i32) {
    %c0_i32 = arith.constant 0 : i32
    %c0_i32_0 = arith.constant 0 : i32
    %c0_i32_1 = arith.constant 0 : i32
    return %c0_i32, %c0_i32_0 : i32, i32
  }
  func.func @transform_2(%arg0: i32) -> (i32, i32) {
    %c0_i32 = arith.constant 0 : i32
    %c0_i32_0 = arith.constant 0 : i32
    %c0_i32_1 = arith.constant 0 : i32
    return %c0_i32, %c0_i32_0 : i32, i32
  }
  func.func @transform_3(%arg0: i32) -> (i32, i32) {
    %c0_i32 = arith.constant 0 : i32
    %c0_i32_0 = arith.constant 0 : i32
    %c0_i32_1 = arith.constant 0 : i32
    return %c0_i32, %c0_i32_0 : i32, i32
  }
  func.func @transform_4(%arg0: i32) -> (i32, i32) {
    %c0_i32 = arith.constant 0 : i32
    %c0_i32_0 = arith.constant 0 : i32
    %c0_i32_1 = arith.constant 0 : i32
    return %c0_i32, %c0_i32_0 : i32, i32
  }
  func.func @transform_5(%arg0: i32) -> (i32, i32, i32) {
    %c0_i32 = arith.constant 0 : i32
    %c0_i32_0 = arith.constant 0 : i32
    %c0_i32_1 = arith.constant 0 : i32
    return %arg0, %c0_i32, %c0_i32_0 : i32, i32, i32
  }
  func.func @transform_6(%arg0: i32) -> (i32, i32) {
    %c0_i32 = arith.constant 0 : i32
    %c0_i32_0 = arith.constant 0 : i32
    %c0_i32_1 = arith.constant 0 : i32
    return %c0_i32, %c0_i32_0 : i32, i32
  }
  func.func @transform_7(%arg0: i32) -> (i32, i32) {
    %c0_i32 = arith.constant 0 : i32
    %c0_i32_0 = arith.constant 0 : i32
    %c0_i32_1 = arith.constant 0 : i32
    return %c0_i32, %c0_i32_0 : i32, i32
  }
  func.func @transform_8(%arg0: i32) -> (i32, i32) {
    %c0_i32 = arith.constant 0 : i32
    %c0_i32_0 = arith.constant 0 : i32
    %c0_i32_1 = arith.constant 0 : i32
    return %c0_i32, %c0_i32_0 : i32, i32
  }
  func.func @transform_9(%arg0: i32) -> (i32, i32) {
    %c0_i32 = arith.constant 0 : i32
    %c0_i32_0 = arith.constant 0 : i32
    %c0_i32_1 = arith.constant 0 : i32
    return %c0_i32, %c0_i32_0 : i32, i32
  }
  func.func @transform_10(%arg0: i32) -> (i32, i32) {
    %c0_i32 = arith.constant 0 : i32
    %c0_i32_0 = arith.constant 0 : i32
    %c0_i32_1 = arith.constant 0 : i32
    return %c0_i32, %c0_i32_0 : i32, i32
  }
  func.func @transform_11(%arg0: i32) -> (i32, i32, i32) {
    %c0_i32 = arith.constant 0 : i32
    %c0_i32_0 = arith.constant 0 : i32
    %c0_i32_1 = arith.constant 0 : i32
    return %arg0, %c0_i32, %c0_i32_0 : i32, i32, i32
  }
  func.func @transform_12(%arg0: i32) -> (i32, i32, i32) {
    %c0_i32 = arith.constant 0 : i32
    %c0_i32_0 = arith.constant 0 : i32
    %c0_i32_1 = arith.constant 0 : i32
    return %arg0, %c0_i32, %c0_i32_0 : i32, i32, i32
  }
  func.func @transform_13(%arg0: i32) -> (i32, i32, i32) {
    %c0_i32 = arith.constant 0 : i32
    %c0_i32_0 = arith.constant 0 : i32
    %c0_i32_1 = arith.constant 0 : i32
    return %arg0, %c0_i32, %c0_i32_0 : i32, i32, i32
  }
}

module attributes {stable_mosaic.version = 14 : i64} {
  func.func @_pc2_body(%arg0: i32, %arg1: memref<1x1024x3xf32, #tpu.memory_space<vmem>>, %arg2: memref<1x8x1024xf32, #tpu.memory_space<vmem>>, %arg3: memref<1x8x1024xf32, #tpu.memory_space<vmem>>, %arg4: memref<1x1024x16xi32, #tpu.memory_space<vmem>>, %arg5: memref<1x1024x16xf32, #tpu.memory_space<vmem>>) attributes {dimension_semantics = [#tpu.dimension_semantics<arbitrary>], iteration_bounds = array<i64: 8>, scalar_prefetch = 0 : i64, scratch_operands = 0 : i64, tpu.core_type = #tpu.core_type<tc>, window_params = [{transform_indices = @transform_0, window_bounds = array<i64: 1, 1024, 3>}, {transform_indices = @transform_1, window_bounds = array<i64: 1, 8, 1024>}, {transform_indices = @transform_2, window_bounds = array<i64: 1, 8, 1024>}, {transform_indices = @transform_3, window_bounds = array<i64: 1, 1024, 16>}, {transform_indices = @transform_4, window_bounds = array<i64: 1, 1024, 16>}]} {
    %add3A = arith.constant 0 : i32
    %add3A_0 = arith.addi %arg0, %add3A : i32
    %get3A = arith.constant 0 : index
    %get3A_1 = arith.constant 0 : index
    %get3A_2 = arith.constant 0 : index
    %get3A_3 = vector.load %arg1[%get3A, %get3A_1, %get3A_2] : memref<1x1024x3xf32, #tpu.memory_space<vmem>>, vector<1x1024x3xf32>
    %get3A_4 = vector.shape_cast %get3A_3 : vector<1x1024x3xf32> to vector<1024x3xf32>
    %get3A_5 = arith.constant 0 : index
    %get3A_6 = arith.constant 0 : index
    %get3A_7 = arith.constant 0 : index
    %get3A_8 = vector.load %arg2[%get3A_5, %get3A_6, %get3A_7] : memref<1x8x1024xf32, #tpu.memory_space<vmem>>, vector<1x8x1024xf32>
    %get3A_9 = vector.shape_cast %get3A_8 : vector<1x8x1024xf32> to vector<8x1024xf32>
    %get3A_10 = arith.constant 0 : index
    %get3A_11 = arith.constant 0 : index
    %get3A_12 = arith.constant 0 : index
    %get3A_13 = vector.load %arg3[%get3A_10, %get3A_11, %get3A_12] : memref<1x8x1024xf32, #tpu.memory_space<vmem>>, vector<1x8x1024xf32>
    %get3A_14 = vector.shape_cast %get3A_13 : vector<1x8x1024xf32> to vector<8x1024xf32>
    %slice3A = vector.extract_strided_slice %get3A_14 {offsets = [0, 0], sizes = [1, 1024], strides = [1, 1]} : vector<8x1024xf32> to vector<1x1024xf32>
    %mul3A = arith.mulf %get3A_4, %get3A_4 : vector<1024x3xf32>
    %reduce_sum3A = arith.constant dense<0.000000e+00> : vector<1024xf32>
    %reduce_sum3A_15 = vector.multi_reduction <add>, %mul3A, %reduce_sum3A [1] : vector<1024x3xf32> to vector<1024xf32>
    %broadcast_in_dim3A = vector.shape_cast %reduce_sum3A_15 : vector<1024xf32> to vector<1024x1xf32>
    %mul3A_16 = arith.mulf %get3A_9, %get3A_9 : vector<8x1024xf32>
    %reduce_sum3A_17 = arith.constant dense<0.000000e+00> : vector<1024xf32>
    %reduce_sum3A_18 = vector.multi_reduction <add>, %mul3A_16, %reduce_sum3A_17 [0] : vector<8x1024xf32> to vector<1024xf32>
    %broadcast_in_dim3A_19 = vector.shape_cast %reduce_sum3A_18 : vector<1024xf32> to vector<1x1024xf32>
    %slice3A_20 = vector.extract_strided_slice %get3A_4 {offsets = [0, 0], sizes = [1024, 1], strides = [1, 1]} : vector<1024x3xf32> to vector<1024x1xf32>
    %slice3A_21 = vector.extract_strided_slice %get3A_9 {offsets = [0, 0], sizes = [1, 1024], strides = [1, 1]} : vector<8x1024xf32> to vector<1x1024xf32>
    %mul3A_22 = vector.broadcast %slice3A_20 : vector<1024x1xf32> to vector<1024x1024xf32>
    %mul3A_23 = vector.broadcast %slice3A_21 : vector<1x1024xf32> to vector<1024x1024xf32>
    %mul3A_24 = arith.mulf %mul3A_22, %mul3A_23 : vector<1024x1024xf32>
    %slice3A_25 = vector.extract_strided_slice %get3A_4 {offsets = [0, 1], sizes = [1024, 1], strides = [1, 1]} : vector<1024x3xf32> to vector<1024x1xf32>
    %slice3A_26 = vector.extract_strided_slice %get3A_9 {offsets = [1, 0], sizes = [1, 1024], strides = [1, 1]} : vector<8x1024xf32> to vector<1x1024xf32>
    %mul3A_27 = vector.broadcast %slice3A_25 : vector<1024x1xf32> to vector<1024x1024xf32>
    %mul3A_28 = vector.broadcast %slice3A_26 : vector<1x1024xf32> to vector<1024x1024xf32>
    %mul3A_29 = arith.mulf %mul3A_27, %mul3A_28 : vector<1024x1024xf32>
    %add3A_30 = arith.addf %mul3A_24, %mul3A_29 : vector<1024x1024xf32>
    %slice3A_31 = vector.extract_strided_slice %get3A_4 {offsets = [0, 2], sizes = [1024, 1], strides = [1, 1]} : vector<1024x3xf32> to vector<1024x1xf32>
    %slice3A_32 = vector.extract_strided_slice %get3A_9 {offsets = [2, 0], sizes = [1, 1024], strides = [1, 1]} : vector<8x1024xf32> to vector<1x1024xf32>
    %mul3A_33 = vector.broadcast %slice3A_31 : vector<1024x1xf32> to vector<1024x1024xf32>
    %mul3A_34 = vector.broadcast %slice3A_32 : vector<1x1024xf32> to vector<1024x1024xf32>
    %mul3A_35 = arith.mulf %mul3A_33, %mul3A_34 : vector<1024x1024xf32>
    %add3A_36 = arith.addf %add3A_30, %mul3A_35 : vector<1024x1024xf32>
    %add3A_37 = vector.broadcast %broadcast_in_dim3A : vector<1024x1xf32> to vector<1024x1024xf32>
    %add3A_38 = vector.broadcast %broadcast_in_dim3A_19 : vector<1x1024xf32> to vector<1024x1024xf32>
    %add3A_39 = arith.addf %add3A_37, %add3A_38 : vector<1024x1024xf32>
    %mul3A_40 = arith.constant 2.000000e+00 : f32
    %mul3A_41 = vector.broadcast %mul3A_40 : f32 to vector<1024x1024xf32>
    %mul3A_42 = arith.mulf %mul3A_41, %add3A_36 : vector<1024x1024xf32>
    %sub3A = arith.subf %add3A_39, %mul3A_42 : vector<1024x1024xf32>
    %iota3A = tpu.iota {dimensions = array<i32: 1>} : vector<1024x1024xi32>
    %reduce_min3A = arith.constant dense<0x7F800000> : vector<1024xf32>
    %reduce_min3A_43 = vector.multi_reduction <minimumf>, %sub3A, %reduce_min3A [1] : vector<1024x1024xf32> to vector<1024xf32>
    %broadcast_in_dim3A_44 = vector.shape_cast %reduce_min3A_43 : vector<1024xf32> to vector<1024x1xf32>
    %le3A = vector.broadcast %broadcast_in_dim3A_44 : vector<1024x1xf32> to vector<1024x1024xf32>
    %le3A_45 = arith.cmpf ole, %sub3A, %le3A : vector<1024x1024xf32>
    %jit3A = arith.constant 2048 : i32
    %broadcast_in_dim3A_46 = vector.broadcast %jit3A : i32 to vector<1024x1024xi32>
    %select_n3A = arith.select %le3A_45, %iota3A, %broadcast_in_dim3A_46 : vector<1024x1024xi1>, vector<1024x1024xi32>
    %reduce_min3A_47 = arith.constant dense<2147483647> : vector<1024xi32>
    %reduce_min3A_48 = vector.multi_reduction <minsi>, %select_n3A, %reduce_min3A_47 [1] : vector<1024x1024xi32> to vector<1024xi32>
    %broadcast_in_dim3A_49 = vector.shape_cast %reduce_min3A_48 : vector<1024xi32> to vector<1024x1xi32>
    %eq3A = vector.broadcast %broadcast_in_dim3A_49 : vector<1024x1xi32> to vector<1024x1024xi32>
    %eq3A_50 = arith.cmpi eq, %iota3A, %eq3A : vector<1024x1024xi32>
    %mul3A_51 = arith.constant 1024 : i32
    %mul3A_52 = arith.muli %add3A_0, %mul3A_51 : i32
    %add3A_53 = vector.broadcast %mul3A_52 : i32 to vector<1024x1xi32>
    %add3A_54 = arith.addi %broadcast_in_dim3A_49, %add3A_53 : vector<1024x1xi32>
    %swap3A = arith.constant 0 : index
    %swap3A_55 = arith.constant 0 : index
    %swap3A_56 = arith.constant 0 : index
    %swap3A_57 = vector.load %arg4[%swap3A, %swap3A_55, %swap3A_56] : memref<1x1024x16xi32, #tpu.memory_space<vmem>>, vector<1x1024x1xi32>
    %swap3A_58 = vector.shape_cast %swap3A_57 : vector<1x1024x1xi32> to vector<1024x1xi32>
    %swap3A_59 = vector.shape_cast %add3A_54 : vector<1024x1xi32> to vector<1x1024x1xi32>
    tpu.vector_store %arg4[%swap3A, %swap3A_55, %swap3A_56], %swap3A_59 {strides = array<i32>} : memref<1x1024x16xi32, #tpu.memory_space<vmem>>, vector<1x1024x1xi32>,
    %jit3A_60 = arith.constant 0.000000e+00 : f32
    %broadcast_in_dim3A_61 = vector.shape_cast %slice3A : vector<1x1024xf32> to vector<1x1024xf32>
    %broadcast_in_dim3A_62 = vector.broadcast %broadcast_in_dim3A_61 : vector<1x1024xf32> to vector<1024x1024xf32>
    %broadcast_in_dim3A_63 = vector.broadcast %jit3A_60 : f32 to vector<1024x1024xf32>
    %select_n3A_64 = arith.select %eq3A_50, %broadcast_in_dim3A_62, %broadcast_in_dim3A_63 : vector<1024x1024xi1>, vector<1024x1024xf32>
    %reduce_sum3A_65 = arith.constant dense<0.000000e+00> : vector<1024xf32>
    %reduce_sum3A_66 = vector.multi_reduction <add>, %select_n3A_64, %reduce_sum3A_65 [1] : vector<1024x1024xf32> to vector<1024xf32>
    %broadcast_in_dim3A_67 = vector.shape_cast %reduce_sum3A_66 : vector<1024xf32> to vector<1024x1xf32>
    %swap3A_68 = arith.constant 0 : index
    %swap3A_69 = arith.constant 0 : index
    %swap3A_70 = arith.constant 0 : index
    %swap3A_71 = vector.load %arg5[%swap3A_68, %swap3A_69, %swap3A_70] : memref<1x1024x16xf32, #tpu.memory_space<vmem>>, vector<1x1024x1xf32>
    %swap3A_72 = vector.shape_cast %swap3A_71 : vector<1x1024x1xf32> to vector<1024x1xf32>
    %swap3A_73 = vector.shape_cast %broadcast_in_dim3A_67 : vector<1024x1xf32> to vector<1x1024x1xf32>
    tpu.vector_store %arg5[%swap3A_68, %swap3A_69, %swap3A_70], %swap3A_73 {strides = array<i32>} : memref<1x1024x16xf32, #tpu.memory_space<vmem>>, vector<1x1024x1xf32>,
    %jit3A_74 = arith.constant 1.000000e+30 : f32
    %broadcast_in_dim3A_75 = vector.broadcast %jit3A_74 : f32 to vector<1024x1024xf32>
    %select_n3A_76 = arith.select %eq3A_50, %broadcast_in_dim3A_75, %sub3A : vector<1024x1024xi1>, vector<1024x1024xf32>
    %reduce_min3A_77 = arith.constant dense<0x7F800000> : vector<1024xf32>
    %reduce_min3A_78 = vector.multi_reduction <minimumf>, %select_n3A_76, %reduce_min3A_77 [1] : vector<1024x1024xf32> to vector<1024xf32>
    %broadcast_in_dim3A_79 = vector.shape_cast %reduce_min3A_78 : vector<1024xf32> to vector<1024x1xf32>
    %le3A_80 = vector.broadcast %broadcast_in_dim3A_79 : vector<1024x1xf32> to vector<1024x1024xf32>
    %le3A_81 = arith.cmpf ole, %select_n3A_76, %le3A_80 : vector<1024x1024xf32>
    %jit3A_82 = arith.constant 2048 : i32
    %broadcast_in_dim3A_83 = vector.broadcast %jit3A_82 : i32 to vector<1024x1024xi32>
    %select_n3A_84 = arith.select %le3A_81, %iota3A, %broadcast_in_dim3A_83 : vector<1024x1024xi1>, vector<1024x1024xi32>
    %reduce_min3A_85 = arith.constant dense<2147483647> : vector<1024xi32>
    %reduce_min3A_86 = vector.multi_reduction <minsi>, %select_n3A_84, %reduce_min3A_85 [1] : vector<1024x1024xi32> to vector<1024xi32>
    %broadcast_in_dim3A_87 = vector.shape_cast %reduce_min3A_86 : vector<1024xi32> to vector<1024x1xi32>
    %eq3A_88 = vector.broadcast %broadcast_in_dim3A_87 : vector<1024x1xi32> to vector<1024x1024xi32>
    %eq3A_89 = arith.cmpi eq, %iota3A, %eq3A_88 : vector<1024x1024xi32>
    %mul3A_90 = arith.constant 1024 : i32
    %mul3A_91 = arith.muli %add3A_0, %mul3A_90 : i32
    %add3A_92 = vector.broadcast %mul3A_91 : i32 to vector<1024x1xi32>
    %add3A_93 = arith.addi %broadcast_in_dim3A_87, %add3A_92 : vector<1024x1xi32>
    %swap3A_94 = arith.constant 0 : index
    %swap3A_95 = arith.constant 0 : index
    %swap3A_96 = arith.constant 1 : index
    %swap3A_97 = vector.load %arg4[%swap3A_94, %swap3A_95, %swap3A_96] : memref<1x1024x16xi32, #tpu.memory_space<vmem>>, vector<1x1024x1xi32>
    %swap3A_98 = vector.shape_cast %swap3A_97 : vector<1x1024x1xi32> to vector<1024x1xi32>
    %swap3A_99 = vector.shape_cast %add3A_93 : vector<1024x1xi32> to vector<1x1024x1xi32>
    tpu.vector_store %arg4[%swap3A_94, %swap3A_95, %swap3A_96], %swap3A_99 {strides = array<i32>} : memref<1x1024x16xi32, #tpu.memory_space<vmem>>, vector<1x1024x1xi32>,
    %jit3A_100 = arith.constant 0.000000e+00 : f32
    %broadcast_in_dim3A_101 = vector.shape_cast %slice3A : vector<1x1024xf32> to vector<1x1024xf32>
    %broadcast_in_dim3A_102 = vector.broadcast %broadcast_in_dim3A_101 : vector<1x1024xf32> to vector<1024x1024xf32>
    %broadcast_in_dim3A_103 = vector.broadcast %jit3A_100 : f32 to vector<1024x1024xf32>
    %select_n3A_104 = arith.select %eq3A_89, %broadcast_in_dim3A_102, %broadcast_in_dim3A_103 : vector<1024x1024xi1>, vector<1024x1024xf32>
    %reduce_sum3A_105 = arith.constant dense<0.000000e+00> : vector<1024xf32>
    %reduce_sum3A_106 = vector.multi_reduction <add>, %select_n3A_104, %reduce_sum3A_105 [1] : vector<1024x1024xf32> to vector<1024xf32>
    %broadcast_in_dim3A_107 = vector.shape_cast %reduce_sum3A_106 : vector<1024xf32> to vector<1024x1xf32>
    %swap3A_108 = arith.constant 0 : index
    %swap3A_109 = arith.constant 0 : index
    %swap3A_110 = arith.constant 1 : index
    %swap3A_111 = vector.load %arg5[%swap3A_108, %swap3A_109, %swap3A_110] : memref<1x1024x16xf32, #tpu.memory_space<vmem>>, vector<1x1024x1xf32>
    %swap3A_112 = vector.shape_cast %swap3A_111 : vector<1x1024x1xf32> to vector<1024x1xf32>
    %swap3A_113 = vector.shape_cast %broadcast_in_dim3A_107 : vector<1024x1xf32> to vector<1x1024x1xf32>
    tpu.vector_store %arg5[%swap3A_108, %swap3A_109, %swap3A_110], %swap3A_113 {strides = array<i32>} : memref<1x1024x16xf32, #tpu.memory_space<vmem>>, vector<1x1024x1xf32>,
    %jit3A_114 = arith.constant 1.000000e+30 : f32
    %broadcast_in_dim3A_115 = vector.broadcast %jit3A_114 : f32 to vector<1024x1024xf32>
    %select_n3A_116 = arith.select %eq3A_89, %broadcast_in_dim3A_115, %select_n3A_76 : vector<1024x1024xi1>, vector<1024x1024xf32>
    %reduce_min3A_117 = arith.constant dense<0x7F800000> : vector<1024xf32>
    %reduce_min3A_118 = vector.multi_reduction <minimumf>, %select_n3A_116, %reduce_min3A_117 [1] : vector<1024x1024xf32> to vector<1024xf32>
    %broadcast_in_dim3A_119 = vector.shape_cast %reduce_min3A_118 : vector<1024xf32> to vector<1024x1xf32>
    %le3A_120 = vector.broadcast %broadcast_in_dim3A_119 : vector<1024x1xf32> to vector<1024x1024xf32>
    %le3A_121 = arith.cmpf ole, %select_n3A_116, %le3A_120 : vector<1024x1024xf32>
    %jit3A_122 = arith.constant 2048 : i32
    %broadcast_in_dim3A_123 = vector.broadcast %jit3A_122 : i32 to vector<1024x1024xi32>
    %select_n3A_124 = arith.select %le3A_121, %iota3A, %broadcast_in_dim3A_123 : vector<1024x1024xi1>, vector<1024x1024xi32>
    %reduce_min3A_125 = arith.constant dense<2147483647> : vector<1024xi32>
    %reduce_min3A_126 = vector.multi_reduction <minsi>, %select_n3A_124, %reduce_min3A_125 [1] : vector<1024x1024xi32> to vector<1024xi32>
    %broadcast_in_dim3A_127 = vector.shape_cast %reduce_min3A_126 : vector<1024xi32> to vector<1024x1xi32>
    %eq3A_128 = vector.broadcast %broadcast_in_dim3A_127 : vector<1024x1xi32> to vector<1024x1024xi32>
    %eq3A_129 = arith.cmpi eq, %iota3A, %eq3A_128 : vector<1024x1024xi32>
    %mul3A_130 = arith.constant 1024 : i32
    %mul3A_131 = arith.muli %add3A_0, %mul3A_130 : i32
    %add3A_132 = vector.broadcast %mul3A_131 : i32 to vector<1024x1xi32>
    %add3A_133 = arith.addi %broadcast_in_dim3A_127, %add3A_132 : vector<1024x1xi32>
    %swap3A_134 = arith.constant 0 : index
    %swap3A_135 = arith.constant 0 : index
    %swap3A_136 = arith.constant 2 : index
    %swap3A_137 = vector.load %arg4[%swap3A_134, %swap3A_135, %swap3A_136] : memref<1x1024x16xi32, #tpu.memory_space<vmem>>, vector<1x1024x1xi32>
    %swap3A_138 = vector.shape_cast %swap3A_137 : vector<1x1024x1xi32> to vector<1024x1xi32>
    %swap3A_139 = vector.shape_cast %add3A_133 : vector<1024x1xi32> to vector<1x1024x1xi32>
    tpu.vector_store %arg4[%swap3A_134, %swap3A_135, %swap3A_136], %swap3A_139 {strides = array<i32>} : memref<1x1024x16xi32, #tpu.memory_space<vmem>>, vector<1x1024x1xi32>,
    %jit3A_140 = arith.constant 0.000000e+00 : f32
    %broadcast_in_dim3A_141 = vector.shape_cast %slice3A : vector<1x1024xf32> to vector<1x1024xf32>
    %broadcast_in_dim3A_142 = vector.broadcast %broadcast_in_dim3A_141 : vector<1x1024xf32> to vector<1024x1024xf32>
    %broadcast_in_dim3A_143 = vector.broadcast %jit3A_140 : f32 to vector<1024x1024xf32>
    %select_n3A_144 = arith.select %eq3A_129, %broadcast_in_dim3A_142, %broadcast_in_dim3A_143 : vector<1024x1024xi1>, vector<1024x1024xf32>
    %reduce_sum3A_145 = arith.constant dense<0.000000e+00> : vector<1024xf32>
    %reduce_sum3A_146 = vector.multi_reduction <add>, %select_n3A_144, %reduce_sum3A_145 [1] : vector<1024x1024xf32> to vector<1024xf32>
    %broadcast_in_dim3A_147 = vector.shape_cast %reduce_sum3A_146 : vector<1024xf32> to vector<1024x1xf32>
    %swap3A_148 = arith.constant 0 : index
    %swap3A_149 = arith.constant 0 : index
    %swap3A_150 = arith.constant 2 : index
    %swap3A_151 = vector.load %arg5[%swap3A_148, %swap3A_149, %swap3A_150] : memref<1x1024x16xf32, #tpu.memory_space<vmem>>, vector<1x1024x1xf32>
    %swap3A_152 = vector.shape_cast %swap3A_151 : vector<1x1024x1xf32> to vector<1024x1xf32>
    %swap3A_153 = vector.shape_cast %broadcast_in_dim3A_147 : vector<1024x1xf32> to vector<1x1024x1xf32>
    tpu.vector_store %arg5[%swap3A_148, %swap3A_149, %swap3A_150], %swap3A_153 {strides = array<i32>} : memref<1x1024x16xf32, #tpu.memory_space<vmem>>, vector<1x1024x1xf32>,
    %jit3A_154 = arith.constant 1.000000e+30 : f32
    %broadcast_in_dim3A_155 = vector.broadcast %jit3A_154 : f32 to vector<1024x1024xf32>
    %select_n3A_156 = arith.select %eq3A_129, %broadcast_in_dim3A_155, %select_n3A_116 : vector<1024x1024xi1>, vector<1024x1024xf32>
    %reduce_min3A_157 = arith.constant dense<0x7F800000> : vector<1024xf32>
    %reduce_min3A_158 = vector.multi_reduction <minimumf>, %select_n3A_156, %reduce_min3A_157 [1] : vector<1024x1024xf32> to vector<1024xf32>
    %broadcast_in_dim3A_159 = vector.shape_cast %reduce_min3A_158 : vector<1024xf32> to vector<1024x1xf32>
    %le3A_160 = vector.broadcast %broadcast_in_dim3A_159 : vector<1024x1xf32> to vector<1024x1024xf32>
    %le3A_161 = arith.cmpf ole, %select_n3A_156, %le3A_160 : vector<1024x1024xf32>
    %jit3A_162 = arith.constant 2048 : i32
    %broadcast_in_dim3A_163 = vector.broadcast %jit3A_162 : i32 to vector<1024x1024xi32>
    %select_n3A_164 = arith.select %le3A_161, %iota3A, %broadcast_in_dim3A_163 : vector<1024x1024xi1>, vector<1024x1024xi32>
    %reduce_min3A_165 = arith.constant dense<2147483647> : vector<1024xi32>
    %reduce_min3A_166 = vector.multi_reduction <minsi>, %select_n3A_164, %reduce_min3A_165 [1] : vector<1024x1024xi32> to vector<1024xi32>
    %broadcast_in_dim3A_167 = vector.shape_cast %reduce_min3A_166 : vector<1024xi32> to vector<1024x1xi32>
    %eq3A_168 = vector.broadcast %broadcast_in_dim3A_167 : vector<1024x1xi32> to vector<1024x1024xi32>
    %eq3A_169 = arith.cmpi eq, %iota3A, %eq3A_168 : vector<1024x1024xi32>
    %mul3A_170 = arith.constant 1024 : i32
    %mul3A_171 = arith.muli %add3A_0, %mul3A_170 : i32
    %add3A_172 = vector.broadcast %mul3A_171 : i32 to vector<1024x1xi32>
    %add3A_173 = arith.addi %broadcast_in_dim3A_167, %add3A_172 : vector<1024x1xi32>
    %swap3A_174 = arith.constant 0 : index
    %swap3A_175 = arith.constant 0 : index
    %swap3A_176 = arith.constant 3 : index
    %swap3A_177 = vector.load %arg4[%swap3A_174, %swap3A_175, %swap3A_176] : memref<1x1024x16xi32, #tpu.memory_space<vmem>>, vector<1x1024x1xi32>
    %swap3A_178 = vector.shape_cast %swap3A_177 : vector<1x1024x1xi32> to vector<1024x1xi32>
    %swap3A_179 = vector.shape_cast %add3A_173 : vector<1024x1xi32> to vector<1x1024x1xi32>
    tpu.vector_store %arg4[%swap3A_174, %swap3A_175, %swap3A_176], %swap3A_179 {strides = array<i32>} : memref<1x1024x16xi32, #tpu.memory_space<vmem>>, vector<1x1024x1xi32>,
    %jit3A_180 = arith.constant 0.000000e+00 : f32
    %broadcast_in_dim3A_181 = vector.shape_cast %slice3A : vector<1x1024xf32> to vector<1x1024xf32>
    %broadcast_in_dim3A_182 = vector.broadcast %broadcast_in_dim3A_181 : vector<1x1024xf32> to vector<1024x1024xf32>
    %broadcast_in_dim3A_183 = vector.broadcast %jit3A_180 : f32 to vector<1024x1024xf32>
    %select_n3A_184 = arith.select %eq3A_169, %broadcast_in_dim3A_182, %broadcast_in_dim3A_183 : vector<1024x1024xi1>, vector<1024x1024xf32>
    %reduce_sum3A_185 = arith.constant dense<0.000000e+00> : vector<1024xf32>
    %reduce_sum3A_186 = vector.multi_reduction <add>, %select_n3A_184, %reduce_sum3A_185 [1] : vector<1024x1024xf32> to vector<1024xf32>
    %broadcast_in_dim3A_187 = vector.shape_cast %reduce_sum3A_186 : vector<1024xf32> to vector<1024x1xf32>
    %swap3A_188 = arith.constant 0 : index
    %swap3A_189 = arith.constant 0 : index
    %swap3A_190 = arith.constant 3 : index
    %swap3A_191 = vector.load %arg5[%swap3A_188, %swap3A_189, %swap3A_190] : memref<1x1024x16xf32, #tpu.memory_space<vmem>>, vector<1x1024x1xf32>
    %swap3A_192 = vector.shape_cast %swap3A_191 : vector<1x1024x1xf32> to vector<1024x1xf32>
    %swap3A_193 = vector.shape_cast %broadcast_in_dim3A_187 : vector<1024x1xf32> to vector<1x1024x1xf32>
    tpu.vector_store %arg5[%swap3A_188, %swap3A_189, %swap3A_190], %swap3A_193 {strides = array<i32>} : memref<1x1024x16xf32, #tpu.memory_space<vmem>>, vector<1x1024x1xf32>,
    %jit3A_194 = arith.constant 1.000000e+30 : f32
    %broadcast_in_dim3A_195 = vector.broadcast %jit3A_194 : f32 to vector<1024x1024xf32>
    %select_n3A_196 = arith.select %eq3A_169, %broadcast_in_dim3A_195, %select_n3A_156 : vector<1024x1024xi1>, vector<1024x1024xf32>
    %reduce_min3A_197 = arith.constant dense<0x7F800000> : vector<1024xf32>
    %reduce_min3A_198 = vector.multi_reduction <minimumf>, %select_n3A_196, %reduce_min3A_197 [1] : vector<1024x1024xf32> to vector<1024xf32>
    %broadcast_in_dim3A_199 = vector.shape_cast %reduce_min3A_198 : vector<1024xf32> to vector<1024x1xf32>
    %le3A_200 = vector.broadcast %broadcast_in_dim3A_199 : vector<1024x1xf32> to vector<1024x1024xf32>
    %le3A_201 = arith.cmpf ole, %select_n3A_196, %le3A_200 : vector<1024x1024xf32>
    %jit3A_202 = arith.constant 2048 : i32
    %broadcast_in_dim3A_203 = vector.broadcast %jit3A_202 : i32 to vector<1024x1024xi32>
    %select_n3A_204 = arith.select %le3A_201, %iota3A, %broadcast_in_dim3A_203 : vector<1024x1024xi1>, vector<1024x1024xi32>
    %reduce_min3A_205 = arith.constant dense<2147483647> : vector<1024xi32>
    %reduce_min3A_206 = vector.multi_reduction <minsi>, %select_n3A_204, %reduce_min3A_205 [1] : vector<1024x1024xi32> to vector<1024xi32>
    %broadcast_in_dim3A_207 = vector.shape_cast %reduce_min3A_206 : vector<1024xi32> to vector<1024x1xi32>
    %eq3A_208 = vector.broadcast %broadcast_in_dim3A_207 : vector<1024x1xi32> to vector<1024x1024xi32>
    %eq3A_209 = arith.cmpi eq, %iota3A, %eq3A_208 : vector<1024x1024xi32>
    %mul3A_210 = arith.constant 1024 : i32
    %mul3A_211 = arith.muli %add3A_0, %mul3A_210 : i32
    %add3A_212 = vector.broadcast %mul3A_211 : i32 to vector<1024x1xi32>
    %add3A_213 = arith.addi %broadcast_in_dim3A_207, %add3A_212 : vector<1024x1xi32>
    %swap3A_214 = arith.constant 0 : index
    %swap3A_215 = arith.constant 0 : index
    %swap3A_216 = arith.constant 4 : index
    %swap3A_217 = vector.load %arg4[%swap3A_214, %swap3A_215, %swap3A_216] : memref<1x1024x16xi32, #tpu.memory_space<vmem>>, vector<1x1024x1xi32>
    %swap3A_218 = vector.shape_cast %swap3A_217 : vector<1x1024x1xi32> to vector<1024x1xi32>
    %swap3A_219 = vector.shape_cast %add3A_213 : vector<1024x1xi32> to vector<1x1024x1xi32>
    tpu.vector_store %arg4[%swap3A_214, %swap3A_215, %swap3A_216], %swap3A_219 {strides = array<i32>} : memref<1x1024x16xi32, #tpu.memory_space<vmem>>, vector<1x1024x1xi32>,
    %jit3A_220 = arith.constant 0.000000e+00 : f32
    %broadcast_in_dim3A_221 = vector.shape_cast %slice3A : vector<1x1024xf32> to vector<1x1024xf32>
    %broadcast_in_dim3A_222 = vector.broadcast %broadcast_in_dim3A_221 : vector<1x1024xf32> to vector<1024x1024xf32>
    %broadcast_in_dim3A_223 = vector.broadcast %jit3A_220 : f32 to vector<1024x1024xf32>
    %select_n3A_224 = arith.select %eq3A_209, %broadcast_in_dim3A_222, %broadcast_in_dim3A_223 : vector<1024x1024xi1>, vector<1024x1024xf32>
    %reduce_sum3A_225 = arith.constant dense<0.000000e+00> : vector<1024xf32>
    %reduce_sum3A_226 = vector.multi_reduction <add>, %select_n3A_224, %reduce_sum3A_225 [1] : vector<1024x1024xf32> to vector<1024xf32>
    %broadcast_in_dim3A_227 = vector.shape_cast %reduce_sum3A_226 : vector<1024xf32> to vector<1024x1xf32>
    %swap3A_228 = arith.constant 0 : index
    %swap3A_229 = arith.constant 0 : index
    %swap3A_230 = arith.constant 4 : index
    %swap3A_231 = vector.load %arg5[%swap3A_228, %swap3A_229, %swap3A_230] : memref<1x1024x16xf32, #tpu.memory_space<vmem>>, vector<1x1024x1xf32>
    %swap3A_232 = vector.shape_cast %swap3A_231 : vector<1x1024x1xf32> to vector<1024x1xf32>
    %swap3A_233 = vector.shape_cast %broadcast_in_dim3A_227 : vector<1024x1xf32> to vector<1x1024x1xf32>
    tpu.vector_store %arg5[%swap3A_228, %swap3A_229, %swap3A_230], %swap3A_233 {strides = array<i32>} : memref<1x1024x16xf32, #tpu.memory_space<vmem>>, vector<1x1024x1xf32>,
    %jit3A_234 = arith.constant 1.000000e+30 : f32
    %broadcast_in_dim3A_235 = vector.broadcast %jit3A_234 : f32 to vector<1024x1024xf32>
    %select_n3A_236 = arith.select %eq3A_209, %broadcast_in_dim3A_235, %select_n3A_196 : vector<1024x1024xi1>, vector<1024x1024xf32>
    %reduce_min3A_237 = arith.constant dense<0x7F800000> : vector<1024xf32>
    %reduce_min3A_238 = vector.multi_reduction <minimumf>, %select_n3A_236, %reduce_min3A_237 [1] : vector<1024x1024xf32> to vector<1024xf32>
    %broadcast_in_dim3A_239 = vector.shape_cast %reduce_min3A_238 : vector<1024xf32> to vector<1024x1xf32>
    %le3A_240 = vector.broadcast %broadcast_in_dim3A_239 : vector<1024x1xf32> to vector<1024x1024xf32>
    %le3A_241 = arith.cmpf ole, %select_n3A_236, %le3A_240 : vector<1024x1024xf32>
    %jit3A_242 = arith.constant 2048 : i32
    %broadcast_in_dim3A_243 = vector.broadcast %jit3A_242 : i32 to vector<1024x1024xi32>
    %select_n3A_244 = arith.select %le3A_241, %iota3A, %broadcast_in_dim3A_243 : vector<1024x1024xi1>, vector<1024x1024xi32>
    %reduce_min3A_245 = arith.constant dense<2147483647> : vector<1024xi32>
    %reduce_min3A_246 = vector.multi_reduction <minsi>, %select_n3A_244, %reduce_min3A_245 [1] : vector<1024x1024xi32> to vector<1024xi32>
    %broadcast_in_dim3A_247 = vector.shape_cast %reduce_min3A_246 : vector<1024xi32> to vector<1024x1xi32>
    %eq3A_248 = vector.broadcast %broadcast_in_dim3A_247 : vector<1024x1xi32> to vector<1024x1024xi32>
    %eq3A_249 = arith.cmpi eq, %iota3A, %eq3A_248 : vector<1024x1024xi32>
    %mul3A_250 = arith.constant 1024 : i32
    %mul3A_251 = arith.muli %add3A_0, %mul3A_250 : i32
    %add3A_252 = vector.broadcast %mul3A_251 : i32 to vector<1024x1xi32>
    %add3A_253 = arith.addi %broadcast_in_dim3A_247, %add3A_252 : vector<1024x1xi32>
    %swap3A_254 = arith.constant 0 : index
    %swap3A_255 = arith.constant 0 : index
    %swap3A_256 = arith.constant 5 : index
    %swap3A_257 = vector.load %arg4[%swap3A_254, %swap3A_255, %swap3A_256] : memref<1x1024x16xi32, #tpu.memory_space<vmem>>, vector<1x1024x1xi32>
    %swap3A_258 = vector.shape_cast %swap3A_257 : vector<1x1024x1xi32> to vector<1024x1xi32>
    %swap3A_259 = vector.shape_cast %add3A_253 : vector<1024x1xi32> to vector<1x1024x1xi32>
    tpu.vector_store %arg4[%swap3A_254, %swap3A_255, %swap3A_256], %swap3A_259 {strides = array<i32>} : memref<1x1024x16xi32, #tpu.memory_space<vmem>>, vector<1x1024x1xi32>,
    %jit3A_260 = arith.constant 0.000000e+00 : f32
    %broadcast_in_dim3A_261 = vector.shape_cast %slice3A : vector<1x1024xf32> to vector<1x1024xf32>
    %broadcast_in_dim3A_262 = vector.broadcast %broadcast_in_dim3A_261 : vector<1x1024xf32> to vector<1024x1024xf32>
    %broadcast_in_dim3A_263 = vector.broadcast %jit3A_260 : f32 to vector<1024x1024xf32>
    %select_n3A_264 = arith.select %eq3A_249, %broadcast_in_dim3A_262, %broadcast_in_dim3A_263 : vector<1024x1024xi1>, vector<1024x1024xf32>
    %reduce_sum3A_265 = arith.constant dense<0.000000e+00> : vector<1024xf32>
    %reduce_sum3A_266 = vector.multi_reduction <add>, %select_n3A_264, %reduce_sum3A_265 [1] : vector<1024x1024xf32> to vector<1024xf32>
    %broadcast_in_dim3A_267 = vector.shape_cast %reduce_sum3A_266 : vector<1024xf32> to vector<1024x1xf32>
    %swap3A_268 = arith.constant 0 : index
    %swap3A_269 = arith.constant 0 : index
    %swap3A_270 = arith.constant 5 : index
    %swap3A_271 = vector.load %arg5[%swap3A_268, %swap3A_269, %swap3A_270] : memref<1x1024x16xf32, #tpu.memory_space<vmem>>, vector<1x1024x1xf32>
    %swap3A_272 = vector.shape_cast %swap3A_271 : vector<1x1024x1xf32> to vector<1024x1xf32>
    %swap3A_273 = vector.shape_cast %broadcast_in_dim3A_267 : vector<1024x1xf32> to vector<1x1024x1xf32>
    tpu.vector_store %arg5[%swap3A_268, %swap3A_269, %swap3A_270], %swap3A_273 {strides = array<i32>} : memref<1x1024x16xf32, #tpu.memory_space<vmem>>, vector<1x1024x1xf32>,
    %jit3A_274 = arith.constant 1.000000e+30 : f32
    %broadcast_in_dim3A_275 = vector.broadcast %jit3A_274 : f32 to vector<1024x1024xf32>
    %select_n3A_276 = arith.select %eq3A_249, %broadcast_in_dim3A_275, %select_n3A_236 : vector<1024x1024xi1>, vector<1024x1024xf32>
    %reduce_min3A_277 = arith.constant dense<0x7F800000> : vector<1024xf32>
    %reduce_min3A_278 = vector.multi_reduction <minimumf>, %select_n3A_276, %reduce_min3A_277 [1] : vector<1024x1024xf32> to vector<1024xf32>
    %broadcast_in_dim3A_279 = vector.shape_cast %reduce_min3A_278 : vector<1024xf32> to vector<1024x1xf32>
    %le3A_280 = vector.broadcast %broadcast_in_dim3A_279 : vector<1024x1xf32> to vector<1024x1024xf32>
    %le3A_281 = arith.cmpf ole, %select_n3A_276, %le3A_280 : vector<1024x1024xf32>
    %jit3A_282 = arith.constant 2048 : i32
    %broadcast_in_dim3A_283 = vector.broadcast %jit3A_282 : i32 to vector<1024x1024xi32>
    %select_n3A_284 = arith.select %le3A_281, %iota3A, %broadcast_in_dim3A_283 : vector<1024x1024xi1>, vector<1024x1024xi32>
    %reduce_min3A_285 = arith.constant dense<2147483647> : vector<1024xi32>
    %reduce_min3A_286 = vector.multi_reduction <minsi>, %select_n3A_284, %reduce_min3A_285 [1] : vector<1024x1024xi32> to vector<1024xi32>
    %broadcast_in_dim3A_287 = vector.shape_cast %reduce_min3A_286 : vector<1024xi32> to vector<1024x1xi32>
    %eq3A_288 = vector.broadcast %broadcast_in_dim3A_287 : vector<1024x1xi32> to vector<1024x1024xi32>
    %eq3A_289 = arith.cmpi eq, %iota3A, %eq3A_288 : vector<1024x1024xi32>
    %mul3A_290 = arith.constant 1024 : i32
    %mul3A_291 = arith.muli %add3A_0, %mul3A_290 : i32
    %add3A_292 = vector.broadcast %mul3A_291 : i32 to vector<1024x1xi32>
    %add3A_293 = arith.addi %broadcast_in_dim3A_287, %add3A_292 : vector<1024x1xi32>
    %swap3A_294 = arith.constant 0 : index
    %swap3A_295 = arith.constant 0 : index
    %swap3A_296 = arith.constant 6 : index
    %swap3A_297 = vector.load %arg4[%swap3A_294, %swap3A_295, %swap3A_296] : memref<1x1024x16xi32, #tpu.memory_space<vmem>>, vector<1x1024x1xi32>
    %swap3A_298 = vector.shape_cast %swap3A_297 : vector<1x1024x1xi32> to vector<1024x1xi32>
    %swap3A_299 = vector.shape_cast %add3A_293 : vector<1024x1xi32> to vector<1x1024x1xi32>
    tpu.vector_store %arg4[%swap3A_294, %swap3A_295, %swap3A_296], %swap3A_299 {strides = array<i32>} : memref<1x1024x16xi32, #tpu.memory_space<vmem>>, vector<1x1024x1xi32>,
    %jit3A_300 = arith.constant 0.000000e+00 : f32
    %broadcast_in_dim3A_301 = vector.shape_cast %slice3A : vector<1x1024xf32> to vector<1x1024xf32>
    %broadcast_in_dim3A_302 = vector.broadcast %broadcast_in_dim3A_301 : vector<1x1024xf32> to vector<1024x1024xf32>
    %broadcast_in_dim3A_303 = vector.broadcast %jit3A_300 : f32 to vector<1024x1024xf32>
    %select_n3A_304 = arith.select %eq3A_289, %broadcast_in_dim3A_302, %broadcast_in_dim3A_303 : vector<1024x1024xi1>, vector<1024x1024xf32>
    %reduce_sum3A_305 = arith.constant dense<0.000000e+00> : vector<1024xf32>
    %reduce_sum3A_306 = vector.multi_reduction <add>, %select_n3A_304, %reduce_sum3A_305 [1] : vector<1024x1024xf32> to vector<1024xf32>
    %broadcast_in_dim3A_307 = vector.shape_cast %reduce_sum3A_306 : vector<1024xf32> to vector<1024x1xf32>
    %swap3A_308 = arith.constant 0 : index
    %swap3A_309 = arith.constant 0 : index
    %swap3A_310 = arith.constant 6 : index
    %swap3A_311 = vector.load %arg5[%swap3A_308, %swap3A_309, %swap3A_310] : memref<1x1024x16xf32, #tpu.memory_space<vmem>>, vector<1x1024x1xf32>
    %swap3A_312 = vector.shape_cast %swap3A_311 : vector<1x1024x1xf32> to vector<1024x1xf32>
    %swap3A_313 = vector.shape_cast %broadcast_in_dim3A_307 : vector<1024x1xf32> to vector<1x1024x1xf32>
    tpu.vector_store %arg5[%swap3A_308, %swap3A_309, %swap3A_310], %swap3A_313 {strides = array<i32>} : memref<1x1024x16xf32, #tpu.memory_space<vmem>>, vector<1x1024x1xf32>,
    %jit3A_314 = arith.constant 1.000000e+30 : f32
    %broadcast_in_dim3A_315 = vector.broadcast %jit3A_314 : f32 to vector<1024x1024xf32>
    %select_n3A_316 = arith.select %eq3A_289, %broadcast_in_dim3A_315, %select_n3A_276 : vector<1024x1024xi1>, vector<1024x1024xf32>
    %reduce_min3A_317 = arith.constant dense<0x7F800000> : vector<1024xf32>
    %reduce_min3A_318 = vector.multi_reduction <minimumf>, %select_n3A_316, %reduce_min3A_317 [1] : vector<1024x1024xf32> to vector<1024xf32>
    %broadcast_in_dim3A_319 = vector.shape_cast %reduce_min3A_318 : vector<1024xf32> to vector<1024x1xf32>
    %le3A_320 = vector.broadcast %broadcast_in_dim3A_319 : vector<1024x1xf32> to vector<1024x1024xf32>
    %le3A_321 = arith.cmpf ole, %select_n3A_316, %le3A_320 : vector<1024x1024xf32>
    %jit3A_322 = arith.constant 2048 : i32
    %broadcast_in_dim3A_323 = vector.broadcast %jit3A_322 : i32 to vector<1024x1024xi32>
    %select_n3A_324 = arith.select %le3A_321, %iota3A, %broadcast_in_dim3A_323 : vector<1024x1024xi1>, vector<1024x1024xi32>
    %reduce_min3A_325 = arith.constant dense<2147483647> : vector<1024xi32>
    %reduce_min3A_326 = vector.multi_reduction <minsi>, %select_n3A_324, %reduce_min3A_325 [1] : vector<1024x1024xi32> to vector<1024xi32>
    %broadcast_in_dim3A_327 = vector.shape_cast %reduce_min3A_326 : vector<1024xi32> to vector<1024x1xi32>
    %eq3A_328 = vector.broadcast %broadcast_in_dim3A_327 : vector<1024x1xi32> to vector<1024x1024xi32>
    %eq3A_329 = arith.cmpi eq, %iota3A, %eq3A_328 : vector<1024x1024xi32>
    %mul3A_330 = arith.constant 1024 : i32
    %mul3A_331 = arith.muli %add3A_0, %mul3A_330 : i32
    %add3A_332 = vector.broadcast %mul3A_331 : i32 to vector<1024x1xi32>
    %add3A_333 = arith.addi %broadcast_in_dim3A_327, %add3A_332 : vector<1024x1xi32>
    %swap3A_334 = arith.constant 0 : index
    %swap3A_335 = arith.constant 0 : index
    %swap3A_336 = arith.constant 7 : index
    %swap3A_337 = vector.load %arg4[%swap3A_334, %swap3A_335, %swap3A_336] : memref<1x1024x16xi32, #tpu.memory_space<vmem>>, vector<1x1024x1xi32>
    %swap3A_338 = vector.shape_cast %swap3A_337 : vector<1x1024x1xi32> to vector<1024x1xi32>
    %swap3A_339 = vector.shape_cast %add3A_333 : vector<1024x1xi32> to vector<1x1024x1xi32>
    tpu.vector_store %arg4[%swap3A_334, %swap3A_335, %swap3A_336], %swap3A_339 {strides = array<i32>} : memref<1x1024x16xi32, #tpu.memory_space<vmem>>, vector<1x1024x1xi32>,
    %jit3A_340 = arith.constant 0.000000e+00 : f32
    %broadcast_in_dim3A_341 = vector.shape_cast %slice3A : vector<1x1024xf32> to vector<1x1024xf32>
    %broadcast_in_dim3A_342 = vector.broadcast %broadcast_in_dim3A_341 : vector<1x1024xf32> to vector<1024x1024xf32>
    %broadcast_in_dim3A_343 = vector.broadcast %jit3A_340 : f32 to vector<1024x1024xf32>
    %select_n3A_344 = arith.select %eq3A_329, %broadcast_in_dim3A_342, %broadcast_in_dim3A_343 : vector<1024x1024xi1>, vector<1024x1024xf32>
    %reduce_sum3A_345 = arith.constant dense<0.000000e+00> : vector<1024xf32>
    %reduce_sum3A_346 = vector.multi_reduction <add>, %select_n3A_344, %reduce_sum3A_345 [1] : vector<1024x1024xf32> to vector<1024xf32>
    %broadcast_in_dim3A_347 = vector.shape_cast %reduce_sum3A_346 : vector<1024xf32> to vector<1024x1xf32>
    %swap3A_348 = arith.constant 0 : index
    %swap3A_349 = arith.constant 0 : index
    %swap3A_350 = arith.constant 7 : index
    %swap3A_351 = vector.load %arg5[%swap3A_348, %swap3A_349, %swap3A_350] : memref<1x1024x16xf32, #tpu.memory_space<vmem>>, vector<1x1024x1xf32>
    %swap3A_352 = vector.shape_cast %swap3A_351 : vector<1x1024x1xf32> to vector<1024x1xf32>
    %swap3A_353 = vector.shape_cast %broadcast_in_dim3A_347 : vector<1024x1xf32> to vector<1x1024x1xf32>
    tpu.vector_store %arg5[%swap3A_348, %swap3A_349, %swap3A_350], %swap3A_353 {strides = array<i32>} : memref<1x1024x16xf32, #tpu.memory_space<vmem>>, vector<1x1024x1xf32>,
    %jit3A_354 = arith.constant 1.000000e+30 : f32
    %broadcast_in_dim3A_355 = vector.broadcast %jit3A_354 : f32 to vector<1024x1024xf32>
    %select_n3A_356 = arith.select %eq3A_329, %broadcast_in_dim3A_355, %select_n3A_316 : vector<1024x1024xi1>, vector<1024x1024xf32>
    %reduce_min3A_357 = arith.constant dense<0x7F800000> : vector<1024xf32>
    %reduce_min3A_358 = vector.multi_reduction <minimumf>, %select_n3A_356, %reduce_min3A_357 [1] : vector<1024x1024xf32> to vector<1024xf32>
    %broadcast_in_dim3A_359 = vector.shape_cast %reduce_min3A_358 : vector<1024xf32> to vector<1024x1xf32>
    %le3A_360 = vector.broadcast %broadcast_in_dim3A_359 : vector<1024x1xf32> to vector<1024x1024xf32>
    %le3A_361 = arith.cmpf ole, %select_n3A_356, %le3A_360 : vector<1024x1024xf32>
    %jit3A_362 = arith.constant 2048 : i32
    %broadcast_in_dim3A_363 = vector.broadcast %jit3A_362 : i32 to vector<1024x1024xi32>
    %select_n3A_364 = arith.select %le3A_361, %iota3A, %broadcast_in_dim3A_363 : vector<1024x1024xi1>, vector<1024x1024xi32>
    %reduce_min3A_365 = arith.constant dense<2147483647> : vector<1024xi32>
    %reduce_min3A_366 = vector.multi_reduction <minsi>, %select_n3A_364, %reduce_min3A_365 [1] : vector<1024x1024xi32> to vector<1024xi32>
    %broadcast_in_dim3A_367 = vector.shape_cast %reduce_min3A_366 : vector<1024xi32> to vector<1024x1xi32>
    %eq3A_368 = vector.broadcast %broadcast_in_dim3A_367 : vector<1024x1xi32> to vector<1024x1024xi32>
    %eq3A_369 = arith.cmpi eq, %iota3A, %eq3A_368 : vector<1024x1024xi32>
    %mul3A_370 = arith.constant 1024 : i32
    %mul3A_371 = arith.muli %add3A_0, %mul3A_370 : i32
    %add3A_372 = vector.broadcast %mul3A_371 : i32 to vector<1024x1xi32>
    %add3A_373 = arith.addi %broadcast_in_dim3A_367, %add3A_372 : vector<1024x1xi32>
    %swap3A_374 = arith.constant 0 : index
    %swap3A_375 = arith.constant 0 : index
    %swap3A_376 = arith.constant 8 : index
    %swap3A_377 = vector.load %arg4[%swap3A_374, %swap3A_375, %swap3A_376] : memref<1x1024x16xi32, #tpu.memory_space<vmem>>, vector<1x1024x1xi32>
    %swap3A_378 = vector.shape_cast %swap3A_377 : vector<1x1024x1xi32> to vector<1024x1xi32>
    %swap3A_379 = vector.shape_cast %add3A_373 : vector<1024x1xi32> to vector<1x1024x1xi32>
    tpu.vector_store %arg4[%swap3A_374, %swap3A_375, %swap3A_376], %swap3A_379 {strides = array<i32>} : memref<1x1024x16xi32, #tpu.memory_space<vmem>>, vector<1x1024x1xi32>,
    %jit3A_380 = arith.constant 0.000000e+00 : f32
    %broadcast_in_dim3A_381 = vector.shape_cast %slice3A : vector<1x1024xf32> to vector<1x1024xf32>
    %broadcast_in_dim3A_382 = vector.broadcast %broadcast_in_dim3A_381 : vector<1x1024xf32> to vector<1024x1024xf32>
    %broadcast_in_dim3A_383 = vector.broadcast %jit3A_380 : f32 to vector<1024x1024xf32>
    %select_n3A_384 = arith.select %eq3A_369, %broadcast_in_dim3A_382, %broadcast_in_dim3A_383 : vector<1024x1024xi1>, vector<1024x1024xf32>
    %reduce_sum3A_385 = arith.constant dense<0.000000e+00> : vector<1024xf32>
    %reduce_sum3A_386 = vector.multi_reduction <add>, %select_n3A_384, %reduce_sum3A_385 [1] : vector<1024x1024xf32> to vector<1024xf32>
    %broadcast_in_dim3A_387 = vector.shape_cast %reduce_sum3A_386 : vector<1024xf32> to vector<1024x1xf32>
    %swap3A_388 = arith.constant 0 : index
    %swap3A_389 = arith.constant 0 : index
    %swap3A_390 = arith.constant 8 : index
    %swap3A_391 = vector.load %arg5[%swap3A_388, %swap3A_389, %swap3A_390] : memref<1x1024x16xf32, #tpu.memory_space<vmem>>, vector<1x1024x1xf32>
    %swap3A_392 = vector.shape_cast %swap3A_391 : vector<1x1024x1xf32> to vector<1024x1xf32>
    %swap3A_393 = vector.shape_cast %broadcast_in_dim3A_387 : vector<1024x1xf32> to vector<1x1024x1xf32>
    tpu.vector_store %arg5[%swap3A_388, %swap3A_389, %swap3A_390], %swap3A_393 {strides = array<i32>} : memref<1x1024x16xf32, #tpu.memory_space<vmem>>, vector<1x1024x1xf32>,
    %jit3A_394 = arith.constant 1.000000e+30 : f32
    %broadcast_in_dim3A_395 = vector.broadcast %jit3A_394 : f32 to vector<1024x1024xf32>
    %select_n3A_396 = arith.select %eq3A_369, %broadcast_in_dim3A_395, %select_n3A_356 : vector<1024x1024xi1>, vector<1024x1024xf32>
    %reduce_min3A_397 = arith.constant dense<0x7F800000> : vector<1024xf32>
    %reduce_min3A_398 = vector.multi_reduction <minimumf>, %select_n3A_396, %reduce_min3A_397 [1] : vector<1024x1024xf32> to vector<1024xf32>
    %broadcast_in_dim3A_399 = vector.shape_cast %reduce_min3A_398 : vector<1024xf32> to vector<1024x1xf32>
    %le3A_400 = vector.broadcast %broadcast_in_dim3A_399 : vector<1024x1xf32> to vector<1024x1024xf32>
    %le3A_401 = arith.cmpf ole, %select_n3A_396, %le3A_400 : vector<1024x1024xf32>
    %jit3A_402 = arith.constant 2048 : i32
    %broadcast_in_dim3A_403 = vector.broadcast %jit3A_402 : i32 to vector<1024x1024xi32>
    %select_n3A_404 = arith.select %le3A_401, %iota3A, %broadcast_in_dim3A_403 : vector<1024x1024xi1>, vector<1024x1024xi32>
    %reduce_min3A_405 = arith.constant dense<2147483647> : vector<1024xi32>
    %reduce_min3A_406 = vector.multi_reduction <minsi>, %select_n3A_404, %reduce_min3A_405 [1] : vector<1024x1024xi32> to vector<1024xi32>
    %broadcast_in_dim3A_407 = vector.shape_cast %reduce_min3A_406 : vector<1024xi32> to vector<1024x1xi32>
    %eq3A_408 = vector.broadcast %broadcast_in_dim3A_407 : vector<1024x1xi32> to vector<1024x1024xi32>
    %eq3A_409 = arith.cmpi eq, %iota3A, %eq3A_408 : vector<1024x1024xi32>
    %mul3A_410 = arith.constant 1024 : i32
    %mul3A_411 = arith.muli %add3A_0, %mul3A_410 : i32
    %add3A_412 = vector.broadcast %mul3A_411 : i32 to vector<1024x1xi32>
    %add3A_413 = arith.addi %broadcast_in_dim3A_407, %add3A_412 : vector<1024x1xi32>
    %swap3A_414 = arith.constant 0 : index
    %swap3A_415 = arith.constant 0 : index
    %swap3A_416 = arith.constant 9 : index
    %swap3A_417 = vector.load %arg4[%swap3A_414, %swap3A_415, %swap3A_416] : memref<1x1024x16xi32, #tpu.memory_space<vmem>>, vector<1x1024x1xi32>
    %swap3A_418 = vector.shape_cast %swap3A_417 : vector<1x1024x1xi32> to vector<1024x1xi32>
    %swap3A_419 = vector.shape_cast %add3A_413 : vector<1024x1xi32> to vector<1x1024x1xi32>
    tpu.vector_store %arg4[%swap3A_414, %swap3A_415, %swap3A_416], %swap3A_419 {strides = array<i32>} : memref<1x1024x16xi32, #tpu.memory_space<vmem>>, vector<1x1024x1xi32>,
    %jit3A_420 = arith.constant 0.000000e+00 : f32
    %broadcast_in_dim3A_421 = vector.shape_cast %slice3A : vector<1x1024xf32> to vector<1x1024xf32>
    %broadcast_in_dim3A_422 = vector.broadcast %broadcast_in_dim3A_421 : vector<1x1024xf32> to vector<1024x1024xf32>
    %broadcast_in_dim3A_423 = vector.broadcast %jit3A_420 : f32 to vector<1024x1024xf32>
    %select_n3A_424 = arith.select %eq3A_409, %broadcast_in_dim3A_422, %broadcast_in_dim3A_423 : vector<1024x1024xi1>, vector<1024x1024xf32>
    %reduce_sum3A_425 = arith.constant dense<0.000000e+00> : vector<1024xf32>
    %reduce_sum3A_426 = vector.multi_reduction <add>, %select_n3A_424, %reduce_sum3A_425 [1] : vector<1024x1024xf32> to vector<1024xf32>
    %broadcast_in_dim3A_427 = vector.shape_cast %reduce_sum3A_426 : vector<1024xf32> to vector<1024x1xf32>
    %swap3A_428 = arith.constant 0 : index
    %swap3A_429 = arith.constant 0 : index
    %swap3A_430 = arith.constant 9 : index
    %swap3A_431 = vector.load %arg5[%swap3A_428, %swap3A_429, %swap3A_430] : memref<1x1024x16xf32, #tpu.memory_space<vmem>>, vector<1x1024x1xf32>
    %swap3A_432 = vector.shape_cast %swap3A_431 : vector<1x1024x1xf32> to vector<1024x1xf32>
    %swap3A_433 = vector.shape_cast %broadcast_in_dim3A_427 : vector<1024x1xf32> to vector<1x1024x1xf32>
    tpu.vector_store %arg5[%swap3A_428, %swap3A_429, %swap3A_430], %swap3A_433 {strides = array<i32>} : memref<1x1024x16xf32, #tpu.memory_space<vmem>>, vector<1x1024x1xf32>,
    %broadcast_in_dim3A_434 = arith.constant 0 : i32
    %broadcast_in_dim3A_435 = vector.broadcast %broadcast_in_dim3A_434 : i32 to vector<1024x6xi32>
    %swap3A_436 = arith.constant 0 : index
    %swap3A_437 = arith.constant 0 : index
    %swap3A_438 = arith.constant 10 : index
    %swap3A_439 = vector.load %arg4[%swap3A_436, %swap3A_437, %swap3A_438] : memref<1x1024x16xi32, #tpu.memory_space<vmem>>, vector<1x1024x6xi32>
    %swap3A_440 = vector.shape_cast %swap3A_439 : vector<1x1024x6xi32> to vector<1024x6xi32>
    %swap3A_441 = vector.shape_cast %broadcast_in_dim3A_435 : vector<1024x6xi32> to vector<1x1024x6xi32>
    tpu.vector_store %arg4[%swap3A_436, %swap3A_437, %swap3A_438], %swap3A_441 {strides = array<i32>} : memref<1x1024x16xi32, #tpu.memory_space<vmem>>, vector<1x1024x6xi32>,
    %broadcast_in_dim3A_442 = arith.constant 0.000000e+00 : f32
    %broadcast_in_dim3A_443 = vector.broadcast %broadcast_in_dim3A_442 : f32 to vector<1024x6xf32>
    %swap3A_444 = arith.constant 0 : index
    %swap3A_445 = arith.constant 0 : index
    %swap3A_446 = arith.constant 10 : index
    %swap3A_447 = vector.load %arg5[%swap3A_444, %swap3A_445, %swap3A_446] : memref<1x1024x16xf32, #tpu.memory_space<vmem>>, vector<1x1024x6xf32>
    %swap3A_448 = vector.shape_cast %swap3A_447 : vector<1x1024x6xf32> to vector<1024x6xf32>
    %swap3A_449 = vector.shape_cast %broadcast_in_dim3A_443 : vector<1024x6xf32> to vector<1x1024x6xf32>
    tpu.vector_store %arg5[%swap3A_444, %swap3A_445, %swap3A_446], %swap3A_449 {strides = array<i32>} : memref<1x1024x16xf32, #tpu.memory_space<vmem>>, vector<1x1024x6xf32>,
    return
  }
  func.func @transform_0(%arg0: i32) -> (i32, i32, i32) {
    %c0_i32 = arith.constant 0 : i32
    %c0_i32_0 = arith.constant 0 : i32
    %c0_i32_1 = arith.constant 0 : i32
    return %arg0, %c0_i32, %c0_i32_0 : i32, i32, i32
  }
  func.func @transform_1(%arg0: i32) -> (i32, i32, i32) {
    %c0_i32 = arith.constant 0 : i32
    %c0_i32_0 = arith.constant 0 : i32
    %c0_i32_1 = arith.constant 0 : i32
    return %arg0, %c0_i32, %c0_i32_0 : i32, i32, i32
  }
  func.func @transform_2(%arg0: i32) -> (i32, i32, i32) {
    %c0_i32 = arith.constant 0 : i32
    %c0_i32_0 = arith.constant 0 : i32
    %c0_i32_1 = arith.constant 0 : i32
    return %arg0, %c0_i32, %c0_i32_0 : i32, i32, i32
  }
  func.func @transform_3(%arg0: i32) -> (i32, i32, i32) {
    %c0_i32 = arith.constant 0 : i32
    %c0_i32_0 = arith.constant 0 : i32
    %c0_i32_1 = arith.constant 0 : i32
    return %arg0, %c0_i32, %c0_i32_0 : i32, i32, i32
  }
  func.func @transform_4(%arg0: i32) -> (i32, i32, i32) {
    %c0_i32 = arith.constant 0 : i32
    %c0_i32_0 = arith.constant 0 : i32
    %c0_i32_1 = arith.constant 0 : i32
    return %arg0, %c0_i32, %c0_i32_0 : i32, i32, i32
  }
}

module attributes {stable_mosaic.version = 14 : i64} {
  func.func @_pc1a_body(%arg0: i32, %arg1: memref<1x1024x128xf32, #tpu.memory_space<vmem>>, %arg2: memref<5x128x128xf32, #tpu.memory_space<vmem>>, %arg3: memref<1x128xf32, #tpu.memory_space<vmem>>, %arg4: memref<1x1024x128xf32, #tpu.memory_space<vmem>>) attributes {dimension_semantics = [#tpu.dimension_semantics<arbitrary>], iteration_bounds = array<i64: 8>, scalar_prefetch = 0 : i64, scratch_operands = 0 : i64, tpu.core_type = #tpu.core_type<tc>, window_params = [{transform_indices = @transform_0, window_bounds = array<i64: 1, 1024, 128>}, {pipeline_mode = #tpu.pipeline_mode<synchronous>, transform_indices = @transform_1, window_bounds = array<i64: 5, 128, 128>}, {pipeline_mode = #tpu.pipeline_mode<synchronous>, transform_indices = @transform_2, window_bounds = array<i64: 1, 128>}, {transform_indices = @transform_3, window_bounds = array<i64: 1, 1024, 128>}]} {
    %get3A = arith.constant 0 : index
    %get3A_0 = arith.constant 0 : index
    %get3A_1 = arith.constant 0 : index
    %get3A_2 = vector.load %arg1[%get3A, %get3A_0, %get3A_1] : memref<1x1024x128xf32, #tpu.memory_space<vmem>>, vector<1x1024x128xf32>
    %get3A_3 = arith.constant 0 : index
    %get3A_4 = arith.constant 0 : index
    %get3A_5 = vector.load %arg3[%get3A_3, %get3A_4] : memref<1x128xf32, #tpu.memory_space<vmem>>, vector<1x128xf32>
    %broadcast_in_dim3A = arith.constant 0.000000e+00 : f32
    %broadcast_in_dim3A_6 = vector.broadcast %broadcast_in_dim3A : f32 to vector<1024x128xf32>
    %add3A = vector.broadcast %get3A_5 : vector<1x128xf32> to vector<1024x128xf32>
    %add3A_7 = arith.addf %add3A, %broadcast_in_dim3A_6 : vector<1024x128xf32>
    %slice3A = vector.extract_strided_slice %get3A_2 {offsets = [0, 1022, 0], sizes = [1, 2, 128], strides = [1, 1, 1]} : vector<1x1024x128xf32> to vector<1x2x128xf32>
    %slice3A_8 = vector.extract_strided_slice %get3A_2 {offsets = [0, 0, 0], sizes = [1, 1022, 128], strides = [1, 1, 1]} : vector<1x1024x128xf32> to vector<1x1022x128xf32>
    %concatenate3A = tpu.concatenate %slice3A, %slice3A_8 in 1 : vector<1x2x128xf32>, vector<1x1022x128xf32> -> vector<1x1024x128xf32>
    %reshape3A = vector.shape_cast %concatenate3A : vector<1x1024x128xf32> to vector<1024x128xf32>
    %get3A_9 = arith.constant 0 : index
    %get3A_10 = arith.constant 0 : index
    %get3A_11 = arith.constant 0 : index
    %get3A_12 = vector.load %arg2[%get3A_9, %get3A_10, %get3A_11] : memref<5x128x128xf32, #tpu.memory_space<vmem>>, vector<1x128x128xf32>
    %get3A_13 = vector.shape_cast %get3A_12 : vector<1x128x128xf32> to vector<128x128xf32>
    %dot_general3A = arith.constant dense<0.000000e+00> : vector<1024x128xf32>
    %dot_general3A_14 = tpu.matmul %reshape3A, %get3A_13, %dot_general3A {dimension_numbers = #tpu.dot_dimension_numbers<[1], [0], [0], [1], [0, 0, 1, 1], [], []>, precision = #tpu.contract_precision<fp32>, transpose_lhs_hint = false} : vector<1024x128xf32>, vector<128x128xf32>, vector<1024x128xf32> -> vector<1024x128xf32>
    %add3A_15 = arith.addf %add3A_7, %dot_general3A_14 : vector<1024x128xf32>
    %slice3A_16 = vector.extract_strided_slice %get3A_2 {offsets = [0, 1023, 0], sizes = [1, 1, 128], strides = [1, 1, 1]} : vector<1x1024x128xf32> to vector<1x1x128xf32>
    %slice3A_17 = vector.extract_strided_slice %get3A_2 {offsets = [0, 0, 0], sizes = [1, 1023, 128], strides = [1, 1, 1]} : vector<1x1024x128xf32> to vector<1x1023x128xf32>
    %concatenate3A_18 = tpu.concatenate %slice3A_16, %slice3A_17 in 1 : vector<1x1x128xf32>, vector<1x1023x128xf32> -> vector<1x1024x128xf32>
    %reshape3A_19 = vector.shape_cast %concatenate3A_18 : vector<1x1024x128xf32> to vector<1024x128xf32>
    %get3A_20 = arith.constant 1 : index
    %get3A_21 = arith.constant 0 : index
    %get3A_22 = arith.constant 0 : index
    %get3A_23 = vector.load %arg2[%get3A_20, %get3A_21, %get3A_22] : memref<5x128x128xf32, #tpu.memory_space<vmem>>, vector<1x128x128xf32>
    %get3A_24 = vector.shape_cast %get3A_23 : vector<1x128x128xf32> to vector<128x128xf32>
    %dot_general3A_25 = arith.constant dense<0.000000e+00> : vector<1024x128xf32>
    %dot_general3A_26 = tpu.matmul %reshape3A_19, %get3A_24, %dot_general3A_25 {dimension_numbers = #tpu.dot_dimension_numbers<[1], [0], [0], [1], [0, 0, 1, 1], [], []>, precision = #tpu.contract_precision<fp32>, transpose_lhs_hint = false} : vector<1024x128xf32>, vector<128x128xf32>, vector<1024x128xf32> -> vector<1024x128xf32>
    %add3A_27 = arith.addf %add3A_15, %dot_general3A_26 : vector<1024x128xf32>
    %reshape3A_28 = vector.shape_cast %get3A_2 : vector<1x1024x128xf32> to vector<1024x128xf32>
    %get3A_29 = arith.constant 2 : index
    %get3A_30 = arith.constant 0 : index
    %get3A_31 = arith.constant 0 : index
    %get3A_32 = vector.load %arg2[%get3A_29, %get3A_30, %get3A_31] : memref<5x128x128xf32, #tpu.memory_space<vmem>>, vector<1x128x128xf32>
    %get3A_33 = vector.shape_cast %get3A_32 : vector<1x128x128xf32> to vector<128x128xf32>
    %dot_general3A_34 = arith.constant dense<0.000000e+00> : vector<1024x128xf32>
    %dot_general3A_35 = tpu.matmul %reshape3A_28, %get3A_33, %dot_general3A_34 {dimension_numbers = #tpu.dot_dimension_numbers<[1], [0], [0], [1], [0, 0, 1, 1], [], []>, precision = #tpu.contract_precision<fp32>, transpose_lhs_hint = false} : vector<1024x128xf32>, vector<128x128xf32>, vector<1024x128xf32> -> vector<1024x128xf32>
    %add3A_36 = arith.addf %add3A_27, %dot_general3A_35 : vector<1024x128xf32>
    %slice3A_37 = vector.extract_strided_slice %get3A_2 {offsets = [0, 1, 0], sizes = [1, 1023, 128], strides = [1, 1, 1]} : vector<1x1024x128xf32> to vector<1x1023x128xf32>
    %slice3A_38 = vector.extract_strided_slice %get3A_2 {offsets = [0, 0, 0], sizes = [1, 1, 128], strides = [1, 1, 1]} : vector<1x1024x128xf32> to vector<1x1x128xf32>
    %concatenate3A_39 = tpu.concatenate %slice3A_37, %slice3A_38 in 1 : vector<1x1023x128xf32>, vector<1x1x128xf32> -> vector<1x1024x128xf32>
    %reshape3A_40 = vector.shape_cast %concatenate3A_39 : vector<1x1024x128xf32> to vector<1024x128xf32>
    %get3A_41 = arith.constant 3 : index
    %get3A_42 = arith.constant 0 : index
    %get3A_43 = arith.constant 0 : index
    %get3A_44 = vector.load %arg2[%get3A_41, %get3A_42, %get3A_43] : memref<5x128x128xf32, #tpu.memory_space<vmem>>, vector<1x128x128xf32>
    %get3A_45 = vector.shape_cast %get3A_44 : vector<1x128x128xf32> to vector<128x128xf32>
    %dot_general3A_46 = arith.constant dense<0.000000e+00> : vector<1024x128xf32>
    %dot_general3A_47 = tpu.matmul %reshape3A_40, %get3A_45, %dot_general3A_46 {dimension_numbers = #tpu.dot_dimension_numbers<[1], [0], [0], [1], [0, 0, 1, 1], [], []>, precision = #tpu.contract_precision<fp32>, transpose_lhs_hint = false} : vector<1024x128xf32>, vector<128x128xf32>, vector<1024x128xf32> -> vector<1024x128xf32>
    %add3A_48 = arith.addf %add3A_36, %dot_general3A_47 : vector<1024x128xf32>
    %slice3A_49 = vector.extract_strided_slice %get3A_2 {offsets = [0, 2, 0], sizes = [1, 1022, 128], strides = [1, 1, 1]} : vector<1x1024x128xf32> to vector<1x1022x128xf32>
    %slice3A_50 = vector.extract_strided_slice %get3A_2 {offsets = [0, 0, 0], sizes = [1, 2, 128], strides = [1, 1, 1]} : vector<1x1024x128xf32> to vector<1x2x128xf32>
    %concatenate3A_51 = tpu.concatenate %slice3A_49, %slice3A_50 in 1 : vector<1x1022x128xf32>, vector<1x2x128xf32> -> vector<1x1024x128xf32>
    %reshape3A_52 = vector.shape_cast %concatenate3A_51 : vector<1x1024x128xf32> to vector<1024x128xf32>
    %get3A_53 = arith.constant 4 : index
    %get3A_54 = arith.constant 0 : index
    %get3A_55 = arith.constant 0 : index
    %get3A_56 = vector.load %arg2[%get3A_53, %get3A_54, %get3A_55] : memref<5x128x128xf32, #tpu.memory_space<vmem>>, vector<1x128x128xf32>
    %get3A_57 = vector.shape_cast %get3A_56 : vector<1x128x128xf32> to vector<128x128xf32>
    %dot_general3A_58 = arith.constant dense<0.000000e+00> : vector<1024x128xf32>
    %dot_general3A_59 = tpu.matmul %reshape3A_52, %get3A_57, %dot_general3A_58 {dimension_numbers = #tpu.dot_dimension_numbers<[1], [0], [0], [1], [0, 0, 1, 1], [], []>, precision = #tpu.contract_precision<fp32>, transpose_lhs_hint = false} : vector<1024x128xf32>, vector<128x128xf32>, vector<1024x128xf32> -> vector<1024x128xf32>
    %add3A_60 = arith.addf %add3A_48, %dot_general3A_59 : vector<1024x128xf32>
    %reshape3A_61 = vector.shape_cast %add3A_60 : vector<1024x128xf32> to vector<1x1024x128xf32>
    %swap3A = arith.constant 0 : index
    %swap3A_62 = arith.constant 0 : index
    %swap3A_63 = arith.constant 0 : index
    %swap3A_64 = vector.load %arg4[%swap3A, %swap3A_62, %swap3A_63] : memref<1x1024x128xf32, #tpu.memory_space<vmem>>, vector<1x1024x128xf32>
    tpu.vector_store %arg4[%swap3A, %swap3A_62, %swap3A_63], %reshape3A_61 {strides = array<i32>} : memref<1x1024x128xf32, #tpu.memory_space<vmem>>, vector<1x1024x128xf32>,
    return
  }
  func.func @transform_0(%arg0: i32) -> (i32, i32, i32) {
    %c0_i32 = arith.constant 0 : i32
    %c0_i32_0 = arith.constant 0 : i32
    %c0_i32_1 = arith.constant 0 : i32
    return %arg0, %c0_i32, %c0_i32_0 : i32, i32, i32
  }
  func.func @transform_1(%arg0: i32) -> (i32, i32, i32) {
    %c0_i32 = arith.constant 0 : i32
    %c0_i32_0 = arith.constant 0 : i32
    %c0_i32_1 = arith.constant 0 : i32
    %c0_i32_2 = arith.constant 0 : i32
    return %c0_i32, %c0_i32_0, %c0_i32_1 : i32, i32, i32
  }
  func.func @transform_2(%arg0: i32) -> (i32, i32) {
    %c0_i32 = arith.constant 0 : i32
    %c0_i32_0 = arith.constant 0 : i32
    %c0_i32_1 = arith.constant 0 : i32
    return %c0_i32, %c0_i32_0 : i32, i32
  }
  func.func @transform_3(%arg0: i32) -> (i32, i32, i32) {
    %c0_i32 = arith.constant 0 : i32
    %c0_i32_0 = arith.constant 0 : i32
    %c0_i32_1 = arith.constant 0 : i32
    return %arg0, %c0_i32, %c0_i32_0 : i32, i32, i32
  }
}

module attributes {stable_mosaic.version = 14 : i64} {
  func.func @_pc1b_body(%arg0: memref<8192x128xf32, #tpu.memory_space<vmem>>, %arg1: memref<256x128xf32, #tpu.memory_space<vmem>>, %arg2: memref<256x3xf32, #tpu.memory_space<vmem>>, %arg3: memref<8x8x32xf32, #tpu.memory_space<vmem>>, %arg4: memref<1x128xf32, #tpu.memory_space<vmem>>, %arg5: memref<1x128xf32, #tpu.memory_space<vmem>>, %arg6: memref<256x256xf32, #tpu.memory_space<vmem>>, %arg7: memref<1x256xf32, #tpu.memory_space<vmem>>, %arg8: memref<1x256xf32, #tpu.memory_space<vmem>>, %arg9: memref<1x256xf32, #tpu.memory_space<vmem>>, %arg10: memref<256x128xf32, #tpu.memory_space<vmem>>, %arg11: memref<256x128xf32, #tpu.memory_space<vmem>>, %arg12: memref<3x128xf32, #tpu.memory_space<vmem>>, %arg13: memref<3x1xf32, #tpu.memory_space<vmem>>, %arg14: memref<1x128xf32, #tpu.memory_space<vmem>>, %arg15: memref<1x128xf32, #tpu.memory_space<vmem>>, %arg16: memref<1x128xf32, #tpu.memory_space<vmem>>, %arg17: memref<256x128xf32, #tpu.memory_space<vmem>>) attributes {dimension_semantics = [], scalar_prefetch = 0 : i64, scratch_operands = 0 : i64, tpu.core_type = #tpu.core_type<tc>} {
    %get3A = arith.constant 0 : index
    %get3A_0 = arith.constant 0 : index
    %get3A_1 = vector.load %arg0[%get3A, %get3A_0] : memref<8192x128xf32, #tpu.memory_space<vmem>>, vector<8192x128xf32>
    %get3A_2 = arith.constant 0 : index
    %get3A_3 = arith.constant 0 : index
    %get3A_4 = vector.load %arg4[%get3A_2, %get3A_3] : memref<1x128xf32, #tpu.memory_space<vmem>>, vector<1x128xf32>
    %get3A_5 = arith.constant 0 : index
    %get3A_6 = arith.constant 0 : index
    %get3A_7 = vector.load %arg5[%get3A_5, %get3A_6] : memref<1x128xf32, #tpu.memory_space<vmem>>, vector<1x128xf32>
    %reduce_sum3A = arith.constant dense<0.000000e+00> : vector<128xf32>
    %reduce_sum3A_8 = vector.multi_reduction <add>, %get3A_1, %reduce_sum3A [0] : vector<8192x128xf32> to vector<128xf32>
    %broadcast_in_dim3A = vector.shape_cast %reduce_sum3A_8 : vector<128xf32> to vector<1x128xf32>
    %div3A = arith.constant 8.192000e+03 : f32
    %div3A_9 = vector.broadcast %div3A : f32 to vector<1x128xf32>
    %div3A_10 = arith.divf %broadcast_in_dim3A, %div3A_9 : vector<1x128xf32>
    %sub3A = vector.broadcast %div3A_10 : vector<1x128xf32> to vector<8192x128xf32>
    %sub3A_11 = arith.subf %get3A_1, %sub3A : vector<8192x128xf32>
    %sub3A_12 = vector.broadcast %div3A_10 : vector<1x128xf32> to vector<8192x128xf32>
    %sub3A_13 = arith.subf %get3A_1, %sub3A_12 : vector<8192x128xf32>
    %mul3A = arith.mulf %sub3A_11, %sub3A_13 : vector<8192x128xf32>
    %reduce_sum3A_14 = arith.constant dense<0.000000e+00> : vector<128xf32>
    %reduce_sum3A_15 = vector.multi_reduction <add>, %mul3A, %reduce_sum3A_14 [0] : vector<8192x128xf32> to vector<128xf32>
    %broadcast_in_dim3A_16 = vector.shape_cast %reduce_sum3A_15 : vector<128xf32> to vector<1x128xf32>
    %div3A_17 = arith.constant 8.192000e+03 : f32
    %div3A_18 = vector.broadcast %div3A_17 : f32 to vector<1x128xf32>
    %div3A_19 = arith.divf %broadcast_in_dim3A_16, %div3A_18 : vector<1x128xf32>
    %sub3A_20 = vector.broadcast %div3A_10 : vector<1x128xf32> to vector<8192x128xf32>
    %sub3A_21 = arith.subf %get3A_1, %sub3A_20 : vector<8192x128xf32>
    %add3A = arith.constant 9.99999974E-6 : f32
    %add3A_22 = vector.broadcast %add3A : f32 to vector<1x128xf32>
    %add3A_23 = arith.addf %div3A_19, %add3A_22 : vector<1x128xf32>
    %sqrt3A = math.sqrt %add3A_23 : vector<1x128xf32>
    %div3A_24 = vector.broadcast %sqrt3A : vector<1x128xf32> to vector<8192x128xf32>
    %div3A_25 = arith.divf %sub3A_21, %div3A_24 : vector<8192x128xf32>
    %mul3A_26 = vector.broadcast %get3A_4 : vector<1x128xf32> to vector<8192x128xf32>
    %mul3A_27 = arith.mulf %div3A_25, %mul3A_26 : vector<8192x128xf32>
    %add3A_28 = vector.broadcast %get3A_7 : vector<1x128xf32> to vector<8192x128xf32>
    %add3A_29 = arith.addf %mul3A_27, %add3A_28 : vector<8192x128xf32>
    %logistic3A = arith.negf %add3A_29 : vector<8192x128xf32>
    %logistic3A_30 = math.exp %logistic3A : vector<8192x128xf32>
    %logistic3A_31 = arith.constant 1.000000e+00 : f32
    %logistic3A_32 = vector.broadcast %logistic3A_31 : f32 to vector<8192x128xf32>
    %logistic3A_33 = arith.addf %logistic3A_32, %logistic3A_30 : vector<8192x128xf32>
    %logistic3A_34 = arith.divf %logistic3A_32, %logistic3A_33 : vector<8192x128xf32>
    %mul3A_35 = arith.mulf %add3A_29, %logistic3A_34 : vector<8192x128xf32>
    %reshape3A = vector.shape_cast %mul3A_35 : vector<8192x128xf32> to vector<256x32x128xf32>
    %reduce_max3A = arith.constant dense<0xFF800000> : vector<256x128xf32>
    %reduce_max3A_36 = vector.multi_reduction <maximumf>, %reshape3A, %reduce_max3A [1] : vector<256x32x128xf32> to vector<256x128xf32>
    %get3A_37 = arith.constant 0 : index
    %get3A_38 = arith.constant 0 : index
    %get3A_39 = vector.load %arg1[%get3A_37, %get3A_38] : memref<256x128xf32, #tpu.memory_space<vmem>>, vector<256x128xf32>
    %concatenate3A = tpu.concatenate %get3A_39, %reduce_max3A_36 in 1 : vector<256x128xf32>, vector<256x128xf32> -> vector<256x256xf32>
    %get3A_40 = arith.constant 0 : index
    %get3A_41 = arith.constant 0 : index
    %get3A_42 = vector.load %arg6[%get3A_40, %get3A_41] : memref<256x256xf32, #tpu.memory_space<vmem>>, vector<256x256xf32>
    %dot_general3A = arith.constant dense<0.000000e+00> : vector<256x256xf32>
    %dot_general3A_43 = tpu.matmul %concatenate3A, %get3A_42, %dot_general3A {dimension_numbers = #tpu.dot_dimension_numbers<[1], [0], [0], [1], [0, 0, 1, 1], [], []>, precision = #tpu.contract_precision<fp32>, transpose_lhs_hint = false} : vector<256x256xf32>, vector<256x256xf32>, vector<256x256xf32> -> vector<256x256xf32>
    %get3A_44 = arith.constant 0 : index
    %get3A_45 = arith.constant 0 : index
    %get3A_46 = vector.load %arg7[%get3A_44, %get3A_45] : memref<1x256xf32, #tpu.memory_space<vmem>>, vector<1x256xf32>
    %add3A_47 = vector.broadcast %get3A_46 : vector<1x256xf32> to vector<256x256xf32>
    %add3A_48 = arith.addf %dot_general3A_43, %add3A_47 : vector<256x256xf32>
    %get3A_49 = arith.constant 0 : index
    %get3A_50 = arith.constant 0 : index
    %get3A_51 = vector.load %arg8[%get3A_49, %get3A_50] : memref<1x256xf32, #tpu.memory_space<vmem>>, vector<1x256xf32>
    %get3A_52 = arith.constant 0 : index
    %get3A_53 = arith.constant 0 : index
    %get3A_54 = vector.load %arg9[%get3A_52, %get3A_53] : memref<1x256xf32, #tpu.memory_space<vmem>>, vector<1x256xf32>
    %reduce_sum3A_55 = arith.constant dense<0.000000e+00> : vector<256xf32>
    %reduce_sum3A_56 = vector.multi_reduction <add>, %add3A_48, %reduce_sum3A_55 [0] : vector<256x256xf32> to vector<256xf32>
    %broadcast_in_dim3A_57 = vector.shape_cast %reduce_sum3A_56 : vector<256xf32> to vector<1x256xf32>
    %div3A_58 = arith.constant 2.560000e+02 : f32
    %div3A_59 = vector.broadcast %div3A_58 : f32 to vector<1x256xf32>
    %div3A_60 = arith.divf %broadcast_in_dim3A_57, %div3A_59 : vector<1x256xf32>
    %sub3A_61 = vector.broadcast %div3A_60 : vector<1x256xf32> to vector<256x256xf32>
    %sub3A_62 = arith.subf %add3A_48, %sub3A_61 : vector<256x256xf32>
    %sub3A_63 = vector.broadcast %div3A_60 : vector<1x256xf32> to vector<256x256xf32>
    %sub3A_64 = arith.subf %add3A_48, %sub3A_63 : vector<256x256xf32>
    %mul3A_65 = arith.mulf %sub3A_62, %sub3A_64 : vector<256x256xf32>
    %reduce_sum3A_66 = arith.constant dense<0.000000e+00> : vector<256xf32>
    %reduce_sum3A_67 = vector.multi_reduction <add>, %mul3A_65, %reduce_sum3A_66 [0] : vector<256x256xf32> to vector<256xf32>
    %broadcast_in_dim3A_68 = vector.shape_cast %reduce_sum3A_67 : vector<256xf32> to vector<1x256xf32>
    %div3A_69 = arith.constant 2.560000e+02 : f32
    %div3A_70 = vector.broadcast %div3A_69 : f32 to vector<1x256xf32>
    %div3A_71 = arith.divf %broadcast_in_dim3A_68, %div3A_70 : vector<1x256xf32>
    %sub3A_72 = vector.broadcast %div3A_60 : vector<1x256xf32> to vector<256x256xf32>
    %sub3A_73 = arith.subf %add3A_48, %sub3A_72 : vector<256x256xf32>
    %add3A_74 = arith.constant 9.99999974E-6 : f32
    %add3A_75 = vector.broadcast %add3A_74 : f32 to vector<1x256xf32>
    %add3A_76 = arith.addf %div3A_71, %add3A_75 : vector<1x256xf32>
    %sqrt3A_77 = math.sqrt %add3A_76 : vector<1x256xf32>
    %div3A_78 = vector.broadcast %sqrt3A_77 : vector<1x256xf32> to vector<256x256xf32>
    %div3A_79 = arith.divf %sub3A_73, %div3A_78 : vector<256x256xf32>
    %mul3A_80 = vector.broadcast %get3A_51 : vector<1x256xf32> to vector<256x256xf32>
    %mul3A_81 = arith.mulf %div3A_79, %mul3A_80 : vector<256x256xf32>
    %add3A_82 = vector.broadcast %get3A_54 : vector<1x256xf32> to vector<256x256xf32>
    %add3A_83 = arith.addf %mul3A_81, %add3A_82 : vector<256x256xf32>
    %logistic3A_84 = arith.negf %add3A_83 : vector<256x256xf32>
    %logistic3A_85 = math.exp %logistic3A_84 : vector<256x256xf32>
    %logistic3A_86 = arith.constant 1.000000e+00 : f32
    %logistic3A_87 = vector.broadcast %logistic3A_86 : f32 to vector<256x256xf32>
    %logistic3A_88 = arith.addf %logistic3A_87, %logistic3A_85 : vector<256x256xf32>
    %logistic3A_89 = arith.divf %logistic3A_87, %logistic3A_88 : vector<256x256xf32>
    %mul3A_90 = arith.mulf %add3A_83, %logistic3A_89 : vector<256x256xf32>
    %get3A_91 = arith.constant 0 : index
    %get3A_92 = arith.constant 0 : index
    %get3A_93 = vector.load %arg2[%get3A_91, %get3A_92] : memref<256x3xf32, #tpu.memory_space<vmem>>, vector<256x3xf32>
    %get3A_94 = arith.constant 0 : index
    %get3A_95 = arith.constant 0 : index
    %get3A_96 = vector.load %arg12[%get3A_94, %get3A_95] : memref<3x128xf32, #tpu.memory_space<vmem>>, vector<3x128xf32>
    %dot_general3A_97 = arith.constant dense<0.000000e+00> : vector<256x128xf32>
    %dot_general3A_98 = tpu.matmul %get3A_93, %get3A_96, %dot_general3A_97 {dimension_numbers = #tpu.dot_dimension_numbers<[1], [0], [0], [1], [0, 0, 1, 1], [], []>, precision = #tpu.contract_precision<fp32>, transpose_lhs_hint = false} : vector<256x3xf32>, vector<3x128xf32>, vector<256x128xf32> -> vector<256x128xf32>
    %get3A_99 = arith.constant 0 : index
    %get3A_100 = arith.constant 0 : index
    %get3A_101 = vector.load %arg10[%get3A_99, %get3A_100] : memref<256x128xf32, #tpu.memory_space<vmem>>, vector<256x128xf32>
    %dot_general3A_102 = arith.constant dense<0.000000e+00> : vector<256x128xf32>
    %dot_general3A_103 = tpu.matmul %mul3A_90, %get3A_101, %dot_general3A_102 {dimension_numbers = #tpu.dot_dimension_numbers<[1], [0], [0], [1], [0, 0, 1, 1], [], []>, precision = #tpu.contract_precision<fp32>, transpose_lhs_hint = false} : vector<256x256xf32>, vector<256x128xf32>, vector<256x128xf32> -> vector<256x128xf32>
    %get3A_104 = arith.constant 0 : index
    %get3A_105 = arith.constant 0 : index
    %get3A_106 = vector.load %arg14[%get3A_104, %get3A_105] : memref<1x128xf32, #tpu.memory_space<vmem>>, vector<1x128xf32>
    %add3A_107 = vector.broadcast %get3A_106 : vector<1x128xf32> to vector<256x128xf32>
    %add3A_108 = arith.addf %dot_general3A_103, %add3A_107 : vector<256x128xf32>
    %sub3A_109 = arith.subf %add3A_108, %dot_general3A_98 : vector<256x128xf32>
    %get3A_110 = arith.constant 0 : index
    %get3A_111 = arith.constant 0 : index
    %get3A_112 = vector.load %arg11[%get3A_110, %get3A_111] : memref<256x128xf32, #tpu.memory_space<vmem>>, vector<256x128xf32>
    %dot_general3A_113 = arith.constant dense<0.000000e+00> : vector<256x128xf32>
    %dot_general3A_114 = tpu.matmul %mul3A_90, %get3A_112, %dot_general3A_113 {dimension_numbers = #tpu.dot_dimension_numbers<[1], [0], [0], [1], [0, 0, 1, 1], [], []>, precision = #tpu.contract_precision<fp32>, transpose_lhs_hint = false} : vector<256x256xf32>, vector<256x128xf32>, vector<256x128xf32> -> vector<256x128xf32>
    %add3A_115 = arith.addf %dot_general3A_114, %dot_general3A_98 : vector<256x128xf32>
    %get3A_116 = arith.constant 0 : index
    %get3A_117 = arith.constant 0 : index
    %get3A_118 = vector.load %arg13[%get3A_116, %get3A_117] : memref<3x1xf32, #tpu.memory_space<vmem>>, vector<3x1xf32>
    %dot_general3A_119 = arith.constant dense<0.000000e+00> : vector<256x1xf32>
    %dot_general3A_120 = tpu.matmul %get3A_93, %get3A_118, %dot_general3A_119 {dimension_numbers = #tpu.dot_dimension_numbers<[1], [0], [0], [1], [0, 0, 1, 1], [], []>, precision = #tpu.contract_precision<fp32>, transpose_lhs_hint = false} : vector<256x3xf32>, vector<3x1xf32>, vector<256x1xf32> -> vector<256x1xf32>
    %concatenate3A_121 = tpu.concatenate %add3A_115, %dot_general3A_120 in 1 : vector<256x128xf32>, vector<256x1xf32> -> vector<256x129xf32>
    %reshape3A_122 = vector.shape_cast %get3A_93 : vector<256x3xf32> to vector<8x32x3xf32>
    %reshape3A_123 = vector.shape_cast %concatenate3A_121 : vector<256x129xf32> to vector<8x32x129xf32>
    %reshape3A_124 = vector.shape_cast %sub3A_109 : vector<256x128xf32> to vector<8x32x128xf32>
    %iota3A = tpu.iota {dimensions = array<i32: 1>} : vector<32x32xi32>
    %slice3A = vector.extract_strided_slice %reshape3A_122 {offsets = [0, 0, 0], sizes = [1, 32, 3], strides = [1, 1, 1]} : vector<8x32x3xf32> to vector<1x32x3xf32>
    %squeeze3A = vector.shape_cast %slice3A : vector<1x32x3xf32> to vector<32x3xf32>
    %get3A_125 = arith.constant 0 : index
    %get3A_126 = arith.constant 0 : index
    %get3A_127 = arith.constant 0 : index
    %get3A_128 = vector.load %arg3[%get3A_125, %get3A_126, %get3A_127] : memref<8x8x32xf32, #tpu.memory_space<vmem>>, vector<1x8x32xf32>
    %get3A_129 = vector.shape_cast %get3A_128 : vector<1x8x32xf32> to vector<8x32xf32>
    %mul3A_130 = arith.mulf %squeeze3A, %squeeze3A : vector<32x3xf32>
    %reduce_sum3A_131 = arith.constant dense<0.000000e+00> : vector<32xf32>
    %reduce_sum3A_132 = vector.multi_reduction <add>, %mul3A_130, %reduce_sum3A_131 [1] : vector<32x3xf32> to vector<32xf32>
    %broadcast_in_dim3A_133 = vector.shape_cast %reduce_sum3A_132 : vector<32xf32> to vector<32x1xf32>
    %mul3A_134 = arith.mulf %get3A_129, %get3A_129 : vector<8x32xf32>
    %reduce_sum3A_135 = arith.constant dense<0.000000e+00> : vector<32xf32>
    %reduce_sum3A_136 = vector.multi_reduction <add>, %mul3A_134, %reduce_sum3A_135 [0] : vector<8x32xf32> to vector<32xf32>
    %broadcast_in_dim3A_137 = vector.shape_cast %reduce_sum3A_136 : vector<32xf32> to vector<1x32xf32>
    %slice3A_138 = vector.extract_strided_slice %squeeze3A {offsets = [0, 0], sizes = [32, 1], strides = [1, 1]} : vector<32x3xf32> to vector<32x1xf32>
    %slice3A_139 = vector.extract_strided_slice %get3A_129 {offsets = [0, 0], sizes = [1, 32], strides = [1, 1]} : vector<8x32xf32> to vector<1x32xf32>
    %mul3A_140 = vector.broadcast %slice3A_138 : vector<32x1xf32> to vector<32x32xf32>
    %mul3A_141 = vector.broadcast %slice3A_139 : vector<1x32xf32> to vector<32x32xf32>
    %mul3A_142 = arith.mulf %mul3A_140, %mul3A_141 : vector<32x32xf32>
    %slice3A_143 = vector.extract_strided_slice %squeeze3A {offsets = [0, 1], sizes = [32, 1], strides = [1, 1]} : vector<32x3xf32> to vector<32x1xf32>
    %slice3A_144 = vector.extract_strided_slice %get3A_129 {offsets = [1, 0], sizes = [1, 32], strides = [1, 1]} : vector<8x32xf32> to vector<1x32xf32>
    %mul3A_145 = vector.broadcast %slice3A_143 : vector<32x1xf32> to vector<32x32xf32>
    %mul3A_146 = vector.broadcast %slice3A_144 : vector<1x32xf32> to vector<32x32xf32>
    %mul3A_147 = arith.mulf %mul3A_145, %mul3A_146 : vector<32x32xf32>
    %add3A_148 = arith.addf %mul3A_142, %mul3A_147 : vector<32x32xf32>
    %slice3A_149 = vector.extract_strided_slice %squeeze3A {offsets = [0, 2], sizes = [32, 1], strides = [1, 1]} : vector<32x3xf32> to vector<32x1xf32>
    %slice3A_150 = vector.extract_strided_slice %get3A_129 {offsets = [2, 0], sizes = [1, 32], strides = [1, 1]} : vector<8x32xf32> to vector<1x32xf32>
    %mul3A_151 = vector.broadcast %slice3A_149 : vector<32x1xf32> to vector<32x32xf32>
    %mul3A_152 = vector.broadcast %slice3A_150 : vector<1x32xf32> to vector<32x32xf32>
    %mul3A_153 = arith.mulf %mul3A_151, %mul3A_152 : vector<32x32xf32>
    %add3A_154 = arith.addf %add3A_148, %mul3A_153 : vector<32x32xf32>
    %add3A_155 = vector.broadcast %broadcast_in_dim3A_133 : vector<32x1xf32> to vector<32x32xf32>
    %add3A_156 = vector.broadcast %broadcast_in_dim3A_137 : vector<1x32xf32> to vector<32x32xf32>
    %add3A_157 = arith.addf %add3A_155, %add3A_156 : vector<32x32xf32>
    %mul3A_158 = arith.constant 2.000000e+00 : f32
    %mul3A_159 = vector.broadcast %mul3A_158 : f32 to vector<32x32xf32>
    %mul3A_160 = arith.mulf %mul3A_159, %add3A_154 : vector<32x32xf32>
    %sub3A_161 = arith.subf %add3A_157, %mul3A_160 : vector<32x32xf32>
    %reduce_min3A = arith.constant dense<0x7F800000> : vector<32xf32>
    %reduce_min3A_162 = vector.multi_reduction <minimumf>, %sub3A_161, %reduce_min3A [1] : vector<32x32xf32> to vector<32xf32>
    %broadcast_in_dim3A_163 = vector.shape_cast %reduce_min3A_162 : vector<32xf32> to vector<32x1xf32>
    %le3A = vector.broadcast %broadcast_in_dim3A_163 : vector<32x1xf32> to vector<32x32xf32>
    %le3A_164 = arith.cmpf ole, %sub3A_161, %le3A : vector<32x32xf32>
    %jit3A = arith.constant 64 : i32
    %broadcast_in_dim3A_165 = vector.broadcast %jit3A : i32 to vector<32x32xi32>
    %select_n3A = arith.select %le3A_164, %iota3A, %broadcast_in_dim3A_165 : vector<32x32xi1>, vector<32x32xi32>
    %reduce_min3A_166 = arith.constant dense<2147483647> : vector<32xi32>
    %reduce_min3A_167 = vector.multi_reduction <minsi>, %select_n3A, %reduce_min3A_166 [1] : vector<32x32xi32> to vector<32xi32>
    %broadcast_in_dim3A_168 = vector.shape_cast %reduce_min3A_167 : vector<32xi32> to vector<32x1xi32>
    %eq3A = vector.broadcast %broadcast_in_dim3A_168 : vector<32x1xi32> to vector<32x32xi32>
    %eq3A_169 = arith.cmpi eq, %iota3A, %eq3A : vector<32x32xi32>
    %convert_element_type3A = arith.extui %eq3A_169 : vector<32x32xi1> to vector<32x32xi32>
    %convert_element_type3A_170 = arith.sitofp %convert_element_type3A : vector<32x32xi32> to vector<32x32xf32>
    %slice3A_171 = vector.extract_strided_slice %reshape3A_123 {offsets = [0, 0, 0], sizes = [1, 32, 129], strides = [1, 1, 1]} : vector<8x32x129xf32> to vector<1x32x129xf32>
    %squeeze3A_172 = vector.shape_cast %slice3A_171 : vector<1x32x129xf32> to vector<32x129xf32>
    %dot_general3A_173 = arith.constant dense<0.000000e+00> : vector<32x129xf32>
    %dot_general3A_174 = tpu.matmul %convert_element_type3A_170, %squeeze3A_172, %dot_general3A_173 {dimension_numbers = #tpu.dot_dimension_numbers<[1], [0], [0], [1], [0, 0, 1, 1], [], []>, precision = #tpu.contract_precision<fp32>, transpose_lhs_hint = false} : vector<32x32xf32>, vector<32x129xf32>, vector<32x129xf32> -> vector<32x129xf32>
    %slice3A_175 = vector.extract_strided_slice %dot_general3A_174 {offsets = [0, 128], sizes = [32, 1], strides = [1, 1]} : vector<32x129xf32> to vector<32x1xf32>
    %slice3A_176 = vector.extract_strided_slice %reshape3A_124 {offsets = [0, 0, 0], sizes = [1, 32, 128], strides = [1, 1, 1]} : vector<8x32x128xf32> to vector<1x32x128xf32>
    %squeeze3A_177 = vector.shape_cast %slice3A_176 : vector<1x32x128xf32> to vector<32x128xf32>
    %slice3A_178 = vector.extract_strided_slice %dot_general3A_174 {offsets = [0, 0], sizes = [32, 128], strides = [1, 1]} : vector<32x129xf32> to vector<32x128xf32>
    %add3A_179 = arith.addf %squeeze3A_177, %slice3A_178 : vector<32x128xf32>
    %logistic3A_180 = arith.negf %add3A_179 : vector<32x128xf32>
    %logistic3A_181 = math.exp %logistic3A_180 : vector<32x128xf32>
    %logistic3A_182 = arith.constant 1.000000e+00 : f32
    %logistic3A_183 = vector.broadcast %logistic3A_182 : f32 to vector<32x128xf32>
    %logistic3A_184 = arith.addf %logistic3A_183, %logistic3A_181 : vector<32x128xf32>
    %logistic3A_185 = arith.divf %logistic3A_183, %logistic3A_184 : vector<32x128xf32>
    %mul3A_186 = arith.mulf %add3A_179, %logistic3A_185 : vector<32x128xf32>
    %eq3A_187 = vector.broadcast %broadcast_in_dim3A_168 : vector<32x1xi32> to vector<32x32xi32>
    %eq3A_188 = arith.cmpi eq, %iota3A, %eq3A_187 : vector<32x32xi32>
    %jit3A_189 = arith.constant 1.000000e+30 : f32
    %broadcast_in_dim3A_190 = vector.broadcast %jit3A_189 : f32 to vector<32x32xf32>
    %select_n3A_191 = arith.select %eq3A_188, %broadcast_in_dim3A_190, %sub3A_161 : vector<32x32xi1>, vector<32x32xf32>
    %reduce_min3A_192 = arith.constant dense<0x7F800000> : vector<32xf32>
    %reduce_min3A_193 = vector.multi_reduction <minimumf>, %select_n3A_191, %reduce_min3A_192 [1] : vector<32x32xf32> to vector<32xf32>
    %broadcast_in_dim3A_194 = vector.shape_cast %reduce_min3A_193 : vector<32xf32> to vector<32x1xf32>
    %le3A_195 = vector.broadcast %broadcast_in_dim3A_194 : vector<32x1xf32> to vector<32x32xf32>
    %le3A_196 = arith.cmpf ole, %select_n3A_191, %le3A_195 : vector<32x32xf32>
    %jit3A_197 = arith.constant 64 : i32
    %broadcast_in_dim3A_198 = vector.broadcast %jit3A_197 : i32 to vector<32x32xi32>
    %select_n3A_199 = arith.select %le3A_196, %iota3A, %broadcast_in_dim3A_198 : vector<32x32xi1>, vector<32x32xi32>
    %reduce_min3A_200 = arith.constant dense<2147483647> : vector<32xi32>
    %reduce_min3A_201 = vector.multi_reduction <minsi>, %select_n3A_199, %reduce_min3A_200 [1] : vector<32x32xi32> to vector<32xi32>
    %broadcast_in_dim3A_202 = vector.shape_cast %reduce_min3A_201 : vector<32xi32> to vector<32x1xi32>
    %eq3A_203 = vector.broadcast %broadcast_in_dim3A_202 : vector<32x1xi32> to vector<32x32xi32>
    %eq3A_204 = arith.cmpi eq, %iota3A, %eq3A_203 : vector<32x32xi32>
    %convert_element_type3A_205 = arith.extui %eq3A_204 : vector<32x32xi1> to vector<32x32xi32>
    %convert_element_type3A_206 = arith.sitofp %convert_element_type3A_205 : vector<32x32xi32> to vector<32x32xf32>
    %slice3A_207 = vector.extract_strided_slice %reshape3A_123 {offsets = [0, 0, 0], sizes = [1, 32, 129], strides = [1, 1, 1]} : vector<8x32x129xf32> to vector<1x32x129xf32>
    %squeeze3A_208 = vector.shape_cast %slice3A_207 : vector<1x32x129xf32> to vector<32x129xf32>
    %dot_general3A_209 = arith.constant dense<0.000000e+00> : vector<32x129xf32>
    %dot_general3A_210 = tpu.matmul %convert_element_type3A_206, %squeeze3A_208, %dot_general3A_209 {dimension_numbers = #tpu.dot_dimension_numbers<[1], [0], [0], [1], [0, 0, 1, 1], [], []>, precision = #tpu.contract_precision<fp32>, transpose_lhs_hint = false} : vector<32x32xf32>, vector<32x129xf32>, vector<32x129xf32> -> vector<32x129xf32>
    %slice3A_211 = vector.extract_strided_slice %dot_general3A_210 {offsets = [0, 128], sizes = [32, 1], strides = [1, 1]} : vector<32x129xf32> to vector<32x1xf32>
    %slice3A_212 = vector.extract_strided_slice %reshape3A_124 {offsets = [0, 0, 0], sizes = [1, 32, 128], strides = [1, 1, 1]} : vector<8x32x128xf32> to vector<1x32x128xf32>
    %squeeze3A_213 = vector.shape_cast %slice3A_212 : vector<1x32x128xf32> to vector<32x128xf32>
    %slice3A_214 = vector.extract_strided_slice %dot_general3A_210 {offsets = [0, 0], sizes = [32, 128], strides = [1, 1]} : vector<32x129xf32> to vector<32x128xf32>
    %add3A_215 = arith.addf %squeeze3A_213, %slice3A_214 : vector<32x128xf32>
    %logistic3A_216 = arith.negf %add3A_215 : vector<32x128xf32>
    %logistic3A_217 = math.exp %logistic3A_216 : vector<32x128xf32>
    %logistic3A_218 = arith.constant 1.000000e+00 : f32
    %logistic3A_219 = vector.broadcast %logistic3A_218 : f32 to vector<32x128xf32>
    %logistic3A_220 = arith.addf %logistic3A_219, %logistic3A_217 : vector<32x128xf32>
    %logistic3A_221 = arith.divf %logistic3A_219, %logistic3A_220 : vector<32x128xf32>
    %mul3A_222 = arith.mulf %add3A_215, %logistic3A_221 : vector<32x128xf32>
    %max3A = arith.maximumf %slice3A_175, %slice3A_211 : vector<32x1xf32>
    %sub3A_223 = arith.subf %slice3A_175, %max3A : vector<32x1xf32>
    %exp3A = math.exp %sub3A_223 : vector<32x1xf32>
    %sub3A_224 = arith.subf %slice3A_211, %max3A : vector<32x1xf32>
    %exp3A_225 = math.exp %sub3A_224 : vector<32x1xf32>
    %mul3A_226 = vector.broadcast %exp3A : vector<32x1xf32> to vector<32x128xf32>
    %mul3A_227 = arith.mulf %mul3A_226, %mul3A_186 : vector<32x128xf32>
    %mul3A_228 = vector.broadcast %exp3A_225 : vector<32x1xf32> to vector<32x128xf32>
    %mul3A_229 = arith.mulf %mul3A_228, %mul3A_222 : vector<32x128xf32>
    %add3A_230 = arith.addf %mul3A_227, %mul3A_229 : vector<32x128xf32>
    %add3A_231 = arith.addf %exp3A, %exp3A_225 : vector<32x1xf32>
    %div3A_232 = vector.broadcast %add3A_231 : vector<32x1xf32> to vector<32x128xf32>
    %div3A_233 = arith.divf %add3A_230, %div3A_232 : vector<32x128xf32>
    %slice3A_234 = vector.extract_strided_slice %reshape3A_122 {offsets = [1, 0, 0], sizes = [1, 32, 3], strides = [1, 1, 1]} : vector<8x32x3xf32> to vector<1x32x3xf32>
    %squeeze3A_235 = vector.shape_cast %slice3A_234 : vector<1x32x3xf32> to vector<32x3xf32>
    %get3A_236 = arith.constant 1 : index
    %get3A_237 = arith.constant 0 : index
    %get3A_238 = arith.constant 0 : index
    %get3A_239 = vector.load %arg3[%get3A_236, %get3A_237, %get3A_238] : memref<8x8x32xf32, #tpu.memory_space<vmem>>, vector<1x8x32xf32>
    %get3A_240 = vector.shape_cast %get3A_239 : vector<1x8x32xf32> to vector<8x32xf32>
    %mul3A_241 = arith.mulf %squeeze3A_235, %squeeze3A_235 : vector<32x3xf32>
    %reduce_sum3A_242 = arith.constant dense<0.000000e+00> : vector<32xf32>
    %reduce_sum3A_243 = vector.multi_reduction <add>, %mul3A_241, %reduce_sum3A_242 [1] : vector<32x3xf32> to vector<32xf32>
    %broadcast_in_dim3A_244 = vector.shape_cast %reduce_sum3A_243 : vector<32xf32> to vector<32x1xf32>
    %mul3A_245 = arith.mulf %get3A_240, %get3A_240 : vector<8x32xf32>
    %reduce_sum3A_246 = arith.constant dense<0.000000e+00> : vector<32xf32>
    %reduce_sum3A_247 = vector.multi_reduction <add>, %mul3A_245, %reduce_sum3A_246 [0] : vector<8x32xf32> to vector<32xf32>
    %broadcast_in_dim3A_248 = vector.shape_cast %reduce_sum3A_247 : vector<32xf32> to vector<1x32xf32>
    %slice3A_249 = vector.extract_strided_slice %squeeze3A_235 {offsets = [0, 0], sizes = [32, 1], strides = [1, 1]} : vector<32x3xf32> to vector<32x1xf32>
    %slice3A_250 = vector.extract_strided_slice %get3A_240 {offsets = [0, 0], sizes = [1, 32], strides = [1, 1]} : vector<8x32xf32> to vector<1x32xf32>
    %mul3A_251 = vector.broadcast %slice3A_249 : vector<32x1xf32> to vector<32x32xf32>
    %mul3A_252 = vector.broadcast %slice3A_250 : vector<1x32xf32> to vector<32x32xf32>
    %mul3A_253 = arith.mulf %mul3A_251, %mul3A_252 : vector<32x32xf32>
    %slice3A_254 = vector.extract_strided_slice %squeeze3A_235 {offsets = [0, 1], sizes = [32, 1], strides = [1, 1]} : vector<32x3xf32> to vector<32x1xf32>
    %slice3A_255 = vector.extract_strided_slice %get3A_240 {offsets = [1, 0], sizes = [1, 32], strides = [1, 1]} : vector<8x32xf32> to vector<1x32xf32>
    %mul3A_256 = vector.broadcast %slice3A_254 : vector<32x1xf32> to vector<32x32xf32>
    %mul3A_257 = vector.broadcast %slice3A_255 : vector<1x32xf32> to vector<32x32xf32>
    %mul3A_258 = arith.mulf %mul3A_256, %mul3A_257 : vector<32x32xf32>
    %add3A_259 = arith.addf %mul3A_253, %mul3A_258 : vector<32x32xf32>
    %slice3A_260 = vector.extract_strided_slice %squeeze3A_235 {offsets = [0, 2], sizes = [32, 1], strides = [1, 1]} : vector<32x3xf32> to vector<32x1xf32>
    %slice3A_261 = vector.extract_strided_slice %get3A_240 {offsets = [2, 0], sizes = [1, 32], strides = [1, 1]} : vector<8x32xf32> to vector<1x32xf32>
    %mul3A_262 = vector.broadcast %slice3A_260 : vector<32x1xf32> to vector<32x32xf32>
    %mul3A_263 = vector.broadcast %slice3A_261 : vector<1x32xf32> to vector<32x32xf32>
    %mul3A_264 = arith.mulf %mul3A_262, %mul3A_263 : vector<32x32xf32>
    %add3A_265 = arith.addf %add3A_259, %mul3A_264 : vector<32x32xf32>
    %add3A_266 = vector.broadcast %broadcast_in_dim3A_244 : vector<32x1xf32> to vector<32x32xf32>
    %add3A_267 = vector.broadcast %broadcast_in_dim3A_248 : vector<1x32xf32> to vector<32x32xf32>
    %add3A_268 = arith.addf %add3A_266, %add3A_267 : vector<32x32xf32>
    %mul3A_269 = arith.constant 2.000000e+00 : f32
    %mul3A_270 = vector.broadcast %mul3A_269 : f32 to vector<32x32xf32>
    %mul3A_271 = arith.mulf %mul3A_270, %add3A_265 : vector<32x32xf32>
    %sub3A_272 = arith.subf %add3A_268, %mul3A_271 : vector<32x32xf32>
    %reduce_min3A_273 = arith.constant dense<0x7F800000> : vector<32xf32>
    %reduce_min3A_274 = vector.multi_reduction <minimumf>, %sub3A_272, %reduce_min3A_273 [1] : vector<32x32xf32> to vector<32xf32>
    %broadcast_in_dim3A_275 = vector.shape_cast %reduce_min3A_274 : vector<32xf32> to vector<32x1xf32>
    %le3A_276 = vector.broadcast %broadcast_in_dim3A_275 : vector<32x1xf32> to vector<32x32xf32>
    %le3A_277 = arith.cmpf ole, %sub3A_272, %le3A_276 : vector<32x32xf32>
    %jit3A_278 = arith.constant 64 : i32
    %broadcast_in_dim3A_279 = vector.broadcast %jit3A_278 : i32 to vector<32x32xi32>
    %select_n3A_280 = arith.select %le3A_277, %iota3A, %broadcast_in_dim3A_279 : vector<32x32xi1>, vector<32x32xi32>
    %reduce_min3A_281 = arith.constant dense<2147483647> : vector<32xi32>
    %reduce_min3A_282 = vector.multi_reduction <minsi>, %select_n3A_280, %reduce_min3A_281 [1] : vector<32x32xi32> to vector<32xi32>
    %broadcast_in_dim3A_283 = vector.shape_cast %reduce_min3A_282 : vector<32xi32> to vector<32x1xi32>
    %eq3A_284 = vector.broadcast %broadcast_in_dim3A_283 : vector<32x1xi32> to vector<32x32xi32>
    %eq3A_285 = arith.cmpi eq, %iota3A, %eq3A_284 : vector<32x32xi32>
    %convert_element_type3A_286 = arith.extui %eq3A_285 : vector<32x32xi1> to vector<32x32xi32>
    %convert_element_type3A_287 = arith.sitofp %convert_element_type3A_286 : vector<32x32xi32> to vector<32x32xf32>
    %slice3A_288 = vector.extract_strided_slice %reshape3A_123 {offsets = [1, 0, 0], sizes = [1, 32, 129], strides = [1, 1, 1]} : vector<8x32x129xf32> to vector<1x32x129xf32>
    %squeeze3A_289 = vector.shape_cast %slice3A_288 : vector<1x32x129xf32> to vector<32x129xf32>
    %dot_general3A_290 = arith.constant dense<0.000000e+00> : vector<32x129xf32>
    %dot_general3A_291 = tpu.matmul %convert_element_type3A_287, %squeeze3A_289, %dot_general3A_290 {dimension_numbers = #tpu.dot_dimension_numbers<[1], [0], [0], [1], [0, 0, 1, 1], [], []>, precision = #tpu.contract_precision<fp32>, transpose_lhs_hint = false} : vector<32x32xf32>, vector<32x129xf32>, vector<32x129xf32> -> vector<32x129xf32>
    %slice3A_292 = vector.extract_strided_slice %dot_general3A_291 {offsets = [0, 128], sizes = [32, 1], strides = [1, 1]} : vector<32x129xf32> to vector<32x1xf32>
    %slice3A_293 = vector.extract_strided_slice %reshape3A_124 {offsets = [1, 0, 0], sizes = [1, 32, 128], strides = [1, 1, 1]} : vector<8x32x128xf32> to vector<1x32x128xf32>
    %squeeze3A_294 = vector.shape_cast %slice3A_293 : vector<1x32x128xf32> to vector<32x128xf32>
    %slice3A_295 = vector.extract_strided_slice %dot_general3A_291 {offsets = [0, 0], sizes = [32, 128], strides = [1, 1]} : vector<32x129xf32> to vector<32x128xf32>
    %add3A_296 = arith.addf %squeeze3A_294, %slice3A_295 : vector<32x128xf32>
    %logistic3A_297 = arith.negf %add3A_296 : vector<32x128xf32>
    %logistic3A_298 = math.exp %logistic3A_297 : vector<32x128xf32>
    %logistic3A_299 = arith.constant 1.000000e+00 : f32
    %logistic3A_300 = vector.broadcast %logistic3A_299 : f32 to vector<32x128xf32>
    %logistic3A_301 = arith.addf %logistic3A_300, %logistic3A_298 : vector<32x128xf32>
    %logistic3A_302 = arith.divf %logistic3A_300, %logistic3A_301 : vector<32x128xf32>
    %mul3A_303 = arith.mulf %add3A_296, %logistic3A_302 : vector<32x128xf32>
    %eq3A_304 = vector.broadcast %broadcast_in_dim3A_283 : vector<32x1xi32> to vector<32x32xi32>
    %eq3A_305 = arith.cmpi eq, %iota3A, %eq3A_304 : vector<32x32xi32>
    %jit3A_306 = arith.constant 1.000000e+30 : f32
    %broadcast_in_dim3A_307 = vector.broadcast %jit3A_306 : f32 to vector<32x32xf32>
    %select_n3A_308 = arith.select %eq3A_305, %broadcast_in_dim3A_307, %sub3A_272 : vector<32x32xi1>, vector<32x32xf32>
    %reduce_min3A_309 = arith.constant dense<0x7F800000> : vector<32xf32>
    %reduce_min3A_310 = vector.multi_reduction <minimumf>, %select_n3A_308, %reduce_min3A_309 [1] : vector<32x32xf32> to vector<32xf32>
    %broadcast_in_dim3A_311 = vector.shape_cast %reduce_min3A_310 : vector<32xf32> to vector<32x1xf32>
    %le3A_312 = vector.broadcast %broadcast_in_dim3A_311 : vector<32x1xf32> to vector<32x32xf32>
    %le3A_313 = arith.cmpf ole, %select_n3A_308, %le3A_312 : vector<32x32xf32>
    %jit3A_314 = arith.constant 64 : i32
    %broadcast_in_dim3A_315 = vector.broadcast %jit3A_314 : i32 to vector<32x32xi32>
    %select_n3A_316 = arith.select %le3A_313, %iota3A, %broadcast_in_dim3A_315 : vector<32x32xi1>, vector<32x32xi32>
    %reduce_min3A_317 = arith.constant dense<2147483647> : vector<32xi32>
    %reduce_min3A_318 = vector.multi_reduction <minsi>, %select_n3A_316, %reduce_min3A_317 [1] : vector<32x32xi32> to vector<32xi32>
    %broadcast_in_dim3A_319 = vector.shape_cast %reduce_min3A_318 : vector<32xi32> to vector<32x1xi32>
    %eq3A_320 = vector.broadcast %broadcast_in_dim3A_319 : vector<32x1xi32> to vector<32x32xi32>
    %eq3A_321 = arith.cmpi eq, %iota3A, %eq3A_320 : vector<32x32xi32>
    %convert_element_type3A_322 = arith.extui %eq3A_321 : vector<32x32xi1> to vector<32x32xi32>
    %convert_element_type3A_323 = arith.sitofp %convert_element_type3A_322 : vector<32x32xi32> to vector<32x32xf32>
    %slice3A_324 = vector.extract_strided_slice %reshape3A_123 {offsets = [1, 0, 0], sizes = [1, 32, 129], strides = [1, 1, 1]} : vector<8x32x129xf32> to vector<1x32x129xf32>
    %squeeze3A_325 = vector.shape_cast %slice3A_324 : vector<1x32x129xf32> to vector<32x129xf32>
    %dot_general3A_326 = arith.constant dense<0.000000e+00> : vector<32x129xf32>
    %dot_general3A_327 = tpu.matmul %convert_element_type3A_323, %squeeze3A_325, %dot_general3A_326 {dimension_numbers = #tpu.dot_dimension_numbers<[1], [0], [0], [1], [0, 0, 1, 1], [], []>, precision = #tpu.contract_precision<fp32>, transpose_lhs_hint = false} : vector<32x32xf32>, vector<32x129xf32>, vector<32x129xf32> -> vector<32x129xf32>
    %slice3A_328 = vector.extract_strided_slice %dot_general3A_327 {offsets = [0, 128], sizes = [32, 1], strides = [1, 1]} : vector<32x129xf32> to vector<32x1xf32>
    %slice3A_329 = vector.extract_strided_slice %reshape3A_124 {offsets = [1, 0, 0], sizes = [1, 32, 128], strides = [1, 1, 1]} : vector<8x32x128xf32> to vector<1x32x128xf32>
    %squeeze3A_330 = vector.shape_cast %slice3A_329 : vector<1x32x128xf32> to vector<32x128xf32>
    %slice3A_331 = vector.extract_strided_slice %dot_general3A_327 {offsets = [0, 0], sizes = [32, 128], strides = [1, 1]} : vector<32x129xf32> to vector<32x128xf32>
    %add3A_332 = arith.addf %squeeze3A_330, %slice3A_331 : vector<32x128xf32>
    %logistic3A_333 = arith.negf %add3A_332 : vector<32x128xf32>
    %logistic3A_334 = math.exp %logistic3A_333 : vector<32x128xf32>
    %logistic3A_335 = arith.constant 1.000000e+00 : f32
    %logistic3A_336 = vector.broadcast %logistic3A_335 : f32 to vector<32x128xf32>
    %logistic3A_337 = arith.addf %logistic3A_336, %logistic3A_334 : vector<32x128xf32>
    %logistic3A_338 = arith.divf %logistic3A_336, %logistic3A_337 : vector<32x128xf32>
    %mul3A_339 = arith.mulf %add3A_332, %logistic3A_338 : vector<32x128xf32>
    %max3A_340 = arith.maximumf %slice3A_292, %slice3A_328 : vector<32x1xf32>
    %sub3A_341 = arith.subf %slice3A_292, %max3A_340 : vector<32x1xf32>
    %exp3A_342 = math.exp %sub3A_341 : vector<32x1xf32>
    %sub3A_343 = arith.subf %slice3A_328, %max3A_340 : vector<32x1xf32>
    %exp3A_344 = math.exp %sub3A_343 : vector<32x1xf32>
    %mul3A_345 = vector.broadcast %exp3A_342 : vector<32x1xf32> to vector<32x128xf32>
    %mul3A_346 = arith.mulf %mul3A_345, %mul3A_303 : vector<32x128xf32>
    %mul3A_347 = vector.broadcast %exp3A_344 : vector<32x1xf32> to vector<32x128xf32>
    %mul3A_348 = arith.mulf %mul3A_347, %mul3A_339 : vector<32x128xf32>
    %add3A_349 = arith.addf %mul3A_346, %mul3A_348 : vector<32x128xf32>
    %add3A_350 = arith.addf %exp3A_342, %exp3A_344 : vector<32x1xf32>
    %div3A_351 = vector.broadcast %add3A_350 : vector<32x1xf32> to vector<32x128xf32>
    %div3A_352 = arith.divf %add3A_349, %div3A_351 : vector<32x128xf32>
    %slice3A_353 = vector.extract_strided_slice %reshape3A_122 {offsets = [2, 0, 0], sizes = [1, 32, 3], strides = [1, 1, 1]} : vector<8x32x3xf32> to vector<1x32x3xf32>
    %squeeze3A_354 = vector.shape_cast %slice3A_353 : vector<1x32x3xf32> to vector<32x3xf32>
    %get3A_355 = arith.constant 2 : index
    %get3A_356 = arith.constant 0 : index
    %get3A_357 = arith.constant 0 : index
    %get3A_358 = vector.load %arg3[%get3A_355, %get3A_356, %get3A_357] : memref<8x8x32xf32, #tpu.memory_space<vmem>>, vector<1x8x32xf32>
    %get3A_359 = vector.shape_cast %get3A_358 : vector<1x8x32xf32> to vector<8x32xf32>
    %mul3A_360 = arith.mulf %squeeze3A_354, %squeeze3A_354 : vector<32x3xf32>
    %reduce_sum3A_361 = arith.constant dense<0.000000e+00> : vector<32xf32>
    %reduce_sum3A_362 = vector.multi_reduction <add>, %mul3A_360, %reduce_sum3A_361 [1] : vector<32x3xf32> to vector<32xf32>
    %broadcast_in_dim3A_363 = vector.shape_cast %reduce_sum3A_362 : vector<32xf32> to vector<32x1xf32>
    %mul3A_364 = arith.mulf %get3A_359, %get3A_359 : vector<8x32xf32>
    %reduce_sum3A_365 = arith.constant dense<0.000000e+00> : vector<32xf32>
    %reduce_sum3A_366 = vector.multi_reduction <add>, %mul3A_364, %reduce_sum3A_365 [0] : vector<8x32xf32> to vector<32xf32>
    %broadcast_in_dim3A_367 = vector.shape_cast %reduce_sum3A_366 : vector<32xf32> to vector<1x32xf32>
    %slice3A_368 = vector.extract_strided_slice %squeeze3A_354 {offsets = [0, 0], sizes = [32, 1], strides = [1, 1]} : vector<32x3xf32> to vector<32x1xf32>
    %slice3A_369 = vector.extract_strided_slice %get3A_359 {offsets = [0, 0], sizes = [1, 32], strides = [1, 1]} : vector<8x32xf32> to vector<1x32xf32>
    %mul3A_370 = vector.broadcast %slice3A_368 : vector<32x1xf32> to vector<32x32xf32>
    %mul3A_371 = vector.broadcast %slice3A_369 : vector<1x32xf32> to vector<32x32xf32>
    %mul3A_372 = arith.mulf %mul3A_370, %mul3A_371 : vector<32x32xf32>
    %slice3A_373 = vector.extract_strided_slice %squeeze3A_354 {offsets = [0, 1], sizes = [32, 1], strides = [1, 1]} : vector<32x3xf32> to vector<32x1xf32>
    %slice3A_374 = vector.extract_strided_slice %get3A_359 {offsets = [1, 0], sizes = [1, 32], strides = [1, 1]} : vector<8x32xf32> to vector<1x32xf32>
    %mul3A_375 = vector.broadcast %slice3A_373 : vector<32x1xf32> to vector<32x32xf32>
    %mul3A_376 = vector.broadcast %slice3A_374 : vector<1x32xf32> to vector<32x32xf32>
    %mul3A_377 = arith.mulf %mul3A_375, %mul3A_376 : vector<32x32xf32>
    %add3A_378 = arith.addf %mul3A_372, %mul3A_377 : vector<32x32xf32>
    %slice3A_379 = vector.extract_strided_slice %squeeze3A_354 {offsets = [0, 2], sizes = [32, 1], strides = [1, 1]} : vector<32x3xf32> to vector<32x1xf32>
    %slice3A_380 = vector.extract_strided_slice %get3A_359 {offsets = [2, 0], sizes = [1, 32], strides = [1, 1]} : vector<8x32xf32> to vector<1x32xf32>
    %mul3A_381 = vector.broadcast %slice3A_379 : vector<32x1xf32> to vector<32x32xf32>
    %mul3A_382 = vector.broadcast %slice3A_380 : vector<1x32xf32> to vector<32x32xf32>
    %mul3A_383 = arith.mulf %mul3A_381, %mul3A_382 : vector<32x32xf32>
    %add3A_384 = arith.addf %add3A_378, %mul3A_383 : vector<32x32xf32>
    %add3A_385 = vector.broadcast %broadcast_in_dim3A_363 : vector<32x1xf32> to vector<32x32xf32>
    %add3A_386 = vector.broadcast %broadcast_in_dim3A_367 : vector<1x32xf32> to vector<32x32xf32>
    %add3A_387 = arith.addf %add3A_385, %add3A_386 : vector<32x32xf32>
    %mul3A_388 = arith.constant 2.000000e+00 : f32
    %mul3A_389 = vector.broadcast %mul3A_388 : f32 to vector<32x32xf32>
    %mul3A_390 = arith.mulf %mul3A_389, %add3A_384 : vector<32x32xf32>
    %sub3A_391 = arith.subf %add3A_387, %mul3A_390 : vector<32x32xf32>
    %reduce_min3A_392 = arith.constant dense<0x7F800000> : vector<32xf32>
    %reduce_min3A_393 = vector.multi_reduction <minimumf>, %sub3A_391, %reduce_min3A_392 [1] : vector<32x32xf32> to vector<32xf32>
    %broadcast_in_dim3A_394 = vector.shape_cast %reduce_min3A_393 : vector<32xf32> to vector<32x1xf32>
    %le3A_395 = vector.broadcast %broadcast_in_dim3A_394 : vector<32x1xf32> to vector<32x32xf32>
    %le3A_396 = arith.cmpf ole, %sub3A_391, %le3A_395 : vector<32x32xf32>
    %jit3A_397 = arith.constant 64 : i32
    %broadcast_in_dim3A_398 = vector.broadcast %jit3A_397 : i32 to vector<32x32xi32>
    %select_n3A_399 = arith.select %le3A_396, %iota3A, %broadcast_in_dim3A_398 : vector<32x32xi1>, vector<32x32xi32>
    %reduce_min3A_400 = arith.constant dense<2147483647> : vector<32xi32>
    %reduce_min3A_401 = vector.multi_reduction <minsi>, %select_n3A_399, %reduce_min3A_400 [1] : vector<32x32xi32> to vector<32xi32>
    %broadcast_in_dim3A_402 = vector.shape_cast %reduce_min3A_401 : vector<32xi32> to vector<32x1xi32>
    %eq3A_403 = vector.broadcast %broadcast_in_dim3A_402 : vector<32x1xi32> to vector<32x32xi32>
    %eq3A_404 = arith.cmpi eq, %iota3A, %eq3A_403 : vector<32x32xi32>
    %convert_element_type3A_405 = arith.extui %eq3A_404 : vector<32x32xi1> to vector<32x32xi32>
    %convert_element_type3A_406 = arith.sitofp %convert_element_type3A_405 : vector<32x32xi32> to vector<32x32xf32>
    %slice3A_407 = vector.extract_strided_slice %reshape3A_123 {offsets = [2, 0, 0], sizes = [1, 32, 129], strides = [1, 1, 1]} : vector<8x32x129xf32> to vector<1x32x129xf32>
    %squeeze3A_408 = vector.shape_cast %slice3A_407 : vector<1x32x129xf32> to vector<32x129xf32>
    %dot_general3A_409 = arith.constant dense<0.000000e+00> : vector<32x129xf32>
    %dot_general3A_410 = tpu.matmul %convert_element_type3A_406, %squeeze3A_408, %dot_general3A_409 {dimension_numbers = #tpu.dot_dimension_numbers<[1], [0], [0], [1], [0, 0, 1, 1], [], []>, precision = #tpu.contract_precision<fp32>, transpose_lhs_hint = false} : vector<32x32xf32>, vector<32x129xf32>, vector<32x129xf32> -> vector<32x129xf32>
    %slice3A_411 = vector.extract_strided_slice %dot_general3A_410 {offsets = [0, 128], sizes = [32, 1], strides = [1, 1]} : vector<32x129xf32> to vector<32x1xf32>
    %slice3A_412 = vector.extract_strided_slice %reshape3A_124 {offsets = [2, 0, 0], sizes = [1, 32, 128], strides = [1, 1, 1]} : vector<8x32x128xf32> to vector<1x32x128xf32>
    %squeeze3A_413 = vector.shape_cast %slice3A_412 : vector<1x32x128xf32> to vector<32x128xf32>
    %slice3A_414 = vector.extract_strided_slice %dot_general3A_410 {offsets = [0, 0], sizes = [32, 128], strides = [1, 1]} : vector<32x129xf32> to vector<32x128xf32>
    %add3A_415 = arith.addf %squeeze3A_413, %slice3A_414 : vector<32x128xf32>
    %logistic3A_416 = arith.negf %add3A_415 : vector<32x128xf32>
    %logistic3A_417 = math.exp %logistic3A_416 : vector<32x128xf32>
    %logistic3A_418 = arith.constant 1.000000e+00 : f32
    %logistic3A_419 = vector.broadcast %logistic3A_418 : f32 to vector<32x128xf32>
    %logistic3A_420 = arith.addf %logistic3A_419, %logistic3A_417 : vector<32x128xf32>
    %logistic3A_421 = arith.divf %logistic3A_419, %logistic3A_420 : vector<32x128xf32>
    %mul3A_422 = arith.mulf %add3A_415, %logistic3A_421 : vector<32x128xf32>
    %eq3A_423 = vector.broadcast %broadcast_in_dim3A_402 : vector<32x1xi32> to vector<32x32xi32>
    %eq3A_424 = arith.cmpi eq, %iota3A, %eq3A_423 : vector<32x32xi32>
    %jit3A_425 = arith.constant 1.000000e+30 : f32
    %broadcast_in_dim3A_426 = vector.broadcast %jit3A_425 : f32 to vector<32x32xf32>
    %select_n3A_427 = arith.select %eq3A_424, %broadcast_in_dim3A_426, %sub3A_391 : vector<32x32xi1>, vector<32x32xf32>
    %reduce_min3A_428 = arith.constant dense<0x7F800000> : vector<32xf32>
    %reduce_min3A_429 = vector.multi_reduction <minimumf>, %select_n3A_427, %reduce_min3A_428 [1] : vector<32x32xf32> to vector<32xf32>
    %broadcast_in_dim3A_430 = vector.shape_cast %reduce_min3A_429 : vector<32xf32> to vector<32x1xf32>
    %le3A_431 = vector.broadcast %broadcast_in_dim3A_430 : vector<32x1xf32> to vector<32x32xf32>
    %le3A_432 = arith.cmpf ole, %select_n3A_427, %le3A_431 : vector<32x32xf32>
    %jit3A_433 = arith.constant 64 : i32
    %broadcast_in_dim3A_434 = vector.broadcast %jit3A_433 : i32 to vector<32x32xi32>
    %select_n3A_435 = arith.select %le3A_432, %iota3A, %broadcast_in_dim3A_434 : vector<32x32xi1>, vector<32x32xi32>
    %reduce_min3A_436 = arith.constant dense<2147483647> : vector<32xi32>
    %reduce_min3A_437 = vector.multi_reduction <minsi>, %select_n3A_435, %reduce_min3A_436 [1] : vector<32x32xi32> to vector<32xi32>
    %broadcast_in_dim3A_438 = vector.shape_cast %reduce_min3A_437 : vector<32xi32> to vector<32x1xi32>
    %eq3A_439 = vector.broadcast %broadcast_in_dim3A_438 : vector<32x1xi32> to vector<32x32xi32>
    %eq3A_440 = arith.cmpi eq, %iota3A, %eq3A_439 : vector<32x32xi32>
    %convert_element_type3A_441 = arith.extui %eq3A_440 : vector<32x32xi1> to vector<32x32xi32>
    %convert_element_type3A_442 = arith.sitofp %convert_element_type3A_441 : vector<32x32xi32> to vector<32x32xf32>
    %slice3A_443 = vector.extract_strided_slice %reshape3A_123 {offsets = [2, 0, 0], sizes = [1, 32, 129], strides = [1, 1, 1]} : vector<8x32x129xf32> to vector<1x32x129xf32>
    %squeeze3A_444 = vector.shape_cast %slice3A_443 : vector<1x32x129xf32> to vector<32x129xf32>
    %dot_general3A_445 = arith.constant dense<0.000000e+00> : vector<32x129xf32>
    %dot_general3A_446 = tpu.matmul %convert_element_type3A_442, %squeeze3A_444, %dot_general3A_445 {dimension_numbers = #tpu.dot_dimension_numbers<[1], [0], [0], [1], [0, 0, 1, 1], [], []>, precision = #tpu.contract_precision<fp32>, transpose_lhs_hint = false} : vector<32x32xf32>, vector<32x129xf32>, vector<32x129xf32> -> vector<32x129xf32>
    %slice3A_447 = vector.extract_strided_slice %dot_general3A_446 {offsets = [0, 128], sizes = [32, 1], strides = [1, 1]} : vector<32x129xf32> to vector<32x1xf32>
    %slice3A_448 = vector.extract_strided_slice %reshape3A_124 {offsets = [2, 0, 0], sizes = [1, 32, 128], strides = [1, 1, 1]} : vector<8x32x128xf32> to vector<1x32x128xf32>
    %squeeze3A_449 = vector.shape_cast %slice3A_448 : vector<1x32x128xf32> to vector<32x128xf32>
    %slice3A_450 = vector.extract_strided_slice %dot_general3A_446 {offsets = [0, 0], sizes = [32, 128], strides = [1, 1]} : vector<32x129xf32> to vector<32x128xf32>
    %add3A_451 = arith.addf %squeeze3A_449, %slice3A_450 : vector<32x128xf32>
    %logistic3A_452 = arith.negf %add3A_451 : vector<32x128xf32>
    %logistic3A_453 = math.exp %logistic3A_452 : vector<32x128xf32>
    %logistic3A_454 = arith.constant 1.000000e+00 : f32
    %logistic3A_455 = vector.broadcast %logistic3A_454 : f32 to vector<32x128xf32>
    %logistic3A_456 = arith.addf %logistic3A_455, %logistic3A_453 : vector<32x128xf32>
    %logistic3A_457 = arith.divf %logistic3A_455, %logistic3A_456 : vector<32x128xf32>
    %mul3A_458 = arith.mulf %add3A_451, %logistic3A_457 : vector<32x128xf32>
    %max3A_459 = arith.maximumf %slice3A_411, %slice3A_447 : vector<32x1xf32>
    %sub3A_460 = arith.subf %slice3A_411, %max3A_459 : vector<32x1xf32>
    %exp3A_461 = math.exp %sub3A_460 : vector<32x1xf32>
    %sub3A_462 = arith.subf %slice3A_447, %max3A_459 : vector<32x1xf32>
    %exp3A_463 = math.exp %sub3A_462 : vector<32x1xf32>
    %mul3A_464 = vector.broadcast %exp3A_461 : vector<32x1xf32> to vector<32x128xf32>
    %mul3A_465 = arith.mulf %mul3A_464, %mul3A_422 : vector<32x128xf32>
    %mul3A_466 = vector.broadcast %exp3A_463 : vector<32x1xf32> to vector<32x128xf32>
    %mul3A_467 = arith.mulf %mul3A_466, %mul3A_458 : vector<32x128xf32>
    %add3A_468 = arith.addf %mul3A_465, %mul3A_467 : vector<32x128xf32>
    %add3A_469 = arith.addf %exp3A_461, %exp3A_463 : vector<32x1xf32>
    %div3A_470 = vector.broadcast %add3A_469 : vector<32x1xf32> to vector<32x128xf32>
    %div3A_471 = arith.divf %add3A_468, %div3A_470 : vector<32x128xf32>
    %slice3A_472 = vector.extract_strided_slice %reshape3A_122 {offsets = [3, 0, 0], sizes = [1, 32, 3], strides = [1, 1, 1]} : vector<8x32x3xf32> to vector<1x32x3xf32>
    %squeeze3A_473 = vector.shape_cast %slice3A_472 : vector<1x32x3xf32> to vector<32x3xf32>
    %get3A_474 = arith.constant 3 : index
    %get3A_475 = arith.constant 0 : index
    %get3A_476 = arith.constant 0 : index
    %get3A_477 = vector.load %arg3[%get3A_474, %get3A_475, %get3A_476] : memref<8x8x32xf32, #tpu.memory_space<vmem>>, vector<1x8x32xf32>
    %get3A_478 = vector.shape_cast %get3A_477 : vector<1x8x32xf32> to vector<8x32xf32>
    %mul3A_479 = arith.mulf %squeeze3A_473, %squeeze3A_473 : vector<32x3xf32>
    %reduce_sum3A_480 = arith.constant dense<0.000000e+00> : vector<32xf32>
    %reduce_sum3A_481 = vector.multi_reduction <add>, %mul3A_479, %reduce_sum3A_480 [1] : vector<32x3xf32> to vector<32xf32>
    %broadcast_in_dim3A_482 = vector.shape_cast %reduce_sum3A_481 : vector<32xf32> to vector<32x1xf32>
    %mul3A_483 = arith.mulf %get3A_478, %get3A_478 : vector<8x32xf32>
    %reduce_sum3A_484 = arith.constant dense<0.000000e+00> : vector<32xf32>
    %reduce_sum3A_485 = vector.multi_reduction <add>, %mul3A_483, %reduce_sum3A_484 [0] : vector<8x32xf32> to vector<32xf32>
    %broadcast_in_dim3A_486 = vector.shape_cast %reduce_sum3A_485 : vector<32xf32> to vector<1x32xf32>
    %slice3A_487 = vector.extract_strided_slice %squeeze3A_473 {offsets = [0, 0], sizes = [32, 1], strides = [1, 1]} : vector<32x3xf32> to vector<32x1xf32>
    %slice3A_488 = vector.extract_strided_slice %get3A_478 {offsets = [0, 0], sizes = [1, 32], strides = [1, 1]} : vector<8x32xf32> to vector<1x32xf32>
    %mul3A_489 = vector.broadcast %slice3A_487 : vector<32x1xf32> to vector<32x32xf32>
    %mul3A_490 = vector.broadcast %slice3A_488 : vector<1x32xf32> to vector<32x32xf32>
    %mul3A_491 = arith.mulf %mul3A_489, %mul3A_490 : vector<32x32xf32>
    %slice3A_492 = vector.extract_strided_slice %squeeze3A_473 {offsets = [0, 1], sizes = [32, 1], strides = [1, 1]} : vector<32x3xf32> to vector<32x1xf32>
    %slice3A_493 = vector.extract_strided_slice %get3A_478 {offsets = [1, 0], sizes = [1, 32], strides = [1, 1]} : vector<8x32xf32> to vector<1x32xf32>
    %mul3A_494 = vector.broadcast %slice3A_492 : vector<32x1xf32> to vector<32x32xf32>
    %mul3A_495 = vector.broadcast %slice3A_493 : vector<1x32xf32> to vector<32x32xf32>
    %mul3A_496 = arith.mulf %mul3A_494, %mul3A_495 : vector<32x32xf32>
    %add3A_497 = arith.addf %mul3A_491, %mul3A_496 : vector<32x32xf32>
    %slice3A_498 = vector.extract_strided_slice %squeeze3A_473 {offsets = [0, 2], sizes = [32, 1], strides = [1, 1]} : vector<32x3xf32> to vector<32x1xf32>
    %slice3A_499 = vector.extract_strided_slice %get3A_478 {offsets = [2, 0], sizes = [1, 32], strides = [1, 1]} : vector<8x32xf32> to vector<1x32xf32>
    %mul3A_500 = vector.broadcast %slice3A_498 : vector<32x1xf32> to vector<32x32xf32>
    %mul3A_501 = vector.broadcast %slice3A_499 : vector<1x32xf32> to vector<32x32xf32>
    %mul3A_502 = arith.mulf %mul3A_500, %mul3A_501 : vector<32x32xf32>
    %add3A_503 = arith.addf %add3A_497, %mul3A_502 : vector<32x32xf32>
    %add3A_504 = vector.broadcast %broadcast_in_dim3A_482 : vector<32x1xf32> to vector<32x32xf32>
    %add3A_505 = vector.broadcast %broadcast_in_dim3A_486 : vector<1x32xf32> to vector<32x32xf32>
    %add3A_506 = arith.addf %add3A_504, %add3A_505 : vector<32x32xf32>
    %mul3A_507 = arith.constant 2.000000e+00 : f32
    %mul3A_508 = vector.broadcast %mul3A_507 : f32 to vector<32x32xf32>
    %mul3A_509 = arith.mulf %mul3A_508, %add3A_503 : vector<32x32xf32>
    %sub3A_510 = arith.subf %add3A_506, %mul3A_509 : vector<32x32xf32>
    %reduce_min3A_511 = arith.constant dense<0x7F800000> : vector<32xf32>
    %reduce_min3A_512 = vector.multi_reduction <minimumf>, %sub3A_510, %reduce_min3A_511 [1] : vector<32x32xf32> to vector<32xf32>
    %broadcast_in_dim3A_513 = vector.shape_cast %reduce_min3A_512 : vector<32xf32> to vector<32x1xf32>
    %le3A_514 = vector.broadcast %broadcast_in_dim3A_513 : vector<32x1xf32> to vector<32x32xf32>
    %le3A_515 = arith.cmpf ole, %sub3A_510, %le3A_514 : vector<32x32xf32>
    %jit3A_516 = arith.constant 64 : i32
    %broadcast_in_dim3A_517 = vector.broadcast %jit3A_516 : i32 to vector<32x32xi32>
    %select_n3A_518 = arith.select %le3A_515, %iota3A, %broadcast_in_dim3A_517 : vector<32x32xi1>, vector<32x32xi32>
    %reduce_min3A_519 = arith.constant dense<2147483647> : vector<32xi32>
    %reduce_min3A_520 = vector.multi_reduction <minsi>, %select_n3A_518, %reduce_min3A_519 [1] : vector<32x32xi32> to vector<32xi32>
    %broadcast_in_dim3A_521 = vector.shape_cast %reduce_min3A_520 : vector<32xi32> to vector<32x1xi32>
    %eq3A_522 = vector.broadcast %broadcast_in_dim3A_521 : vector<32x1xi32> to vector<32x32xi32>
    %eq3A_523 = arith.cmpi eq, %iota3A, %eq3A_522 : vector<32x32xi32>
    %convert_element_type3A_524 = arith.extui %eq3A_523 : vector<32x32xi1> to vector<32x32xi32>
    %convert_element_type3A_525 = arith.sitofp %convert_element_type3A_524 : vector<32x32xi32> to vector<32x32xf32>
    %slice3A_526 = vector.extract_strided_slice %reshape3A_123 {offsets = [3, 0, 0], sizes = [1, 32, 129], strides = [1, 1, 1]} : vector<8x32x129xf32> to vector<1x32x129xf32>
    %squeeze3A_527 = vector.shape_cast %slice3A_526 : vector<1x32x129xf32> to vector<32x129xf32>
    %dot_general3A_528 = arith.constant dense<0.000000e+00> : vector<32x129xf32>
    %dot_general3A_529 = tpu.matmul %convert_element_type3A_525, %squeeze3A_527, %dot_general3A_528 {dimension_numbers = #tpu.dot_dimension_numbers<[1], [0], [0], [1], [0, 0, 1, 1], [], []>, precision = #tpu.contract_precision<fp32>, transpose_lhs_hint = false} : vector<32x32xf32>, vector<32x129xf32>, vector<32x129xf32> -> vector<32x129xf32>
    %slice3A_530 = vector.extract_strided_slice %dot_general3A_529 {offsets = [0, 128], sizes = [32, 1], strides = [1, 1]} : vector<32x129xf32> to vector<32x1xf32>
    %slice3A_531 = vector.extract_strided_slice %reshape3A_124 {offsets = [3, 0, 0], sizes = [1, 32, 128], strides = [1, 1, 1]} : vector<8x32x128xf32> to vector<1x32x128xf32>
    %squeeze3A_532 = vector.shape_cast %slice3A_531 : vector<1x32x128xf32> to vector<32x128xf32>
    %slice3A_533 = vector.extract_strided_slice %dot_general3A_529 {offsets = [0, 0], sizes = [32, 128], strides = [1, 1]} : vector<32x129xf32> to vector<32x128xf32>
    %add3A_534 = arith.addf %squeeze3A_532, %slice3A_533 : vector<32x128xf32>
    %logistic3A_535 = arith.negf %add3A_534 : vector<32x128xf32>
    %logistic3A_536 = math.exp %logistic3A_535 : vector<32x128xf32>
    %logistic3A_537 = arith.constant 1.000000e+00 : f32
    %logistic3A_538 = vector.broadcast %logistic3A_537 : f32 to vector<32x128xf32>
    %logistic3A_539 = arith.addf %logistic3A_538, %logistic3A_536 : vector<32x128xf32>
    %logistic3A_540 = arith.divf %logistic3A_538, %logistic3A_539 : vector<32x128xf32>
    %mul3A_541 = arith.mulf %add3A_534, %logistic3A_540 : vector<32x128xf32>
    %eq3A_542 = vector.broadcast %broadcast_in_dim3A_521 : vector<32x1xi32> to vector<32x32xi32>
    %eq3A_543 = arith.cmpi eq, %iota3A, %eq3A_542 : vector<32x32xi32>
    %jit3A_544 = arith.constant 1.000000e+30 : f32
    %broadcast_in_dim3A_545 = vector.broadcast %jit3A_544 : f32 to vector<32x32xf32>
    %select_n3A_546 = arith.select %eq3A_543, %broadcast_in_dim3A_545, %sub3A_510 : vector<32x32xi1>, vector<32x32xf32>
    %reduce_min3A_547 = arith.constant dense<0x7F800000> : vector<32xf32>
    %reduce_min3A_548 = vector.multi_reduction <minimumf>, %select_n3A_546, %reduce_min3A_547 [1] : vector<32x32xf32> to vector<32xf32>
    %broadcast_in_dim3A_549 = vector.shape_cast %reduce_min3A_548 : vector<32xf32> to vector<32x1xf32>
    %le3A_550 = vector.broadcast %broadcast_in_dim3A_549 : vector<32x1xf32> to vector<32x32xf32>
    %le3A_551 = arith.cmpf ole, %select_n3A_546, %le3A_550 : vector<32x32xf32>
    %jit3A_552 = arith.constant 64 : i32
    %broadcast_in_dim3A_553 = vector.broadcast %jit3A_552 : i32 to vector<32x32xi32>
    %select_n3A_554 = arith.select %le3A_551, %iota3A, %broadcast_in_dim3A_553 : vector<32x32xi1>, vector<32x32xi32>
    %reduce_min3A_555 = arith.constant dense<2147483647> : vector<32xi32>
    %reduce_min3A_556 = vector.multi_reduction <minsi>, %select_n3A_554, %reduce_min3A_555 [1] : vector<32x32xi32> to vector<32xi32>
    %broadcast_in_dim3A_557 = vector.shape_cast %reduce_min3A_556 : vector<32xi32> to vector<32x1xi32>
    %eq3A_558 = vector.broadcast %broadcast_in_dim3A_557 : vector<32x1xi32> to vector<32x32xi32>
    %eq3A_559 = arith.cmpi eq, %iota3A, %eq3A_558 : vector<32x32xi32>
    %convert_element_type3A_560 = arith.extui %eq3A_559 : vector<32x32xi1> to vector<32x32xi32>
    %convert_element_type3A_561 = arith.sitofp %convert_element_type3A_560 : vector<32x32xi32> to vector<32x32xf32>
    %slice3A_562 = vector.extract_strided_slice %reshape3A_123 {offsets = [3, 0, 0], sizes = [1, 32, 129], strides = [1, 1, 1]} : vector<8x32x129xf32> to vector<1x32x129xf32>
    %squeeze3A_563 = vector.shape_cast %slice3A_562 : vector<1x32x129xf32> to vector<32x129xf32>
    %dot_general3A_564 = arith.constant dense<0.000000e+00> : vector<32x129xf32>
    %dot_general3A_565 = tpu.matmul %convert_element_type3A_561, %squeeze3A_563, %dot_general3A_564 {dimension_numbers = #tpu.dot_dimension_numbers<[1], [0], [0], [1], [0, 0, 1, 1], [], []>, precision = #tpu.contract_precision<fp32>, transpose_lhs_hint = false} : vector<32x32xf32>, vector<32x129xf32>, vector<32x129xf32> -> vector<32x129xf32>
    %slice3A_566 = vector.extract_strided_slice %dot_general3A_565 {offsets = [0, 128], sizes = [32, 1], strides = [1, 1]} : vector<32x129xf32> to vector<32x1xf32>
    %slice3A_567 = vector.extract_strided_slice %reshape3A_124 {offsets = [3, 0, 0], sizes = [1, 32, 128], strides = [1, 1, 1]} : vector<8x32x128xf32> to vector<1x32x128xf32>
    %squeeze3A_568 = vector.shape_cast %slice3A_567 : vector<1x32x128xf32> to vector<32x128xf32>
    %slice3A_569 = vector.extract_strided_slice %dot_general3A_565 {offsets = [0, 0], sizes = [32, 128], strides = [1, 1]} : vector<32x129xf32> to vector<32x128xf32>
    %add3A_570 = arith.addf %squeeze3A_568, %slice3A_569 : vector<32x128xf32>
    %logistic3A_571 = arith.negf %add3A_570 : vector<32x128xf32>
    %logistic3A_572 = math.exp %logistic3A_571 : vector<32x128xf32>
    %logistic3A_573 = arith.constant 1.000000e+00 : f32
    %logistic3A_574 = vector.broadcast %logistic3A_573 : f32 to vector<32x128xf32>
    %logistic3A_575 = arith.addf %logistic3A_574, %logistic3A_572 : vector<32x128xf32>
    %logistic3A_576 = arith.divf %logistic3A_574, %logistic3A_575 : vector<32x128xf32>
    %mul3A_577 = arith.mulf %add3A_570, %logistic3A_576 : vector<32x128xf32>
    %max3A_578 = arith.maximumf %slice3A_530, %slice3A_566 : vector<32x1xf32>
    %sub3A_579 = arith.subf %slice3A_530, %max3A_578 : vector<32x1xf32>
    %exp3A_580 = math.exp %sub3A_579 : vector<32x1xf32>
    %sub3A_581 = arith.subf %slice3A_566, %max3A_578 : vector<32x1xf32>
    %exp3A_582 = math.exp %sub3A_581 : vector<32x1xf32>
    %mul3A_583 = vector.broadcast %exp3A_580 : vector<32x1xf32> to vector<32x128xf32>
    %mul3A_584 = arith.mulf %mul3A_583, %mul3A_541 : vector<32x128xf32>
    %mul3A_585 = vector.broadcast %exp3A_582 : vector<32x1xf32> to vector<32x128xf32>
    %mul3A_586 = arith.mulf %mul3A_585, %mul3A_577 : vector<32x128xf32>
    %add3A_587 = arith.addf %mul3A_584, %mul3A_586 : vector<32x128xf32>
    %add3A_588 = arith.addf %exp3A_580, %exp3A_582 : vector<32x1xf32>
    %div3A_589 = vector.broadcast %add3A_588 : vector<32x1xf32> to vector<32x128xf32>
    %div3A_590 = arith.divf %add3A_587, %div3A_589 : vector<32x128xf32>
    %slice3A_591 = vector.extract_strided_slice %reshape3A_122 {offsets = [4, 0, 0], sizes = [1, 32, 3], strides = [1, 1, 1]} : vector<8x32x3xf32> to vector<1x32x3xf32>
    %squeeze3A_592 = vector.shape_cast %slice3A_591 : vector<1x32x3xf32> to vector<32x3xf32>
    %get3A_593 = arith.constant 4 : index
    %get3A_594 = arith.constant 0 : index
    %get3A_595 = arith.constant 0 : index
    %get3A_596 = vector.load %arg3[%get3A_593, %get3A_594, %get3A_595] : memref<8x8x32xf32, #tpu.memory_space<vmem>>, vector<1x8x32xf32>
    %get3A_597 = vector.shape_cast %get3A_596 : vector<1x8x32xf32> to vector<8x32xf32>
    %mul3A_598 = arith.mulf %squeeze3A_592, %squeeze3A_592 : vector<32x3xf32>
    %reduce_sum3A_599 = arith.constant dense<0.000000e+00> : vector<32xf32>
    %reduce_sum3A_600 = vector.multi_reduction <add>, %mul3A_598, %reduce_sum3A_599 [1] : vector<32x3xf32> to vector<32xf32>
    %broadcast_in_dim3A_601 = vector.shape_cast %reduce_sum3A_600 : vector<32xf32> to vector<32x1xf32>
    %mul3A_602 = arith.mulf %get3A_597, %get3A_597 : vector<8x32xf32>
    %reduce_sum3A_603 = arith.constant dense<0.000000e+00> : vector<32xf32>
    %reduce_sum3A_604 = vector.multi_reduction <add>, %mul3A_602, %reduce_sum3A_603 [0] : vector<8x32xf32> to vector<32xf32>
    %broadcast_in_dim3A_605 = vector.shape_cast %reduce_sum3A_604 : vector<32xf32> to vector<1x32xf32>
    %slice3A_606 = vector.extract_strided_slice %squeeze3A_592 {offsets = [0, 0], sizes = [32, 1], strides = [1, 1]} : vector<32x3xf32> to vector<32x1xf32>
    %slice3A_607 = vector.extract_strided_slice %get3A_597 {offsets = [0, 0], sizes = [1, 32], strides = [1, 1]} : vector<8x32xf32> to vector<1x32xf32>
    %mul3A_608 = vector.broadcast %slice3A_606 : vector<32x1xf32> to vector<32x32xf32>
    %mul3A_609 = vector.broadcast %slice3A_607 : vector<1x32xf32> to vector<32x32xf32>
    %mul3A_610 = arith.mulf %mul3A_608, %mul3A_609 : vector<32x32xf32>
    %slice3A_611 = vector.extract_strided_slice %squeeze3A_592 {offsets = [0, 1], sizes = [32, 1], strides = [1, 1]} : vector<32x3xf32> to vector<32x1xf32>
    %slice3A_612 = vector.extract_strided_slice %get3A_597 {offsets = [1, 0], sizes = [1, 32], strides = [1, 1]} : vector<8x32xf32> to vector<1x32xf32>
    %mul3A_613 = vector.broadcast %slice3A_611 : vector<32x1xf32> to vector<32x32xf32>
    %mul3A_614 = vector.broadcast %slice3A_612 : vector<1x32xf32> to vector<32x32xf32>
    %mul3A_615 = arith.mulf %mul3A_613, %mul3A_614 : vector<32x32xf32>
    %add3A_616 = arith.addf %mul3A_610, %mul3A_615 : vector<32x32xf32>
    %slice3A_617 = vector.extract_strided_slice %squeeze3A_592 {offsets = [0, 2], sizes = [32, 1], strides = [1, 1]} : vector<32x3xf32> to vector<32x1xf32>
    %slice3A_618 = vector.extract_strided_slice %get3A_597 {offsets = [2, 0], sizes = [1, 32], strides = [1, 1]} : vector<8x32xf32> to vector<1x32xf32>
    %mul3A_619 = vector.broadcast %slice3A_617 : vector<32x1xf32> to vector<32x32xf32>
    %mul3A_620 = vector.broadcast %slice3A_618 : vector<1x32xf32> to vector<32x32xf32>
    %mul3A_621 = arith.mulf %mul3A_619, %mul3A_620 : vector<32x32xf32>
    %add3A_622 = arith.addf %add3A_616, %mul3A_621 : vector<32x32xf32>
    %add3A_623 = vector.broadcast %broadcast_in_dim3A_601 : vector<32x1xf32> to vector<32x32xf32>
    %add3A_624 = vector.broadcast %broadcast_in_dim3A_605 : vector<1x32xf32> to vector<32x32xf32>
    %add3A_625 = arith.addf %add3A_623, %add3A_624 : vector<32x32xf32>
    %mul3A_626 = arith.constant 2.000000e+00 : f32
    %mul3A_627 = vector.broadcast %mul3A_626 : f32 to vector<32x32xf32>
    %mul3A_628 = arith.mulf %mul3A_627, %add3A_622 : vector<32x32xf32>
    %sub3A_629 = arith.subf %add3A_625, %mul3A_628 : vector<32x32xf32>
    %reduce_min3A_630 = arith.constant dense<0x7F800000> : vector<32xf32>
    %reduce_min3A_631 = vector.multi_reduction <minimumf>, %sub3A_629, %reduce_min3A_630 [1] : vector<32x32xf32> to vector<32xf32>
    %broadcast_in_dim3A_632 = vector.shape_cast %reduce_min3A_631 : vector<32xf32> to vector<32x1xf32>
    %le3A_633 = vector.broadcast %broadcast_in_dim3A_632 : vector<32x1xf32> to vector<32x32xf32>
    %le3A_634 = arith.cmpf ole, %sub3A_629, %le3A_633 : vector<32x32xf32>
    %jit3A_635 = arith.constant 64 : i32
    %broadcast_in_dim3A_636 = vector.broadcast %jit3A_635 : i32 to vector<32x32xi32>
    %select_n3A_637 = arith.select %le3A_634, %iota3A, %broadcast_in_dim3A_636 : vector<32x32xi1>, vector<32x32xi32>
    %reduce_min3A_638 = arith.constant dense<2147483647> : vector<32xi32>
    %reduce_min3A_639 = vector.multi_reduction <minsi>, %select_n3A_637, %reduce_min3A_638 [1] : vector<32x32xi32> to vector<32xi32>
    %broadcast_in_dim3A_640 = vector.shape_cast %reduce_min3A_639 : vector<32xi32> to vector<32x1xi32>
    %eq3A_641 = vector.broadcast %broadcast_in_dim3A_640 : vector<32x1xi32> to vector<32x32xi32>
    %eq3A_642 = arith.cmpi eq, %iota3A, %eq3A_641 : vector<32x32xi32>
    %convert_element_type3A_643 = arith.extui %eq3A_642 : vector<32x32xi1> to vector<32x32xi32>
    %convert_element_type3A_644 = arith.sitofp %convert_element_type3A_643 : vector<32x32xi32> to vector<32x32xf32>
    %slice3A_645 = vector.extract_strided_slice %reshape3A_123 {offsets = [4, 0, 0], sizes = [1, 32, 129], strides = [1, 1, 1]} : vector<8x32x129xf32> to vector<1x32x129xf32>
    %squeeze3A_646 = vector.shape_cast %slice3A_645 : vector<1x32x129xf32> to vector<32x129xf32>
    %dot_general3A_647 = arith.constant dense<0.000000e+00> : vector<32x129xf32>
    %dot_general3A_648 = tpu.matmul %convert_element_type3A_644, %squeeze3A_646, %dot_general3A_647 {dimension_numbers = #tpu.dot_dimension_numbers<[1], [0], [0], [1], [0, 0, 1, 1], [], []>, precision = #tpu.contract_precision<fp32>, transpose_lhs_hint = false} : vector<32x32xf32>, vector<32x129xf32>, vector<32x129xf32> -> vector<32x129xf32>
    %slice3A_649 = vector.extract_strided_slice %dot_general3A_648 {offsets = [0, 128], sizes = [32, 1], strides = [1, 1]} : vector<32x129xf32> to vector<32x1xf32>
    %slice3A_650 = vector.extract_strided_slice %reshape3A_124 {offsets = [4, 0, 0], sizes = [1, 32, 128], strides = [1, 1, 1]} : vector<8x32x128xf32> to vector<1x32x128xf32>
    %squeeze3A_651 = vector.shape_cast %slice3A_650 : vector<1x32x128xf32> to vector<32x128xf32>
    %slice3A_652 = vector.extract_strided_slice %dot_general3A_648 {offsets = [0, 0], sizes = [32, 128], strides = [1, 1]} : vector<32x129xf32> to vector<32x128xf32>
    %add3A_653 = arith.addf %squeeze3A_651, %slice3A_652 : vector<32x128xf32>
    %logistic3A_654 = arith.negf %add3A_653 : vector<32x128xf32>
    %logistic3A_655 = math.exp %logistic3A_654 : vector<32x128xf32>
    %logistic3A_656 = arith.constant 1.000000e+00 : f32
    %logistic3A_657 = vector.broadcast %logistic3A_656 : f32 to vector<32x128xf32>
    %logistic3A_658 = arith.addf %logistic3A_657, %logistic3A_655 : vector<32x128xf32>
    %logistic3A_659 = arith.divf %logistic3A_657, %logistic3A_658 : vector<32x128xf32>
    %mul3A_660 = arith.mulf %add3A_653, %logistic3A_659 : vector<32x128xf32>
    %eq3A_661 = vector.broadcast %broadcast_in_dim3A_640 : vector<32x1xi32> to vector<32x32xi32>
    %eq3A_662 = arith.cmpi eq, %iota3A, %eq3A_661 : vector<32x32xi32>
    %jit3A_663 = arith.constant 1.000000e+30 : f32
    %broadcast_in_dim3A_664 = vector.broadcast %jit3A_663 : f32 to vector<32x32xf32>
    %select_n3A_665 = arith.select %eq3A_662, %broadcast_in_dim3A_664, %sub3A_629 : vector<32x32xi1>, vector<32x32xf32>
    %reduce_min3A_666 = arith.constant dense<0x7F800000> : vector<32xf32>
    %reduce_min3A_667 = vector.multi_reduction <minimumf>, %select_n3A_665, %reduce_min3A_666 [1] : vector<32x32xf32> to vector<32xf32>
    %broadcast_in_dim3A_668 = vector.shape_cast %reduce_min3A_667 : vector<32xf32> to vector<32x1xf32>
    %le3A_669 = vector.broadcast %broadcast_in_dim3A_668 : vector<32x1xf32> to vector<32x32xf32>
    %le3A_670 = arith.cmpf ole, %select_n3A_665, %le3A_669 : vector<32x32xf32>
    %jit3A_671 = arith.constant 64 : i32
    %broadcast_in_dim3A_672 = vector.broadcast %jit3A_671 : i32 to vector<32x32xi32>
    %select_n3A_673 = arith.select %le3A_670, %iota3A, %broadcast_in_dim3A_672 : vector<32x32xi1>, vector<32x32xi32>
    %reduce_min3A_674 = arith.constant dense<2147483647> : vector<32xi32>
    %reduce_min3A_675 = vector.multi_reduction <minsi>, %select_n3A_673, %reduce_min3A_674 [1] : vector<32x32xi32> to vector<32xi32>
    %broadcast_in_dim3A_676 = vector.shape_cast %reduce_min3A_675 : vector<32xi32> to vector<32x1xi32>
    %eq3A_677 = vector.broadcast %broadcast_in_dim3A_676 : vector<32x1xi32> to vector<32x32xi32>
    %eq3A_678 = arith.cmpi eq, %iota3A, %eq3A_677 : vector<32x32xi32>
    %convert_element_type3A_679 = arith.extui %eq3A_678 : vector<32x32xi1> to vector<32x32xi32>
    %convert_element_type3A_680 = arith.sitofp %convert_element_type3A_679 : vector<32x32xi32> to vector<32x32xf32>
    %slice3A_681 = vector.extract_strided_slice %reshape3A_123 {offsets = [4, 0, 0], sizes = [1, 32, 129], strides = [1, 1, 1]} : vector<8x32x129xf32> to vector<1x32x129xf32>
    %squeeze3A_682 = vector.shape_cast %slice3A_681 : vector<1x32x129xf32> to vector<32x129xf32>
    %dot_general3A_683 = arith.constant dense<0.000000e+00> : vector<32x129xf32>
    %dot_general3A_684 = tpu.matmul %convert_element_type3A_680, %squeeze3A_682, %dot_general3A_683 {dimension_numbers = #tpu.dot_dimension_numbers<[1], [0], [0], [1], [0, 0, 1, 1], [], []>, precision = #tpu.contract_precision<fp32>, transpose_lhs_hint = false} : vector<32x32xf32>, vector<32x129xf32>, vector<32x129xf32> -> vector<32x129xf32>
    %slice3A_685 = vector.extract_strided_slice %dot_general3A_684 {offsets = [0, 128], sizes = [32, 1], strides = [1, 1]} : vector<32x129xf32> to vector<32x1xf32>
    %slice3A_686 = vector.extract_strided_slice %reshape3A_124 {offsets = [4, 0, 0], sizes = [1, 32, 128], strides = [1, 1, 1]} : vector<8x32x128xf32> to vector<1x32x128xf32>
    %squeeze3A_687 = vector.shape_cast %slice3A_686 : vector<1x32x128xf32> to vector<32x128xf32>
    %slice3A_688 = vector.extract_strided_slice %dot_general3A_684 {offsets = [0, 0], sizes = [32, 128], strides = [1, 1]} : vector<32x129xf32> to vector<32x128xf32>
    %add3A_689 = arith.addf %squeeze3A_687, %slice3A_688 : vector<32x128xf32>
    %logistic3A_690 = arith.negf %add3A_689 : vector<32x128xf32>
    %logistic3A_691 = math.exp %logistic3A_690 : vector<32x128xf32>
    %logistic3A_692 = arith.constant 1.000000e+00 : f32
    %logistic3A_693 = vector.broadcast %logistic3A_692 : f32 to vector<32x128xf32>
    %logistic3A_694 = arith.addf %logistic3A_693, %logistic3A_691 : vector<32x128xf32>
    %logistic3A_695 = arith.divf %logistic3A_693, %logistic3A_694 : vector<32x128xf32>
    %mul3A_696 = arith.mulf %add3A_689, %logistic3A_695 : vector<32x128xf32>
    %max3A_697 = arith.maximumf %slice3A_649, %slice3A_685 : vector<32x1xf32>
    %sub3A_698 = arith.subf %slice3A_649, %max3A_697 : vector<32x1xf32>
    %exp3A_699 = math.exp %sub3A_698 : vector<32x1xf32>
    %sub3A_700 = arith.subf %slice3A_685, %max3A_697 : vector<32x1xf32>
    %exp3A_701 = math.exp %sub3A_700 : vector<32x1xf32>
    %mul3A_702 = vector.broadcast %exp3A_699 : vector<32x1xf32> to vector<32x128xf32>
    %mul3A_703 = arith.mulf %mul3A_702, %mul3A_660 : vector<32x128xf32>
    %mul3A_704 = vector.broadcast %exp3A_701 : vector<32x1xf32> to vector<32x128xf32>
    %mul3A_705 = arith.mulf %mul3A_704, %mul3A_696 : vector<32x128xf32>
    %add3A_706 = arith.addf %mul3A_703, %mul3A_705 : vector<32x128xf32>
    %add3A_707 = arith.addf %exp3A_699, %exp3A_701 : vector<32x1xf32>
    %div3A_708 = vector.broadcast %add3A_707 : vector<32x1xf32> to vector<32x128xf32>
    %div3A_709 = arith.divf %add3A_706, %div3A_708 : vector<32x128xf32>
    %slice3A_710 = vector.extract_strided_slice %reshape3A_122 {offsets = [5, 0, 0], sizes = [1, 32, 3], strides = [1, 1, 1]} : vector<8x32x3xf32> to vector<1x32x3xf32>
    %squeeze3A_711 = vector.shape_cast %slice3A_710 : vector<1x32x3xf32> to vector<32x3xf32>
    %get3A_712 = arith.constant 5 : index
    %get3A_713 = arith.constant 0 : index
    %get3A_714 = arith.constant 0 : index
    %get3A_715 = vector.load %arg3[%get3A_712, %get3A_713, %get3A_714] : memref<8x8x32xf32, #tpu.memory_space<vmem>>, vector<1x8x32xf32>
    %get3A_716 = vector.shape_cast %get3A_715 : vector<1x8x32xf32> to vector<8x32xf32>
    %mul3A_717 = arith.mulf %squeeze3A_711, %squeeze3A_711 : vector<32x3xf32>
    %reduce_sum3A_718 = arith.constant dense<0.000000e+00> : vector<32xf32>
    %reduce_sum3A_719 = vector.multi_reduction <add>, %mul3A_717, %reduce_sum3A_718 [1] : vector<32x3xf32> to vector<32xf32>
    %broadcast_in_dim3A_720 = vector.shape_cast %reduce_sum3A_719 : vector<32xf32> to vector<32x1xf32>
    %mul3A_721 = arith.mulf %get3A_716, %get3A_716 : vector<8x32xf32>
    %reduce_sum3A_722 = arith.constant dense<0.000000e+00> : vector<32xf32>
    %reduce_sum3A_723 = vector.multi_reduction <add>, %mul3A_721, %reduce_sum3A_722 [0] : vector<8x32xf32> to vector<32xf32>
    %broadcast_in_dim3A_724 = vector.shape_cast %reduce_sum3A_723 : vector<32xf32> to vector<1x32xf32>
    %slice3A_725 = vector.extract_strided_slice %squeeze3A_711 {offsets = [0, 0], sizes = [32, 1], strides = [1, 1]} : vector<32x3xf32> to vector<32x1xf32>
    %slice3A_726 = vector.extract_strided_slice %get3A_716 {offsets = [0, 0], sizes = [1, 32], strides = [1, 1]} : vector<8x32xf32> to vector<1x32xf32>
    %mul3A_727 = vector.broadcast %slice3A_725 : vector<32x1xf32> to vector<32x32xf32>
    %mul3A_728 = vector.broadcast %slice3A_726 : vector<1x32xf32> to vector<32x32xf32>
    %mul3A_729 = arith.mulf %mul3A_727, %mul3A_728 : vector<32x32xf32>
    %slice3A_730 = vector.extract_strided_slice %squeeze3A_711 {offsets = [0, 1], sizes = [32, 1], strides = [1, 1]} : vector<32x3xf32> to vector<32x1xf32>
    %slice3A_731 = vector.extract_strided_slice %get3A_716 {offsets = [1, 0], sizes = [1, 32], strides = [1, 1]} : vector<8x32xf32> to vector<1x32xf32>
    %mul3A_732 = vector.broadcast %slice3A_730 : vector<32x1xf32> to vector<32x32xf32>
    %mul3A_733 = vector.broadcast %slice3A_731 : vector<1x32xf32> to vector<32x32xf32>
    %mul3A_734 = arith.mulf %mul3A_732, %mul3A_733 : vector<32x32xf32>
    %add3A_735 = arith.addf %mul3A_729, %mul3A_734 : vector<32x32xf32>
    %slice3A_736 = vector.extract_strided_slice %squeeze3A_711 {offsets = [0, 2], sizes = [32, 1], strides = [1, 1]} : vector<32x3xf32> to vector<32x1xf32>
    %slice3A_737 = vector.extract_strided_slice %get3A_716 {offsets = [2, 0], sizes = [1, 32], strides = [1, 1]} : vector<8x32xf32> to vector<1x32xf32>
    %mul3A_738 = vector.broadcast %slice3A_736 : vector<32x1xf32> to vector<32x32xf32>
    %mul3A_739 = vector.broadcast %slice3A_737 : vector<1x32xf32> to vector<32x32xf32>
    %mul3A_740 = arith.mulf %mul3A_738, %mul3A_739 : vector<32x32xf32>
    %add3A_741 = arith.addf %add3A_735, %mul3A_740 : vector<32x32xf32>
    %add3A_742 = vector.broadcast %broadcast_in_dim3A_720 : vector<32x1xf32> to vector<32x32xf32>
    %add3A_743 = vector.broadcast %broadcast_in_dim3A_724 : vector<1x32xf32> to vector<32x32xf32>
    %add3A_744 = arith.addf %add3A_742, %add3A_743 : vector<32x32xf32>
    %mul3A_745 = arith.constant 2.000000e+00 : f32
    %mul3A_746 = vector.broadcast %mul3A_745 : f32 to vector<32x32xf32>
    %mul3A_747 = arith.mulf %mul3A_746, %add3A_741 : vector<32x32xf32>
    %sub3A_748 = arith.subf %add3A_744, %mul3A_747 : vector<32x32xf32>
    %reduce_min3A_749 = arith.constant dense<0x7F800000> : vector<32xf32>
    %reduce_min3A_750 = vector.multi_reduction <minimumf>, %sub3A_748, %reduce_min3A_749 [1] : vector<32x32xf32> to vector<32xf32>
    %broadcast_in_dim3A_751 = vector.shape_cast %reduce_min3A_750 : vector<32xf32> to vector<32x1xf32>
    %le3A_752 = vector.broadcast %broadcast_in_dim3A_751 : vector<32x1xf32> to vector<32x32xf32>
    %le3A_753 = arith.cmpf ole, %sub3A_748, %le3A_752 : vector<32x32xf32>
    %jit3A_754 = arith.constant 64 : i32
    %broadcast_in_dim3A_755 = vector.broadcast %jit3A_754 : i32 to vector<32x32xi32>
    %select_n3A_756 = arith.select %le3A_753, %iota3A, %broadcast_in_dim3A_755 : vector<32x32xi1>, vector<32x32xi32>
    %reduce_min3A_757 = arith.constant dense<2147483647> : vector<32xi32>
    %reduce_min3A_758 = vector.multi_reduction <minsi>, %select_n3A_756, %reduce_min3A_757 [1] : vector<32x32xi32> to vector<32xi32>
    %broadcast_in_dim3A_759 = vector.shape_cast %reduce_min3A_758 : vector<32xi32> to vector<32x1xi32>
    %eq3A_760 = vector.broadcast %broadcast_in_dim3A_759 : vector<32x1xi32> to vector<32x32xi32>
    %eq3A_761 = arith.cmpi eq, %iota3A, %eq3A_760 : vector<32x32xi32>
    %convert_element_type3A_762 = arith.extui %eq3A_761 : vector<32x32xi1> to vector<32x32xi32>
    %convert_element_type3A_763 = arith.sitofp %convert_element_type3A_762 : vector<32x32xi32> to vector<32x32xf32>
    %slice3A_764 = vector.extract_strided_slice %reshape3A_123 {offsets = [5, 0, 0], sizes = [1, 32, 129], strides = [1, 1, 1]} : vector<8x32x129xf32> to vector<1x32x129xf32>
    %squeeze3A_765 = vector.shape_cast %slice3A_764 : vector<1x32x129xf32> to vector<32x129xf32>
    %dot_general3A_766 = arith.constant dense<0.000000e+00> : vector<32x129xf32>
    %dot_general3A_767 = tpu.matmul %convert_element_type3A_763, %squeeze3A_765, %dot_general3A_766 {dimension_numbers = #tpu.dot_dimension_numbers<[1], [0], [0], [1], [0, 0, 1, 1], [], []>, precision = #tpu.contract_precision<fp32>, transpose_lhs_hint = false} : vector<32x32xf32>, vector<32x129xf32>, vector<32x129xf32> -> vector<32x129xf32>
    %slice3A_768 = vector.extract_strided_slice %dot_general3A_767 {offsets = [0, 128], sizes = [32, 1], strides = [1, 1]} : vector<32x129xf32> to vector<32x1xf32>
    %slice3A_769 = vector.extract_strided_slice %reshape3A_124 {offsets = [5, 0, 0], sizes = [1, 32, 128], strides = [1, 1, 1]} : vector<8x32x128xf32> to vector<1x32x128xf32>
    %squeeze3A_770 = vector.shape_cast %slice3A_769 : vector<1x32x128xf32> to vector<32x128xf32>
    %slice3A_771 = vector.extract_strided_slice %dot_general3A_767 {offsets = [0, 0], sizes = [32, 128], strides = [1, 1]} : vector<32x129xf32> to vector<32x128xf32>
    %add3A_772 = arith.addf %squeeze3A_770, %slice3A_771 : vector<32x128xf32>
    %logistic3A_773 = arith.negf %add3A_772 : vector<32x128xf32>
    %logistic3A_774 = math.exp %logistic3A_773 : vector<32x128xf32>
    %logistic3A_775 = arith.constant 1.000000e+00 : f32
    %logistic3A_776 = vector.broadcast %logistic3A_775 : f32 to vector<32x128xf32>
    %logistic3A_777 = arith.addf %logistic3A_776, %logistic3A_774 : vector<32x128xf32>
    %logistic3A_778 = arith.divf %logistic3A_776, %logistic3A_777 : vector<32x128xf32>
    %mul3A_779 = arith.mulf %add3A_772, %logistic3A_778 : vector<32x128xf32>
    %eq3A_780 = vector.broadcast %broadcast_in_dim3A_759 : vector<32x1xi32> to vector<32x32xi32>
    %eq3A_781 = arith.cmpi eq, %iota3A, %eq3A_780 : vector<32x32xi32>
    %jit3A_782 = arith.constant 1.000000e+30 : f32
    %broadcast_in_dim3A_783 = vector.broadcast %jit3A_782 : f32 to vector<32x32xf32>
    %select_n3A_784 = arith.select %eq3A_781, %broadcast_in_dim3A_783, %sub3A_748 : vector<32x32xi1>, vector<32x32xf32>
    %reduce_min3A_785 = arith.constant dense<0x7F800000> : vector<32xf32>
    %reduce_min3A_786 = vector.multi_reduction <minimumf>, %select_n3A_784, %reduce_min3A_785 [1] : vector<32x32xf32> to vector<32xf32>
    %broadcast_in_dim3A_787 = vector.shape_cast %reduce_min3A_786 : vector<32xf32> to vector<32x1xf32>
    %le3A_788 = vector.broadcast %broadcast_in_dim3A_787 : vector<32x1xf32> to vector<32x32xf32>
    %le3A_789 = arith.cmpf ole, %select_n3A_784, %le3A_788 : vector<32x32xf32>
    %jit3A_790 = arith.constant 64 : i32
    %broadcast_in_dim3A_791 = vector.broadcast %jit3A_790 : i32 to vector<32x32xi32>
    %select_n3A_792 = arith.select %le3A_789, %iota3A, %broadcast_in_dim3A_791 : vector<32x32xi1>, vector<32x32xi32>
    %reduce_min3A_793 = arith.constant dense<2147483647> : vector<32xi32>
    %reduce_min3A_794 = vector.multi_reduction <minsi>, %select_n3A_792, %reduce_min3A_793 [1] : vector<32x32xi32> to vector<32xi32>
    %broadcast_in_dim3A_795 = vector.shape_cast %reduce_min3A_794 : vector<32xi32> to vector<32x1xi32>
    %eq3A_796 = vector.broadcast %broadcast_in_dim3A_795 : vector<32x1xi32> to vector<32x32xi32>
    %eq3A_797 = arith.cmpi eq, %iota3A, %eq3A_796 : vector<32x32xi32>
    %convert_element_type3A_798 = arith.extui %eq3A_797 : vector<32x32xi1> to vector<32x32xi32>
    %convert_element_type3A_799 = arith.sitofp %convert_element_type3A_798 : vector<32x32xi32> to vector<32x32xf32>
    %slice3A_800 = vector.extract_strided_slice %reshape3A_123 {offsets = [5, 0, 0], sizes = [1, 32, 129], strides = [1, 1, 1]} : vector<8x32x129xf32> to vector<1x32x129xf32>
    %squeeze3A_801 = vector.shape_cast %slice3A_800 : vector<1x32x129xf32> to vector<32x129xf32>
    %dot_general3A_802 = arith.constant dense<0.000000e+00> : vector<32x129xf32>
    %dot_general3A_803 = tpu.matmul %convert_element_type3A_799, %squeeze3A_801, %dot_general3A_802 {dimension_numbers = #tpu.dot_dimension_numbers<[1], [0], [0], [1], [0, 0, 1, 1], [], []>, precision = #tpu.contract_precision<fp32>, transpose_lhs_hint = false} : vector<32x32xf32>, vector<32x129xf32>, vector<32x129xf32> -> vector<32x129xf32>
    %slice3A_804 = vector.extract_strided_slice %dot_general3A_803 {offsets = [0, 128], sizes = [32, 1], strides = [1, 1]} : vector<32x129xf32> to vector<32x1xf32>
    %slice3A_805 = vector.extract_strided_slice %reshape3A_124 {offsets = [5, 0, 0], sizes = [1, 32, 128], strides = [1, 1, 1]} : vector<8x32x128xf32> to vector<1x32x128xf32>
    %squeeze3A_806 = vector.shape_cast %slice3A_805 : vector<1x32x128xf32> to vector<32x128xf32>
    %slice3A_807 = vector.extract_strided_slice %dot_general3A_803 {offsets = [0, 0], sizes = [32, 128], strides = [1, 1]} : vector<32x129xf32> to vector<32x128xf32>
    %add3A_808 = arith.addf %squeeze3A_806, %slice3A_807 : vector<32x128xf32>
    %logistic3A_809 = arith.negf %add3A_808 : vector<32x128xf32>
    %logistic3A_810 = math.exp %logistic3A_809 : vector<32x128xf32>
    %logistic3A_811 = arith.constant 1.000000e+00 : f32
    %logistic3A_812 = vector.broadcast %logistic3A_811 : f32 to vector<32x128xf32>
    %logistic3A_813 = arith.addf %logistic3A_812, %logistic3A_810 : vector<32x128xf32>
    %logistic3A_814 = arith.divf %logistic3A_812, %logistic3A_813 : vector<32x128xf32>
    %mul3A_815 = arith.mulf %add3A_808, %logistic3A_814 : vector<32x128xf32>
    %max3A_816 = arith.maximumf %slice3A_768, %slice3A_804 : vector<32x1xf32>
    %sub3A_817 = arith.subf %slice3A_768, %max3A_816 : vector<32x1xf32>
    %exp3A_818 = math.exp %sub3A_817 : vector<32x1xf32>
    %sub3A_819 = arith.subf %slice3A_804, %max3A_816 : vector<32x1xf32>
    %exp3A_820 = math.exp %sub3A_819 : vector<32x1xf32>
    %mul3A_821 = vector.broadcast %exp3A_818 : vector<32x1xf32> to vector<32x128xf32>
    %mul3A_822 = arith.mulf %mul3A_821, %mul3A_779 : vector<32x128xf32>
    %mul3A_823 = vector.broadcast %exp3A_820 : vector<32x1xf32> to vector<32x128xf32>
    %mul3A_824 = arith.mulf %mul3A_823, %mul3A_815 : vector<32x128xf32>
    %add3A_825 = arith.addf %mul3A_822, %mul3A_824 : vector<32x128xf32>
    %add3A_826 = arith.addf %exp3A_818, %exp3A_820 : vector<32x1xf32>
    %div3A_827 = vector.broadcast %add3A_826 : vector<32x1xf32> to vector<32x128xf32>
    %div3A_828 = arith.divf %add3A_825, %div3A_827 : vector<32x128xf32>
    %slice3A_829 = vector.extract_strided_slice %reshape3A_122 {offsets = [6, 0, 0], sizes = [1, 32, 3], strides = [1, 1, 1]} : vector<8x32x3xf32> to vector<1x32x3xf32>
    %squeeze3A_830 = vector.shape_cast %slice3A_829 : vector<1x32x3xf32> to vector<32x3xf32>
    %get3A_831 = arith.constant 6 : index
    %get3A_832 = arith.constant 0 : index
    %get3A_833 = arith.constant 0 : index
    %get3A_834 = vector.load %arg3[%get3A_831, %get3A_832, %get3A_833] : memref<8x8x32xf32, #tpu.memory_space<vmem>>, vector<1x8x32xf32>
    %get3A_835 = vector.shape_cast %get3A_834 : vector<1x8x32xf32> to vector<8x32xf32>
    %mul3A_836 = arith.mulf %squeeze3A_830, %squeeze3A_830 : vector<32x3xf32>
    %reduce_sum3A_837 = arith.constant dense<0.000000e+00> : vector<32xf32>
    %reduce_sum3A_838 = vector.multi_reduction <add>, %mul3A_836, %reduce_sum3A_837 [1] : vector<32x3xf32> to vector<32xf32>
    %broadcast_in_dim3A_839 = vector.shape_cast %reduce_sum3A_838 : vector<32xf32> to vector<32x1xf32>
    %mul3A_840 = arith.mulf %get3A_835, %get3A_835 : vector<8x32xf32>
    %reduce_sum3A_841 = arith.constant dense<0.000000e+00> : vector<32xf32>
    %reduce_sum3A_842 = vector.multi_reduction <add>, %mul3A_840, %reduce_sum3A_841 [0] : vector<8x32xf32> to vector<32xf32>
    %broadcast_in_dim3A_843 = vector.shape_cast %reduce_sum3A_842 : vector<32xf32> to vector<1x32xf32>
    %slice3A_844 = vector.extract_strided_slice %squeeze3A_830 {offsets = [0, 0], sizes = [32, 1], strides = [1, 1]} : vector<32x3xf32> to vector<32x1xf32>
    %slice3A_845 = vector.extract_strided_slice %get3A_835 {offsets = [0, 0], sizes = [1, 32], strides = [1, 1]} : vector<8x32xf32> to vector<1x32xf32>
    %mul3A_846 = vector.broadcast %slice3A_844 : vector<32x1xf32> to vector<32x32xf32>
    %mul3A_847 = vector.broadcast %slice3A_845 : vector<1x32xf32> to vector<32x32xf32>
    %mul3A_848 = arith.mulf %mul3A_846, %mul3A_847 : vector<32x32xf32>
    %slice3A_849 = vector.extract_strided_slice %squeeze3A_830 {offsets = [0, 1], sizes = [32, 1], strides = [1, 1]} : vector<32x3xf32> to vector<32x1xf32>
    %slice3A_850 = vector.extract_strided_slice %get3A_835 {offsets = [1, 0], sizes = [1, 32], strides = [1, 1]} : vector<8x32xf32> to vector<1x32xf32>
    %mul3A_851 = vector.broadcast %slice3A_849 : vector<32x1xf32> to vector<32x32xf32>
    %mul3A_852 = vector.broadcast %slice3A_850 : vector<1x32xf32> to vector<32x32xf32>
    %mul3A_853 = arith.mulf %mul3A_851, %mul3A_852 : vector<32x32xf32>
    %add3A_854 = arith.addf %mul3A_848, %mul3A_853 : vector<32x32xf32>
    %slice3A_855 = vector.extract_strided_slice %squeeze3A_830 {offsets = [0, 2], sizes = [32, 1], strides = [1, 1]} : vector<32x3xf32> to vector<32x1xf32>
    %slice3A_856 = vector.extract_strided_slice %get3A_835 {offsets = [2, 0], sizes = [1, 32], strides = [1, 1]} : vector<8x32xf32> to vector<1x32xf32>
    %mul3A_857 = vector.broadcast %slice3A_855 : vector<32x1xf32> to vector<32x32xf32>
    %mul3A_858 = vector.broadcast %slice3A_856 : vector<1x32xf32> to vector<32x32xf32>
    %mul3A_859 = arith.mulf %mul3A_857, %mul3A_858 : vector<32x32xf32>
    %add3A_860 = arith.addf %add3A_854, %mul3A_859 : vector<32x32xf32>
    %add3A_861 = vector.broadcast %broadcast_in_dim3A_839 : vector<32x1xf32> to vector<32x32xf32>
    %add3A_862 = vector.broadcast %broadcast_in_dim3A_843 : vector<1x32xf32> to vector<32x32xf32>
    %add3A_863 = arith.addf %add3A_861, %add3A_862 : vector<32x32xf32>
    %mul3A_864 = arith.constant 2.000000e+00 : f32
    %mul3A_865 = vector.broadcast %mul3A_864 : f32 to vector<32x32xf32>
    %mul3A_866 = arith.mulf %mul3A_865, %add3A_860 : vector<32x32xf32>
    %sub3A_867 = arith.subf %add3A_863, %mul3A_866 : vector<32x32xf32>
    %reduce_min3A_868 = arith.constant dense<0x7F800000> : vector<32xf32>
    %reduce_min3A_869 = vector.multi_reduction <minimumf>, %sub3A_867, %reduce_min3A_868 [1] : vector<32x32xf32> to vector<32xf32>
    %broadcast_in_dim3A_870 = vector.shape_cast %reduce_min3A_869 : vector<32xf32> to vector<32x1xf32>
    %le3A_871 = vector.broadcast %broadcast_in_dim3A_870 : vector<32x1xf32> to vector<32x32xf32>
    %le3A_872 = arith.cmpf ole, %sub3A_867, %le3A_871 : vector<32x32xf32>
    %jit3A_873 = arith.constant 64 : i32
    %broadcast_in_dim3A_874 = vector.broadcast %jit3A_873 : i32 to vector<32x32xi32>
    %select_n3A_875 = arith.select %le3A_872, %iota3A, %broadcast_in_dim3A_874 : vector<32x32xi1>, vector<32x32xi32>
    %reduce_min3A_876 = arith.constant dense<2147483647> : vector<32xi32>
    %reduce_min3A_877 = vector.multi_reduction <minsi>, %select_n3A_875, %reduce_min3A_876 [1] : vector<32x32xi32> to vector<32xi32>
    %broadcast_in_dim3A_878 = vector.shape_cast %reduce_min3A_877 : vector<32xi32> to vector<32x1xi32>
    %eq3A_879 = vector.broadcast %broadcast_in_dim3A_878 : vector<32x1xi32> to vector<32x32xi32>
    %eq3A_880 = arith.cmpi eq, %iota3A, %eq3A_879 : vector<32x32xi32>
    %convert_element_type3A_881 = arith.extui %eq3A_880 : vector<32x32xi1> to vector<32x32xi32>
    %convert_element_type3A_882 = arith.sitofp %convert_element_type3A_881 : vector<32x32xi32> to vector<32x32xf32>
    %slice3A_883 = vector.extract_strided_slice %reshape3A_123 {offsets = [6, 0, 0], sizes = [1, 32, 129], strides = [1, 1, 1]} : vector<8x32x129xf32> to vector<1x32x129xf32>
    %squeeze3A_884 = vector.shape_cast %slice3A_883 : vector<1x32x129xf32> to vector<32x129xf32>
    %dot_general3A_885 = arith.constant dense<0.000000e+00> : vector<32x129xf32>
    %dot_general3A_886 = tpu.matmul %convert_element_type3A_882, %squeeze3A_884, %dot_general3A_885 {dimension_numbers = #tpu.dot_dimension_numbers<[1], [0], [0], [1], [0, 0, 1, 1], [], []>, precision = #tpu.contract_precision<fp32>, transpose_lhs_hint = false} : vector<32x32xf32>, vector<32x129xf32>, vector<32x129xf32> -> vector<32x129xf32>
    %slice3A_887 = vector.extract_strided_slice %dot_general3A_886 {offsets = [0, 128], sizes = [32, 1], strides = [1, 1]} : vector<32x129xf32> to vector<32x1xf32>
    %slice3A_888 = vector.extract_strided_slice %reshape3A_124 {offsets = [6, 0, 0], sizes = [1, 32, 128], strides = [1, 1, 1]} : vector<8x32x128xf32> to vector<1x32x128xf32>
    %squeeze3A_889 = vector.shape_cast %slice3A_888 : vector<1x32x128xf32> to vector<32x128xf32>
    %slice3A_890 = vector.extract_strided_slice %dot_general3A_886 {offsets = [0, 0], sizes = [32, 128], strides = [1, 1]} : vector<32x129xf32> to vector<32x128xf32>
    %add3A_891 = arith.addf %squeeze3A_889, %slice3A_890 : vector<32x128xf32>
    %logistic3A_892 = arith.negf %add3A_891 : vector<32x128xf32>
    %logistic3A_893 = math.exp %logistic3A_892 : vector<32x128xf32>
    %logistic3A_894 = arith.constant 1.000000e+00 : f32
    %logistic3A_895 = vector.broadcast %logistic3A_894 : f32 to vector<32x128xf32>
    %logistic3A_896 = arith.addf %logistic3A_895, %logistic3A_893 : vector<32x128xf32>
    %logistic3A_897 = arith.divf %logistic3A_895, %logistic3A_896 : vector<32x128xf32>
    %mul3A_898 = arith.mulf %add3A_891, %logistic3A_897 : vector<32x128xf32>
    %eq3A_899 = vector.broadcast %broadcast_in_dim3A_878 : vector<32x1xi32> to vector<32x32xi32>
    %eq3A_900 = arith.cmpi eq, %iota3A, %eq3A_899 : vector<32x32xi32>
    %jit3A_901 = arith.constant 1.000000e+30 : f32
    %broadcast_in_dim3A_902 = vector.broadcast %jit3A_901 : f32 to vector<32x32xf32>
    %select_n3A_903 = arith.select %eq3A_900, %broadcast_in_dim3A_902, %sub3A_867 : vector<32x32xi1>, vector<32x32xf32>
    %reduce_min3A_904 = arith.constant dense<0x7F800000> : vector<32xf32>
    %reduce_min3A_905 = vector.multi_reduction <minimumf>, %select_n3A_903, %reduce_min3A_904 [1] : vector<32x32xf32> to vector<32xf32>
    %broadcast_in_dim3A_906 = vector.shape_cast %reduce_min3A_905 : vector<32xf32> to vector<32x1xf32>
    %le3A_907 = vector.broadcast %broadcast_in_dim3A_906 : vector<32x1xf32> to vector<32x32xf32>
    %le3A_908 = arith.cmpf ole, %select_n3A_903, %le3A_907 : vector<32x32xf32>
    %jit3A_909 = arith.constant 64 : i32
    %broadcast_in_dim3A_910 = vector.broadcast %jit3A_909 : i32 to vector<32x32xi32>
    %select_n3A_911 = arith.select %le3A_908, %iota3A, %broadcast_in_dim3A_910 : vector<32x32xi1>, vector<32x32xi32>
    %reduce_min3A_912 = arith.constant dense<2147483647> : vector<32xi32>
    %reduce_min3A_913 = vector.multi_reduction <minsi>, %select_n3A_911, %reduce_min3A_912 [1] : vector<32x32xi32> to vector<32xi32>
    %broadcast_in_dim3A_914 = vector.shape_cast %reduce_min3A_913 : vector<32xi32> to vector<32x1xi32>
    %eq3A_915 = vector.broadcast %broadcast_in_dim3A_914 : vector<32x1xi32> to vector<32x32xi32>
    %eq3A_916 = arith.cmpi eq, %iota3A, %eq3A_915 : vector<32x32xi32>
    %convert_element_type3A_917 = arith.extui %eq3A_916 : vector<32x32xi1> to vector<32x32xi32>
    %convert_element_type3A_918 = arith.sitofp %convert_element_type3A_917 : vector<32x32xi32> to vector<32x32xf32>
    %slice3A_919 = vector.extract_strided_slice %reshape3A_123 {offsets = [6, 0, 0], sizes = [1, 32, 129], strides = [1, 1, 1]} : vector<8x32x129xf32> to vector<1x32x129xf32>
    %squeeze3A_920 = vector.shape_cast %slice3A_919 : vector<1x32x129xf32> to vector<32x129xf32>
    %dot_general3A_921 = arith.constant dense<0.000000e+00> : vector<32x129xf32>
    %dot_general3A_922 = tpu.matmul %convert_element_type3A_918, %squeeze3A_920, %dot_general3A_921 {dimension_numbers = #tpu.dot_dimension_numbers<[1], [0], [0], [1], [0, 0, 1, 1], [], []>, precision = #tpu.contract_precision<fp32>, transpose_lhs_hint = false} : vector<32x32xf32>, vector<32x129xf32>, vector<32x129xf32> -> vector<32x129xf32>
    %slice3A_923 = vector.extract_strided_slice %dot_general3A_922 {offsets = [0, 128], sizes = [32, 1], strides = [1, 1]} : vector<32x129xf32> to vector<32x1xf32>
    %slice3A_924 = vector.extract_strided_slice %reshape3A_124 {offsets = [6, 0, 0], sizes = [1, 32, 128], strides = [1, 1, 1]} : vector<8x32x128xf32> to vector<1x32x128xf32>
    %squeeze3A_925 = vector.shape_cast %slice3A_924 : vector<1x32x128xf32> to vector<32x128xf32>
    %slice3A_926 = vector.extract_strided_slice %dot_general3A_922 {offsets = [0, 0], sizes = [32, 128], strides = [1, 1]} : vector<32x129xf32> to vector<32x128xf32>
    %add3A_927 = arith.addf %squeeze3A_925, %slice3A_926 : vector<32x128xf32>
    %logistic3A_928 = arith.negf %add3A_927 : vector<32x128xf32>
    %logistic3A_929 = math.exp %logistic3A_928 : vector<32x128xf32>
    %logistic3A_930 = arith.constant 1.000000e+00 : f32
    %logistic3A_931 = vector.broadcast %logistic3A_930 : f32 to vector<32x128xf32>
    %logistic3A_932 = arith.addf %logistic3A_931, %logistic3A_929 : vector<32x128xf32>
    %logistic3A_933 = arith.divf %logistic3A_931, %logistic3A_932 : vector<32x128xf32>
    %mul3A_934 = arith.mulf %add3A_927, %logistic3A_933 : vector<32x128xf32>
    %max3A_935 = arith.maximumf %slice3A_887, %slice3A_923 : vector<32x1xf32>
    %sub3A_936 = arith.subf %slice3A_887, %max3A_935 : vector<32x1xf32>
    %exp3A_937 = math.exp %sub3A_936 : vector<32x1xf32>
    %sub3A_938 = arith.subf %slice3A_923, %max3A_935 : vector<32x1xf32>
    %exp3A_939 = math.exp %sub3A_938 : vector<32x1xf32>
    %mul3A_940 = vector.broadcast %exp3A_937 : vector<32x1xf32> to vector<32x128xf32>
    %mul3A_941 = arith.mulf %mul3A_940, %mul3A_898 : vector<32x128xf32>
    %mul3A_942 = vector.broadcast %exp3A_939 : vector<32x1xf32> to vector<32x128xf32>
    %mul3A_943 = arith.mulf %mul3A_942, %mul3A_934 : vector<32x128xf32>
    %add3A_944 = arith.addf %mul3A_941, %mul3A_943 : vector<32x128xf32>
    %add3A_945 = arith.addf %exp3A_937, %exp3A_939 : vector<32x1xf32>
    %div3A_946 = vector.broadcast %add3A_945 : vector<32x1xf32> to vector<32x128xf32>
    %div3A_947 = arith.divf %add3A_944, %div3A_946 : vector<32x128xf32>
    %slice3A_948 = vector.extract_strided_slice %reshape3A_122 {offsets = [7, 0, 0], sizes = [1, 32, 3], strides = [1, 1, 1]} : vector<8x32x3xf32> to vector<1x32x3xf32>
    %squeeze3A_949 = vector.shape_cast %slice3A_948 : vector<1x32x3xf32> to vector<32x3xf32>
    %get3A_950 = arith.constant 7 : index
    %get3A_951 = arith.constant 0 : index
    %get3A_952 = arith.constant 0 : index
    %get3A_953 = vector.load %arg3[%get3A_950, %get3A_951, %get3A_952] : memref<8x8x32xf32, #tpu.memory_space<vmem>>, vector<1x8x32xf32>
    %get3A_954 = vector.shape_cast %get3A_953 : vector<1x8x32xf32> to vector<8x32xf32>
    %mul3A_955 = arith.mulf %squeeze3A_949, %squeeze3A_949 : vector<32x3xf32>
    %reduce_sum3A_956 = arith.constant dense<0.000000e+00> : vector<32xf32>
    %reduce_sum3A_957 = vector.multi_reduction <add>, %mul3A_955, %reduce_sum3A_956 [1] : vector<32x3xf32> to vector<32xf32>
    %broadcast_in_dim3A_958 = vector.shape_cast %reduce_sum3A_957 : vector<32xf32> to vector<32x1xf32>
    %mul3A_959 = arith.mulf %get3A_954, %get3A_954 : vector<8x32xf32>
    %reduce_sum3A_960 = arith.constant dense<0.000000e+00> : vector<32xf32>
    %reduce_sum3A_961 = vector.multi_reduction <add>, %mul3A_959, %reduce_sum3A_960 [0] : vector<8x32xf32> to vector<32xf32>
    %broadcast_in_dim3A_962 = vector.shape_cast %reduce_sum3A_961 : vector<32xf32> to vector<1x32xf32>
    %slice3A_963 = vector.extract_strided_slice %squeeze3A_949 {offsets = [0, 0], sizes = [32, 1], strides = [1, 1]} : vector<32x3xf32> to vector<32x1xf32>
    %slice3A_964 = vector.extract_strided_slice %get3A_954 {offsets = [0, 0], sizes = [1, 32], strides = [1, 1]} : vector<8x32xf32> to vector<1x32xf32>
    %mul3A_965 = vector.broadcast %slice3A_963 : vector<32x1xf32> to vector<32x32xf32>
    %mul3A_966 = vector.broadcast %slice3A_964 : vector<1x32xf32> to vector<32x32xf32>
    %mul3A_967 = arith.mulf %mul3A_965, %mul3A_966 : vector<32x32xf32>
    %slice3A_968 = vector.extract_strided_slice %squeeze3A_949 {offsets = [0, 1], sizes = [32, 1], strides = [1, 1]} : vector<32x3xf32> to vector<32x1xf32>
    %slice3A_969 = vector.extract_strided_slice %get3A_954 {offsets = [1, 0], sizes = [1, 32], strides = [1, 1]} : vector<8x32xf32> to vector<1x32xf32>
    %mul3A_970 = vector.broadcast %slice3A_968 : vector<32x1xf32> to vector<32x32xf32>
    %mul3A_971 = vector.broadcast %slice3A_969 : vector<1x32xf32> to vector<32x32xf32>
    %mul3A_972 = arith.mulf %mul3A_970, %mul3A_971 : vector<32x32xf32>
    %add3A_973 = arith.addf %mul3A_967, %mul3A_972 : vector<32x32xf32>
    %slice3A_974 = vector.extract_strided_slice %squeeze3A_949 {offsets = [0, 2], sizes = [32, 1], strides = [1, 1]} : vector<32x3xf32> to vector<32x1xf32>
    %slice3A_975 = vector.extract_strided_slice %get3A_954 {offsets = [2, 0], sizes = [1, 32], strides = [1, 1]} : vector<8x32xf32> to vector<1x32xf32>
    %mul3A_976 = vector.broadcast %slice3A_974 : vector<32x1xf32> to vector<32x32xf32>
    %mul3A_977 = vector.broadcast %slice3A_975 : vector<1x32xf32> to vector<32x32xf32>
    %mul3A_978 = arith.mulf %mul3A_976, %mul3A_977 : vector<32x32xf32>
    %add3A_979 = arith.addf %add3A_973, %mul3A_978 : vector<32x32xf32>
    %add3A_980 = vector.broadcast %broadcast_in_dim3A_958 : vector<32x1xf32> to vector<32x32xf32>
    %add3A_981 = vector.broadcast %broadcast_in_dim3A_962 : vector<1x32xf32> to vector<32x32xf32>
    %add3A_982 = arith.addf %add3A_980, %add3A_981 : vector<32x32xf32>
    %mul3A_983 = arith.constant 2.000000e+00 : f32
    %mul3A_984 = vector.broadcast %mul3A_983 : f32 to vector<32x32xf32>
    %mul3A_985 = arith.mulf %mul3A_984, %add3A_979 : vector<32x32xf32>
    %sub3A_986 = arith.subf %add3A_982, %mul3A_985 : vector<32x32xf32>
    %reduce_min3A_987 = arith.constant dense<0x7F800000> : vector<32xf32>
    %reduce_min3A_988 = vector.multi_reduction <minimumf>, %sub3A_986, %reduce_min3A_987 [1] : vector<32x32xf32> to vector<32xf32>
    %broadcast_in_dim3A_989 = vector.shape_cast %reduce_min3A_988 : vector<32xf32> to vector<32x1xf32>
    %le3A_990 = vector.broadcast %broadcast_in_dim3A_989 : vector<32x1xf32> to vector<32x32xf32>
    %le3A_991 = arith.cmpf ole, %sub3A_986, %le3A_990 : vector<32x32xf32>
    %jit3A_992 = arith.constant 64 : i32
    %broadcast_in_dim3A_993 = vector.broadcast %jit3A_992 : i32 to vector<32x32xi32>
    %select_n3A_994 = arith.select %le3A_991, %iota3A, %broadcast_in_dim3A_993 : vector<32x32xi1>, vector<32x32xi32>
    %reduce_min3A_995 = arith.constant dense<2147483647> : vector<32xi32>
    %reduce_min3A_996 = vector.multi_reduction <minsi>, %select_n3A_994, %reduce_min3A_995 [1] : vector<32x32xi32> to vector<32xi32>
    %broadcast_in_dim3A_997 = vector.shape_cast %reduce_min3A_996 : vector<32xi32> to vector<32x1xi32>
    %eq3A_998 = vector.broadcast %broadcast_in_dim3A_997 : vector<32x1xi32> to vector<32x32xi32>
    %eq3A_999 = arith.cmpi eq, %iota3A, %eq3A_998 : vector<32x32xi32>
    %convert_element_type3A_1000 = arith.extui %eq3A_999 : vector<32x32xi1> to vector<32x32xi32>
    %convert_element_type3A_1001 = arith.sitofp %convert_element_type3A_1000 : vector<32x32xi32> to vector<32x32xf32>
    %slice3A_1002 = vector.extract_strided_slice %reshape3A_123 {offsets = [7, 0, 0], sizes = [1, 32, 129], strides = [1, 1, 1]} : vector<8x32x129xf32> to vector<1x32x129xf32>
    %squeeze3A_1003 = vector.shape_cast %slice3A_1002 : vector<1x32x129xf32> to vector<32x129xf32>
    %dot_general3A_1004 = arith.constant dense<0.000000e+00> : vector<32x129xf32>
    %dot_general3A_1005 = tpu.matmul %convert_element_type3A_1001, %squeeze3A_1003, %dot_general3A_1004 {dimension_numbers = #tpu.dot_dimension_numbers<[1], [0], [0], [1], [0, 0, 1, 1], [], []>, precision = #tpu.contract_precision<fp32>, transpose_lhs_hint = false} : vector<32x32xf32>, vector<32x129xf32>, vector<32x129xf32> -> vector<32x129xf32>
    %slice3A_1006 = vector.extract_strided_slice %dot_general3A_1005 {offsets = [0, 128], sizes = [32, 1], strides = [1, 1]} : vector<32x129xf32> to vector<32x1xf32>
    %slice3A_1007 = vector.extract_strided_slice %reshape3A_124 {offsets = [7, 0, 0], sizes = [1, 32, 128], strides = [1, 1, 1]} : vector<8x32x128xf32> to vector<1x32x128xf32>
    %squeeze3A_1008 = vector.shape_cast %slice3A_1007 : vector<1x32x128xf32> to vector<32x128xf32>
    %slice3A_1009 = vector.extract_strided_slice %dot_general3A_1005 {offsets = [0, 0], sizes = [32, 128], strides = [1, 1]} : vector<32x129xf32> to vector<32x128xf32>
    %add3A_1010 = arith.addf %squeeze3A_1008, %slice3A_1009 : vector<32x128xf32>
    %logistic3A_1011 = arith.negf %add3A_1010 : vector<32x128xf32>
    %logistic3A_1012 = math.exp %logistic3A_1011 : vector<32x128xf32>
    %logistic3A_1013 = arith.constant 1.000000e+00 : f32
    %logistic3A_1014 = vector.broadcast %logistic3A_1013 : f32 to vector<32x128xf32>
    %logistic3A_1015 = arith.addf %logistic3A_1014, %logistic3A_1012 : vector<32x128xf32>
    %logistic3A_1016 = arith.divf %logistic3A_1014, %logistic3A_1015 : vector<32x128xf32>
    %mul3A_1017 = arith.mulf %add3A_1010, %logistic3A_1016 : vector<32x128xf32>
    %eq3A_1018 = vector.broadcast %broadcast_in_dim3A_997 : vector<32x1xi32> to vector<32x32xi32>
    %eq3A_1019 = arith.cmpi eq, %iota3A, %eq3A_1018 : vector<32x32xi32>
    %jit3A_1020 = arith.constant 1.000000e+30 : f32
    %broadcast_in_dim3A_1021 = vector.broadcast %jit3A_1020 : f32 to vector<32x32xf32>
    %select_n3A_1022 = arith.select %eq3A_1019, %broadcast_in_dim3A_1021, %sub3A_986 : vector<32x32xi1>, vector<32x32xf32>
    %reduce_min3A_1023 = arith.constant dense<0x7F800000> : vector<32xf32>
    %reduce_min3A_1024 = vector.multi_reduction <minimumf>, %select_n3A_1022, %reduce_min3A_1023 [1] : vector<32x32xf32> to vector<32xf32>
    %broadcast_in_dim3A_1025 = vector.shape_cast %reduce_min3A_1024 : vector<32xf32> to vector<32x1xf32>
    %le3A_1026 = vector.broadcast %broadcast_in_dim3A_1025 : vector<32x1xf32> to vector<32x32xf32>
    %le3A_1027 = arith.cmpf ole, %select_n3A_1022, %le3A_1026 : vector<32x32xf32>
    %jit3A_1028 = arith.constant 64 : i32
    %broadcast_in_dim3A_1029 = vector.broadcast %jit3A_1028 : i32 to vector<32x32xi32>
    %select_n3A_1030 = arith.select %le3A_1027, %iota3A, %broadcast_in_dim3A_1029 : vector<32x32xi1>, vector<32x32xi32>
    %reduce_min3A_1031 = arith.constant dense<2147483647> : vector<32xi32>
    %reduce_min3A_1032 = vector.multi_reduction <minsi>, %select_n3A_1030, %reduce_min3A_1031 [1] : vector<32x32xi32> to vector<32xi32>
    %broadcast_in_dim3A_1033 = vector.shape_cast %reduce_min3A_1032 : vector<32xi32> to vector<32x1xi32>
    %eq3A_1034 = vector.broadcast %broadcast_in_dim3A_1033 : vector<32x1xi32> to vector<32x32xi32>
    %eq3A_1035 = arith.cmpi eq, %iota3A, %eq3A_1034 : vector<32x32xi32>
    %convert_element_type3A_1036 = arith.extui %eq3A_1035 : vector<32x32xi1> to vector<32x32xi32>
    %convert_element_type3A_1037 = arith.sitofp %convert_element_type3A_1036 : vector<32x32xi32> to vector<32x32xf32>
    %slice3A_1038 = vector.extract_strided_slice %reshape3A_123 {offsets = [7, 0, 0], sizes = [1, 32, 129], strides = [1, 1, 1]} : vector<8x32x129xf32> to vector<1x32x129xf32>
    %squeeze3A_1039 = vector.shape_cast %slice3A_1038 : vector<1x32x129xf32> to vector<32x129xf32>
    %dot_general3A_1040 = arith.constant dense<0.000000e+00> : vector<32x129xf32>
    %dot_general3A_1041 = tpu.matmul %convert_element_type3A_1037, %squeeze3A_1039, %dot_general3A_1040 {dimension_numbers = #tpu.dot_dimension_numbers<[1], [0], [0], [1], [0, 0, 1, 1], [], []>, precision = #tpu.contract_precision<fp32>, transpose_lhs_hint = false} : vector<32x32xf32>, vector<32x129xf32>, vector<32x129xf32> -> vector<32x129xf32>
    %slice3A_1042 = vector.extract_strided_slice %dot_general3A_1041 {offsets = [0, 128], sizes = [32, 1], strides = [1, 1]} : vector<32x129xf32> to vector<32x1xf32>
    %slice3A_1043 = vector.extract_strided_slice %reshape3A_124 {offsets = [7, 0, 0], sizes = [1, 32, 128], strides = [1, 1, 1]} : vector<8x32x128xf32> to vector<1x32x128xf32>
    %squeeze3A_1044 = vector.shape_cast %slice3A_1043 : vector<1x32x128xf32> to vector<32x128xf32>
    %slice3A_1045 = vector.extract_strided_slice %dot_general3A_1041 {offsets = [0, 0], sizes = [32, 128], strides = [1, 1]} : vector<32x129xf32> to vector<32x128xf32>
    %add3A_1046 = arith.addf %squeeze3A_1044, %slice3A_1045 : vector<32x128xf32>
    %logistic3A_1047 = arith.negf %add3A_1046 : vector<32x128xf32>
    %logistic3A_1048 = math.exp %logistic3A_1047 : vector<32x128xf32>
    %logistic3A_1049 = arith.constant 1.000000e+00 : f32
    %logistic3A_1050 = vector.broadcast %logistic3A_1049 : f32 to vector<32x128xf32>
    %logistic3A_1051 = arith.addf %logistic3A_1050, %logistic3A_1048 : vector<32x128xf32>
    %logistic3A_1052 = arith.divf %logistic3A_1050, %logistic3A_1051 : vector<32x128xf32>
    %mul3A_1053 = arith.mulf %add3A_1046, %logistic3A_1052 : vector<32x128xf32>
    %max3A_1054 = arith.maximumf %slice3A_1006, %slice3A_1042 : vector<32x1xf32>
    %sub3A_1055 = arith.subf %slice3A_1006, %max3A_1054 : vector<32x1xf32>
    %exp3A_1056 = math.exp %sub3A_1055 : vector<32x1xf32>
    %sub3A_1057 = arith.subf %slice3A_1042, %max3A_1054 : vector<32x1xf32>
    %exp3A_1058 = math.exp %sub3A_1057 : vector<32x1xf32>
    %mul3A_1059 = vector.broadcast %exp3A_1056 : vector<32x1xf32> to vector<32x128xf32>
    %mul3A_1060 = arith.mulf %mul3A_1059, %mul3A_1017 : vector<32x128xf32>
    %mul3A_1061 = vector.broadcast %exp3A_1058 : vector<32x1xf32> to vector<32x128xf32>
    %mul3A_1062 = arith.mulf %mul3A_1061, %mul3A_1053 : vector<32x128xf32>
    %add3A_1063 = arith.addf %mul3A_1060, %mul3A_1062 : vector<32x128xf32>
    %add3A_1064 = arith.addf %exp3A_1056, %exp3A_1058 : vector<32x1xf32>
    %div3A_1065 = vector.broadcast %add3A_1064 : vector<32x1xf32> to vector<32x128xf32>
    %div3A_1066 = arith.divf %add3A_1063, %div3A_1065 : vector<32x128xf32>
    %concatenate3A_1067 = tpu.concatenate %div3A_233, %div3A_352, %div3A_471, %div3A_590, %div3A_709, %div3A_828, %div3A_947, %div3A_1066 in 0 : vector<32x128xf32>, vector<32x128xf32>, vector<32x128xf32>, vector<32x128xf32>, vector<32x128xf32>, vector<32x128xf32>, vector<32x128xf32>, vector<32x128xf32> -> vector<256x128xf32>
    %get3A_1068 = arith.constant 0 : index
    %get3A_1069 = arith.constant 0 : index
    %get3A_1070 = vector.load %arg15[%get3A_1068, %get3A_1069] : memref<1x128xf32, #tpu.memory_space<vmem>>, vector<1x128xf32>
    %get3A_1071 = arith.constant 0 : index
    %get3A_1072 = arith.constant 0 : index
    %get3A_1073 = vector.load %arg16[%get3A_1071, %get3A_1072] : memref<1x128xf32, #tpu.memory_space<vmem>>, vector<1x128xf32>
    %reduce_sum3A_1074 = arith.constant dense<0.000000e+00> : vector<128xf32>
    %reduce_sum3A_1075 = vector.multi_reduction <add>, %concatenate3A_1067, %reduce_sum3A_1074 [0] : vector<256x128xf32> to vector<128xf32>
    %broadcast_in_dim3A_1076 = vector.shape_cast %reduce_sum3A_1075 : vector<128xf32> to vector<1x128xf32>
    %div3A_1077 = arith.constant 2.560000e+02 : f32
    %div3A_1078 = vector.broadcast %div3A_1077 : f32 to vector<1x128xf32>
    %div3A_1079 = arith.divf %broadcast_in_dim3A_1076, %div3A_1078 : vector<1x128xf32>
    %sub3A_1080 = vector.broadcast %div3A_1079 : vector<1x128xf32> to vector<256x128xf32>
    %sub3A_1081 = arith.subf %concatenate3A_1067, %sub3A_1080 : vector<256x128xf32>
    %sub3A_1082 = vector.broadcast %div3A_1079 : vector<1x128xf32> to vector<256x128xf32>
    %sub3A_1083 = arith.subf %concatenate3A_1067, %sub3A_1082 : vector<256x128xf32>
    %mul3A_1084 = arith.mulf %sub3A_1081, %sub3A_1083 : vector<256x128xf32>
    %reduce_sum3A_1085 = arith.constant dense<0.000000e+00> : vector<128xf32>
    %reduce_sum3A_1086 = vector.multi_reduction <add>, %mul3A_1084, %reduce_sum3A_1085 [0] : vector<256x128xf32> to vector<128xf32>
    %broadcast_in_dim3A_1087 = vector.shape_cast %reduce_sum3A_1086 : vector<128xf32> to vector<1x128xf32>
    %div3A_1088 = arith.constant 2.560000e+02 : f32
    %div3A_1089 = vector.broadcast %div3A_1088 : f32 to vector<1x128xf32>
    %div3A_1090 = arith.divf %broadcast_in_dim3A_1087, %div3A_1089 : vector<1x128xf32>
    %sub3A_1091 = vector.broadcast %div3A_1079 : vector<1x128xf32> to vector<256x128xf32>
    %sub3A_1092 = arith.subf %concatenate3A_1067, %sub3A_1091 : vector<256x128xf32>
    %add3A_1093 = arith.constant 9.99999974E-6 : f32
    %add3A_1094 = vector.broadcast %add3A_1093 : f32 to vector<1x128xf32>
    %add3A_1095 = arith.addf %div3A_1090, %add3A_1094 : vector<1x128xf32>
    %sqrt3A_1096 = math.sqrt %add3A_1095 : vector<1x128xf32>
    %div3A_1097 = vector.broadcast %sqrt3A_1096 : vector<1x128xf32> to vector<256x128xf32>
    %div3A_1098 = arith.divf %sub3A_1092, %div3A_1097 : vector<256x128xf32>
    %mul3A_1099 = vector.broadcast %get3A_1070 : vector<1x128xf32> to vector<256x128xf32>
    %mul3A_1100 = arith.mulf %div3A_1098, %mul3A_1099 : vector<256x128xf32>
    %add3A_1101 = vector.broadcast %get3A_1073 : vector<1x128xf32> to vector<256x128xf32>
    %add3A_1102 = arith.addf %mul3A_1100, %add3A_1101 : vector<256x128xf32>
    %logistic3A_1103 = arith.negf %add3A_1102 : vector<256x128xf32>
    %logistic3A_1104 = math.exp %logistic3A_1103 : vector<256x128xf32>
    %logistic3A_1105 = arith.constant 1.000000e+00 : f32
    %logistic3A_1106 = vector.broadcast %logistic3A_1105 : f32 to vector<256x128xf32>
    %logistic3A_1107 = arith.addf %logistic3A_1106, %logistic3A_1104 : vector<256x128xf32>
    %logistic3A_1108 = arith.divf %logistic3A_1106, %logistic3A_1107 : vector<256x128xf32>
    %mul3A_1109 = arith.mulf %add3A_1102, %logistic3A_1108 : vector<256x128xf32>
    %swap3A = arith.constant 0 : index
    %swap3A_1110 = arith.constant 0 : index
    %swap3A_1111 = vector.load %arg17[%swap3A, %swap3A_1110] : memref<256x128xf32, #tpu.memory_space<vmem>>, vector<256x128xf32>
    tpu.vector_store %arg17[%swap3A, %swap3A_1110], %mul3A_1109 {strides = array<i32>} : memref<256x128xf32, #tpu.memory_space<vmem>>, vector<256x128xf32>,
    return
  }
}

module attributes {stable_mosaic.version = 14 : i64} {
  func.func @_pc3a_body(%arg0: i32, %arg1: memref<1x10x1024x128xf32, #tpu.memory_space<vmem>>, %arg2: memref<1x1024x128xf32, #tpu.memory_space<vmem>>, %arg3: memref<1x1024x16xf32, #tpu.memory_space<vmem>>, %arg4: memref<1x1024x128xf32, #tpu.memory_space<vmem>>) attributes {dimension_semantics = [#tpu.dimension_semantics<arbitrary>], iteration_bounds = array<i64: 8>, scalar_prefetch = 0 : i64, scratch_operands = 0 : i64, tpu.core_type = #tpu.core_type<tc>, window_params = [{transform_indices = @transform_0, window_bounds = array<i64: 1, 10, 1024, 128>}, {transform_indices = @transform_1, window_bounds = array<i64: 1, 1024, 128>}, {transform_indices = @transform_2, window_bounds = array<i64: 1, 1024, 16>}, {transform_indices = @transform_3, window_bounds = array<i64: 1, 1024, 128>}]} {
    %get3A = arith.constant 0 : index
    %get3A_0 = arith.constant 0 : index
    %get3A_1 = arith.constant 0 : index
    %get3A_2 = arith.constant 0 : index
    %get3A_3 = vector.load %arg1[%get3A, %get3A_0, %get3A_1, %get3A_2] : memref<1x10x1024x128xf32, #tpu.memory_space<vmem>>, vector<1x10x1024x128xf32>
    %get3A_4 = vector.shape_cast %get3A_3 : vector<1x10x1024x128xf32> to vector<10x1024x128xf32>
    %get3A_5 = arith.constant 0 : index
    %get3A_6 = arith.constant 0 : index
    %get3A_7 = arith.constant 0 : index
    %get3A_8 = vector.load %arg2[%get3A_5, %get3A_6, %get3A_7] : memref<1x1024x128xf32, #tpu.memory_space<vmem>>, vector<1x1024x128xf32>
    %get3A_9 = vector.shape_cast %get3A_8 : vector<1x1024x128xf32> to vector<1024x128xf32>
    %get3A_10 = arith.constant 0 : index
    %get3A_11 = arith.constant 0 : index
    %get3A_12 = arith.constant 0 : index
    %get3A_13 = vector.load %arg3[%get3A_10, %get3A_11, %get3A_12] : memref<1x1024x16xf32, #tpu.memory_space<vmem>>, vector<1x1024x16xf32>
    %get3A_14 = vector.shape_cast %get3A_13 : vector<1x1024x16xf32> to vector<1024x16xf32>
    %slice3A = vector.extract_strided_slice %get3A_14 {offsets = [0, 0], sizes = [1024, 10], strides = [1, 1]} : vector<1024x16xf32> to vector<1024x10xf32>
    %reduce_max3A = arith.constant dense<0xFF800000> : vector<1024xf32>
    %reduce_max3A_15 = vector.multi_reduction <maximumf>, %slice3A, %reduce_max3A [1] : vector<1024x10xf32> to vector<1024xf32>
    %broadcast_in_dim3A = vector.shape_cast %reduce_max3A_15 : vector<1024xf32> to vector<1024x1xf32>
    %sub3A = vector.broadcast %broadcast_in_dim3A : vector<1024x1xf32> to vector<1024x10xf32>
    %sub3A_16 = arith.subf %slice3A, %sub3A : vector<1024x10xf32>
    %exp3A = math.exp %sub3A_16 : vector<1024x10xf32>
    %reduce_sum3A = arith.constant dense<0.000000e+00> : vector<1024xf32>
    %reduce_sum3A_17 = vector.multi_reduction <add>, %exp3A, %reduce_sum3A [1] : vector<1024x10xf32> to vector<1024xf32>
    %broadcast_in_dim3A_18 = vector.shape_cast %reduce_sum3A_17 : vector<1024xf32> to vector<1024x1xf32>
    %broadcast_in_dim3A_19 = arith.constant 0.000000e+00 : f32
    %broadcast_in_dim3A_20 = vector.broadcast %broadcast_in_dim3A_19 : f32 to vector<1024x128xf32>
    %slice3A_21 = vector.extract_strided_slice %exp3A {offsets = [0, 0], sizes = [1024, 1], strides = [1, 1]} : vector<1024x10xf32> to vector<1024x1xf32>
    %slice3A_22 = vector.extract_strided_slice %get3A_4 {offsets = [0, 0, 0], sizes = [1, 1024, 128], strides = [1, 1, 1]} : vector<10x1024x128xf32> to vector<1x1024x128xf32>
    %squeeze3A = vector.shape_cast %slice3A_22 : vector<1x1024x128xf32> to vector<1024x128xf32>
    %add3A = arith.addf %get3A_9, %squeeze3A : vector<1024x128xf32>
    %logistic3A = arith.negf %add3A : vector<1024x128xf32>
    %logistic3A_23 = math.exp %logistic3A : vector<1024x128xf32>
    %logistic3A_24 = arith.constant 1.000000e+00 : f32
    %logistic3A_25 = vector.broadcast %logistic3A_24 : f32 to vector<1024x128xf32>
    %logistic3A_26 = arith.addf %logistic3A_25, %logistic3A_23 : vector<1024x128xf32>
    %logistic3A_27 = arith.divf %logistic3A_25, %logistic3A_26 : vector<1024x128xf32>
    %mul3A = arith.mulf %add3A, %logistic3A_27 : vector<1024x128xf32>
    %mul3A_28 = vector.broadcast %slice3A_21 : vector<1024x1xf32> to vector<1024x128xf32>
    %mul3A_29 = arith.mulf %mul3A_28, %mul3A : vector<1024x128xf32>
    %add3A_30 = arith.addf %broadcast_in_dim3A_20, %mul3A_29 : vector<1024x128xf32>
    %slice3A_31 = vector.extract_strided_slice %exp3A {offsets = [0, 1], sizes = [1024, 1], strides = [1, 1]} : vector<1024x10xf32> to vector<1024x1xf32>
    %slice3A_32 = vector.extract_strided_slice %get3A_4 {offsets = [1, 0, 0], sizes = [1, 1024, 128], strides = [1, 1, 1]} : vector<10x1024x128xf32> to vector<1x1024x128xf32>
    %squeeze3A_33 = vector.shape_cast %slice3A_32 : vector<1x1024x128xf32> to vector<1024x128xf32>
    %add3A_34 = arith.addf %get3A_9, %squeeze3A_33 : vector<1024x128xf32>
    %logistic3A_35 = arith.negf %add3A_34 : vector<1024x128xf32>
    %logistic3A_36 = math.exp %logistic3A_35 : vector<1024x128xf32>
    %logistic3A_37 = arith.constant 1.000000e+00 : f32
    %logistic3A_38 = vector.broadcast %logistic3A_37 : f32 to vector<1024x128xf32>
    %logistic3A_39 = arith.addf %logistic3A_38, %logistic3A_36 : vector<1024x128xf32>
    %logistic3A_40 = arith.divf %logistic3A_38, %logistic3A_39 : vector<1024x128xf32>
    %mul3A_41 = arith.mulf %add3A_34, %logistic3A_40 : vector<1024x128xf32>
    %mul3A_42 = vector.broadcast %slice3A_31 : vector<1024x1xf32> to vector<1024x128xf32>
    %mul3A_43 = arith.mulf %mul3A_42, %mul3A_41 : vector<1024x128xf32>
    %add3A_44 = arith.addf %add3A_30, %mul3A_43 : vector<1024x128xf32>
    %slice3A_45 = vector.extract_strided_slice %exp3A {offsets = [0, 2], sizes = [1024, 1], strides = [1, 1]} : vector<1024x10xf32> to vector<1024x1xf32>
    %slice3A_46 = vector.extract_strided_slice %get3A_4 {offsets = [2, 0, 0], sizes = [1, 1024, 128], strides = [1, 1, 1]} : vector<10x1024x128xf32> to vector<1x1024x128xf32>
    %squeeze3A_47 = vector.shape_cast %slice3A_46 : vector<1x1024x128xf32> to vector<1024x128xf32>
    %add3A_48 = arith.addf %get3A_9, %squeeze3A_47 : vector<1024x128xf32>
    %logistic3A_49 = arith.negf %add3A_48 : vector<1024x128xf32>
    %logistic3A_50 = math.exp %logistic3A_49 : vector<1024x128xf32>
    %logistic3A_51 = arith.constant 1.000000e+00 : f32
    %logistic3A_52 = vector.broadcast %logistic3A_51 : f32 to vector<1024x128xf32>
    %logistic3A_53 = arith.addf %logistic3A_52, %logistic3A_50 : vector<1024x128xf32>
    %logistic3A_54 = arith.divf %logistic3A_52, %logistic3A_53 : vector<1024x128xf32>
    %mul3A_55 = arith.mulf %add3A_48, %logistic3A_54 : vector<1024x128xf32>
    %mul3A_56 = vector.broadcast %slice3A_45 : vector<1024x1xf32> to vector<1024x128xf32>
    %mul3A_57 = arith.mulf %mul3A_56, %mul3A_55 : vector<1024x128xf32>
    %add3A_58 = arith.addf %add3A_44, %mul3A_57 : vector<1024x128xf32>
    %slice3A_59 = vector.extract_strided_slice %exp3A {offsets = [0, 3], sizes = [1024, 1], strides = [1, 1]} : vector<1024x10xf32> to vector<1024x1xf32>
    %slice3A_60 = vector.extract_strided_slice %get3A_4 {offsets = [3, 0, 0], sizes = [1, 1024, 128], strides = [1, 1, 1]} : vector<10x1024x128xf32> to vector<1x1024x128xf32>
    %squeeze3A_61 = vector.shape_cast %slice3A_60 : vector<1x1024x128xf32> to vector<1024x128xf32>
    %add3A_62 = arith.addf %get3A_9, %squeeze3A_61 : vector<1024x128xf32>
    %logistic3A_63 = arith.negf %add3A_62 : vector<1024x128xf32>
    %logistic3A_64 = math.exp %logistic3A_63 : vector<1024x128xf32>
    %logistic3A_65 = arith.constant 1.000000e+00 : f32
    %logistic3A_66 = vector.broadcast %logistic3A_65 : f32 to vector<1024x128xf32>
    %logistic3A_67 = arith.addf %logistic3A_66, %logistic3A_64 : vector<1024x128xf32>
    %logistic3A_68 = arith.divf %logistic3A_66, %logistic3A_67 : vector<1024x128xf32>
    %mul3A_69 = arith.mulf %add3A_62, %logistic3A_68 : vector<1024x128xf32>
    %mul3A_70 = vector.broadcast %slice3A_59 : vector<1024x1xf32> to vector<1024x128xf32>
    %mul3A_71 = arith.mulf %mul3A_70, %mul3A_69 : vector<1024x128xf32>
    %add3A_72 = arith.addf %add3A_58, %mul3A_71 : vector<1024x128xf32>
    %slice3A_73 = vector.extract_strided_slice %exp3A {offsets = [0, 4], sizes = [1024, 1], strides = [1, 1]} : vector<1024x10xf32> to vector<1024x1xf32>
    %slice3A_74 = vector.extract_strided_slice %get3A_4 {offsets = [4, 0, 0], sizes = [1, 1024, 128], strides = [1, 1, 1]} : vector<10x1024x128xf32> to vector<1x1024x128xf32>
    %squeeze3A_75 = vector.shape_cast %slice3A_74 : vector<1x1024x128xf32> to vector<1024x128xf32>
    %add3A_76 = arith.addf %get3A_9, %squeeze3A_75 : vector<1024x128xf32>
    %logistic3A_77 = arith.negf %add3A_76 : vector<1024x128xf32>
    %logistic3A_78 = math.exp %logistic3A_77 : vector<1024x128xf32>
    %logistic3A_79 = arith.constant 1.000000e+00 : f32
    %logistic3A_80 = vector.broadcast %logistic3A_79 : f32 to vector<1024x128xf32>
    %logistic3A_81 = arith.addf %logistic3A_80, %logistic3A_78 : vector<1024x128xf32>
    %logistic3A_82 = arith.divf %logistic3A_80, %logistic3A_81 : vector<1024x128xf32>
    %mul3A_83 = arith.mulf %add3A_76, %logistic3A_82 : vector<1024x128xf32>
    %mul3A_84 = vector.broadcast %slice3A_73 : vector<1024x1xf32> to vector<1024x128xf32>
    %mul3A_85 = arith.mulf %mul3A_84, %mul3A_83 : vector<1024x128xf32>
    %add3A_86 = arith.addf %add3A_72, %mul3A_85 : vector<1024x128xf32>
    %slice3A_87 = vector.extract_strided_slice %exp3A {offsets = [0, 5], sizes = [1024, 1], strides = [1, 1]} : vector<1024x10xf32> to vector<1024x1xf32>
    %slice3A_88 = vector.extract_strided_slice %get3A_4 {offsets = [5, 0, 0], sizes = [1, 1024, 128], strides = [1, 1, 1]} : vector<10x1024x128xf32> to vector<1x1024x128xf32>
    %squeeze3A_89 = vector.shape_cast %slice3A_88 : vector<1x1024x128xf32> to vector<1024x128xf32>
    %add3A_90 = arith.addf %get3A_9, %squeeze3A_89 : vector<1024x128xf32>
    %logistic3A_91 = arith.negf %add3A_90 : vector<1024x128xf32>
    %logistic3A_92 = math.exp %logistic3A_91 : vector<1024x128xf32>
    %logistic3A_93 = arith.constant 1.000000e+00 : f32
    %logistic3A_94 = vector.broadcast %logistic3A_93 : f32 to vector<1024x128xf32>
    %logistic3A_95 = arith.addf %logistic3A_94, %logistic3A_92 : vector<1024x128xf32>
    %logistic3A_96 = arith.divf %logistic3A_94, %logistic3A_95 : vector<1024x128xf32>
    %mul3A_97 = arith.mulf %add3A_90, %logistic3A_96 : vector<1024x128xf32>
    %mul3A_98 = vector.broadcast %slice3A_87 : vector<1024x1xf32> to vector<1024x128xf32>
    %mul3A_99 = arith.mulf %mul3A_98, %mul3A_97 : vector<1024x128xf32>
    %add3A_100 = arith.addf %add3A_86, %mul3A_99 : vector<1024x128xf32>
    %slice3A_101 = vector.extract_strided_slice %exp3A {offsets = [0, 6], sizes = [1024, 1], strides = [1, 1]} : vector<1024x10xf32> to vector<1024x1xf32>
    %slice3A_102 = vector.extract_strided_slice %get3A_4 {offsets = [6, 0, 0], sizes = [1, 1024, 128], strides = [1, 1, 1]} : vector<10x1024x128xf32> to vector<1x1024x128xf32>
    %squeeze3A_103 = vector.shape_cast %slice3A_102 : vector<1x1024x128xf32> to vector<1024x128xf32>
    %add3A_104 = arith.addf %get3A_9, %squeeze3A_103 : vector<1024x128xf32>
    %logistic3A_105 = arith.negf %add3A_104 : vector<1024x128xf32>
    %logistic3A_106 = math.exp %logistic3A_105 : vector<1024x128xf32>
    %logistic3A_107 = arith.constant 1.000000e+00 : f32
    %logistic3A_108 = vector.broadcast %logistic3A_107 : f32 to vector<1024x128xf32>
    %logistic3A_109 = arith.addf %logistic3A_108, %logistic3A_106 : vector<1024x128xf32>
    %logistic3A_110 = arith.divf %logistic3A_108, %logistic3A_109 : vector<1024x128xf32>
    %mul3A_111 = arith.mulf %add3A_104, %logistic3A_110 : vector<1024x128xf32>
    %mul3A_112 = vector.broadcast %slice3A_101 : vector<1024x1xf32> to vector<1024x128xf32>
    %mul3A_113 = arith.mulf %mul3A_112, %mul3A_111 : vector<1024x128xf32>
    %add3A_114 = arith.addf %add3A_100, %mul3A_113 : vector<1024x128xf32>
    %slice3A_115 = vector.extract_strided_slice %exp3A {offsets = [0, 7], sizes = [1024, 1], strides = [1, 1]} : vector<1024x10xf32> to vector<1024x1xf32>
    %slice3A_116 = vector.extract_strided_slice %get3A_4 {offsets = [7, 0, 0], sizes = [1, 1024, 128], strides = [1, 1, 1]} : vector<10x1024x128xf32> to vector<1x1024x128xf32>
    %squeeze3A_117 = vector.shape_cast %slice3A_116 : vector<1x1024x128xf32> to vector<1024x128xf32>
    %add3A_118 = arith.addf %get3A_9, %squeeze3A_117 : vector<1024x128xf32>
    %logistic3A_119 = arith.negf %add3A_118 : vector<1024x128xf32>
    %logistic3A_120 = math.exp %logistic3A_119 : vector<1024x128xf32>
    %logistic3A_121 = arith.constant 1.000000e+00 : f32
    %logistic3A_122 = vector.broadcast %logistic3A_121 : f32 to vector<1024x128xf32>
    %logistic3A_123 = arith.addf %logistic3A_122, %logistic3A_120 : vector<1024x128xf32>
    %logistic3A_124 = arith.divf %logistic3A_122, %logistic3A_123 : vector<1024x128xf32>
    %mul3A_125 = arith.mulf %add3A_118, %logistic3A_124 : vector<1024x128xf32>
    %mul3A_126 = vector.broadcast %slice3A_115 : vector<1024x1xf32> to vector<1024x128xf32>
    %mul3A_127 = arith.mulf %mul3A_126, %mul3A_125 : vector<1024x128xf32>
    %add3A_128 = arith.addf %add3A_114, %mul3A_127 : vector<1024x128xf32>
    %slice3A_129 = vector.extract_strided_slice %exp3A {offsets = [0, 8], sizes = [1024, 1], strides = [1, 1]} : vector<1024x10xf32> to vector<1024x1xf32>
    %slice3A_130 = vector.extract_strided_slice %get3A_4 {offsets = [8, 0, 0], sizes = [1, 1024, 128], strides = [1, 1, 1]} : vector<10x1024x128xf32> to vector<1x1024x128xf32>
    %squeeze3A_131 = vector.shape_cast %slice3A_130 : vector<1x1024x128xf32> to vector<1024x128xf32>
    %add3A_132 = arith.addf %get3A_9, %squeeze3A_131 : vector<1024x128xf32>
    %logistic3A_133 = arith.negf %add3A_132 : vector<1024x128xf32>
    %logistic3A_134 = math.exp %logistic3A_133 : vector<1024x128xf32>
    %logistic3A_135 = arith.constant 1.000000e+00 : f32
    %logistic3A_136 = vector.broadcast %logistic3A_135 : f32 to vector<1024x128xf32>
    %logistic3A_137 = arith.addf %logistic3A_136, %logistic3A_134 : vector<1024x128xf32>
    %logistic3A_138 = arith.divf %logistic3A_136, %logistic3A_137 : vector<1024x128xf32>
    %mul3A_139 = arith.mulf %add3A_132, %logistic3A_138 : vector<1024x128xf32>
    %mul3A_140 = vector.broadcast %slice3A_129 : vector<1024x1xf32> to vector<1024x128xf32>
    %mul3A_141 = arith.mulf %mul3A_140, %mul3A_139 : vector<1024x128xf32>
    %add3A_142 = arith.addf %add3A_128, %mul3A_141 : vector<1024x128xf32>
    %slice3A_143 = vector.extract_strided_slice %exp3A {offsets = [0, 9], sizes = [1024, 1], strides = [1, 1]} : vector<1024x10xf32> to vector<1024x1xf32>
    %slice3A_144 = vector.extract_strided_slice %get3A_4 {offsets = [9, 0, 0], sizes = [1, 1024, 128], strides = [1, 1, 1]} : vector<10x1024x128xf32> to vector<1x1024x128xf32>
    %squeeze3A_145 = vector.shape_cast %slice3A_144 : vector<1x1024x128xf32> to vector<1024x128xf32>
    %add3A_146 = arith.addf %get3A_9, %squeeze3A_145 : vector<1024x128xf32>
    %logistic3A_147 = arith.negf %add3A_146 : vector<1024x128xf32>
    %logistic3A_148 = math.exp %logistic3A_147 : vector<1024x128xf32>
    %logistic3A_149 = arith.constant 1.000000e+00 : f32
    %logistic3A_150 = vector.broadcast %logistic3A_149 : f32 to vector<1024x128xf32>
    %logistic3A_151 = arith.addf %logistic3A_150, %logistic3A_148 : vector<1024x128xf32>
    %logistic3A_152 = arith.divf %logistic3A_150, %logistic3A_151 : vector<1024x128xf32>
    %mul3A_153 = arith.mulf %add3A_146, %logistic3A_152 : vector<1024x128xf32>
    %mul3A_154 = vector.broadcast %slice3A_143 : vector<1024x1xf32> to vector<1024x128xf32>
    %mul3A_155 = arith.mulf %mul3A_154, %mul3A_153 : vector<1024x128xf32>
    %add3A_156 = arith.addf %add3A_142, %mul3A_155 : vector<1024x128xf32>
    %div3A = vector.broadcast %broadcast_in_dim3A_18 : vector<1024x1xf32> to vector<1024x128xf32>
    %div3A_157 = arith.divf %add3A_156, %div3A : vector<1024x128xf32>
    %swap3A = arith.constant 0 : index
    %swap3A_158 = arith.constant 0 : index
    %swap3A_159 = arith.constant 0 : index
    %swap3A_160 = vector.load %arg4[%swap3A, %swap3A_158, %swap3A_159] : memref<1x1024x128xf32, #tpu.memory_space<vmem>>, vector<1x1024x128xf32>
    %swap3A_161 = vector.shape_cast %swap3A_160 : vector<1x1024x128xf32> to vector<1024x128xf32>
    %swap3A_162 = vector.shape_cast %div3A_157 : vector<1024x128xf32> to vector<1x1024x128xf32>
    tpu.vector_store %arg4[%swap3A, %swap3A_158, %swap3A_159], %swap3A_162 {strides = array<i32>} : memref<1x1024x128xf32, #tpu.memory_space<vmem>>, vector<1x1024x128xf32>,
    return
  }
  func.func @transform_0(%arg0: i32) -> (i32, i32, i32, i32) {
    %c0_i32 = arith.constant 0 : i32
    %c0_i32_0 = arith.constant 0 : i32
    %c0_i32_1 = arith.constant 0 : i32
    %c0_i32_2 = arith.constant 0 : i32
    return %arg0, %c0_i32, %c0_i32_0, %c0_i32_1 : i32, i32, i32, i32
  }
  func.func @transform_1(%arg0: i32) -> (i32, i32, i32) {
    %c0_i32 = arith.constant 0 : i32
    %c0_i32_0 = arith.constant 0 : i32
    %c0_i32_1 = arith.constant 0 : i32
    return %arg0, %c0_i32, %c0_i32_0 : i32, i32, i32
  }
  func.func @transform_2(%arg0: i32) -> (i32, i32, i32) {
    %c0_i32 = arith.constant 0 : i32
    %c0_i32_0 = arith.constant 0 : i32
    %c0_i32_1 = arith.constant 0 : i32
    return %arg0, %c0_i32, %c0_i32_0 : i32, i32, i32
  }
  func.func @transform_3(%arg0: i32) -> (i32, i32, i32) {
    %c0_i32 = arith.constant 0 : i32
    %c0_i32_0 = arith.constant 0 : i32
    %c0_i32_1 = arith.constant 0 : i32
    return %arg0, %c0_i32, %c0_i32_0 : i32, i32, i32
  }
}

module attributes {stable_mosaic.version = 14 : i64} {
  func.func @_pc3b_body(%arg0: memref<8192x128xf32, #tpu.memory_space<vmem>>, %arg1: memref<1x128xf32, #tpu.memory_space<vmem>>, %arg2: memref<1x128xf32, #tpu.memory_space<vmem>>, %arg3: memref<8192x128xf32, #tpu.memory_space<vmem>>) attributes {dimension_semantics = [], scalar_prefetch = 0 : i64, scratch_operands = 0 : i64, tpu.core_type = #tpu.core_type<tc>} {
    %get3A = arith.constant 0 : index
    %get3A_0 = arith.constant 0 : index
    %get3A_1 = vector.load %arg0[%get3A, %get3A_0] : memref<8192x128xf32, #tpu.memory_space<vmem>>, vector<8192x128xf32>
    %get3A_2 = arith.constant 0 : index
    %get3A_3 = arith.constant 0 : index
    %get3A_4 = vector.load %arg1[%get3A_2, %get3A_3] : memref<1x128xf32, #tpu.memory_space<vmem>>, vector<1x128xf32>
    %get3A_5 = arith.constant 0 : index
    %get3A_6 = arith.constant 0 : index
    %get3A_7 = vector.load %arg2[%get3A_5, %get3A_6] : memref<1x128xf32, #tpu.memory_space<vmem>>, vector<1x128xf32>
    %reduce_sum3A = arith.constant dense<0.000000e+00> : vector<128xf32>
    %reduce_sum3A_8 = vector.multi_reduction <add>, %get3A_1, %reduce_sum3A [0] : vector<8192x128xf32> to vector<128xf32>
    %broadcast_in_dim3A = vector.shape_cast %reduce_sum3A_8 : vector<128xf32> to vector<1x128xf32>
    %div3A = arith.constant 8.192000e+03 : f32
    %div3A_9 = vector.broadcast %div3A : f32 to vector<1x128xf32>
    %div3A_10 = arith.divf %broadcast_in_dim3A, %div3A_9 : vector<1x128xf32>
    %sub3A = vector.broadcast %div3A_10 : vector<1x128xf32> to vector<8192x128xf32>
    %sub3A_11 = arith.subf %get3A_1, %sub3A : vector<8192x128xf32>
    %sub3A_12 = vector.broadcast %div3A_10 : vector<1x128xf32> to vector<8192x128xf32>
    %sub3A_13 = arith.subf %get3A_1, %sub3A_12 : vector<8192x128xf32>
    %mul3A = arith.mulf %sub3A_11, %sub3A_13 : vector<8192x128xf32>
    %reduce_sum3A_14 = arith.constant dense<0.000000e+00> : vector<128xf32>
    %reduce_sum3A_15 = vector.multi_reduction <add>, %mul3A, %reduce_sum3A_14 [0] : vector<8192x128xf32> to vector<128xf32>
    %broadcast_in_dim3A_16 = vector.shape_cast %reduce_sum3A_15 : vector<128xf32> to vector<1x128xf32>
    %div3A_17 = arith.constant 8.192000e+03 : f32
    %div3A_18 = vector.broadcast %div3A_17 : f32 to vector<1x128xf32>
    %div3A_19 = arith.divf %broadcast_in_dim3A_16, %div3A_18 : vector<1x128xf32>
    %sub3A_20 = vector.broadcast %div3A_10 : vector<1x128xf32> to vector<8192x128xf32>
    %sub3A_21 = arith.subf %get3A_1, %sub3A_20 : vector<8192x128xf32>
    %add3A = arith.constant 9.99999974E-6 : f32
    %add3A_22 = vector.broadcast %add3A : f32 to vector<1x128xf32>
    %add3A_23 = arith.addf %div3A_19, %add3A_22 : vector<1x128xf32>
    %sqrt3A = math.sqrt %add3A_23 : vector<1x128xf32>
    %div3A_24 = vector.broadcast %sqrt3A : vector<1x128xf32> to vector<8192x128xf32>
    %div3A_25 = arith.divf %sub3A_21, %div3A_24 : vector<8192x128xf32>
    %mul3A_26 = vector.broadcast %get3A_4 : vector<1x128xf32> to vector<8192x128xf32>
    %mul3A_27 = arith.mulf %div3A_25, %mul3A_26 : vector<8192x128xf32>
    %add3A_28 = vector.broadcast %get3A_7 : vector<1x128xf32> to vector<8192x128xf32>
    %add3A_29 = arith.addf %mul3A_27, %add3A_28 : vector<8192x128xf32>
    %logistic3A = arith.negf %add3A_29 : vector<8192x128xf32>
    %logistic3A_30 = math.exp %logistic3A : vector<8192x128xf32>
    %logistic3A_31 = arith.constant 1.000000e+00 : f32
    %logistic3A_32 = vector.broadcast %logistic3A_31 : f32 to vector<8192x128xf32>
    %logistic3A_33 = arith.addf %logistic3A_32, %logistic3A_30 : vector<8192x128xf32>
    %logistic3A_34 = arith.divf %logistic3A_32, %logistic3A_33 : vector<8192x128xf32>
    %mul3A_35 = arith.mulf %add3A_29, %logistic3A_34 : vector<8192x128xf32>
    %swap3A = arith.constant 0 : index
    %swap3A_36 = arith.constant 0 : index
    %swap3A_37 = vector.load %arg3[%swap3A, %swap3A_36] : memref<8192x128xf32, #tpu.memory_space<vmem>>, vector<8192x128xf32>
    tpu.vector_store %arg3[%swap3A, %swap3A_36], %mul3A_35 {strides = array<i32>} : memref<8192x128xf32, #tpu.memory_space<vmem>>, vector<8192x128xf32>,
    return
  }
}

module attributes {stable_mosaic.version = 14 : i64} {
  func.func @_pc3c_body(%arg0: memref<8x512x128xf32, #tpu.memory_space<vmem>>, %arg1: memref<8x512x128xf32, #tpu.memory_space<vmem>>, %arg2: memref<6x128x128xf32, #tpu.memory_space<vmem>>, %arg3: memref<1x128xf32, #tpu.memory_space<vmem>>, %arg4: memref<1x128xf32, #tpu.memory_space<vmem>>, %arg5: memref<1x128xf32, #tpu.memory_space<vmem>>, %arg6: memref<4096x128xf32, #tpu.memory_space<vmem>>) attributes {dimension_semantics = [], scalar_prefetch = 0 : i64, scratch_operands = 0 : i64, tpu.core_type = #tpu.core_type<tc>} {
    %get3A = arith.constant 0 : index
    %get3A_0 = arith.constant 0 : index
    %get3A_1 = arith.constant 0 : index
    %get3A_2 = vector.load %arg0[%get3A, %get3A_0, %get3A_1] : memref<8x512x128xf32, #tpu.memory_space<vmem>>, vector<8x512x128xf32>
    %get3A_3 = arith.constant 0 : index
    %get3A_4 = arith.constant 0 : index
    %get3A_5 = arith.constant 0 : index
    %get3A_6 = vector.load %arg1[%get3A_3, %get3A_4, %get3A_5] : memref<8x512x128xf32, #tpu.memory_space<vmem>>, vector<8x512x128xf32>
    %slice3A = vector.extract_strided_slice %get3A_2 {offsets = [0, 511, 0], sizes = [8, 1, 128], strides = [1, 1, 1]} : vector<8x512x128xf32> to vector<8x1x128xf32>
    %slice3A_7 = vector.extract_strided_slice %get3A_2 {offsets = [0, 0, 0], sizes = [8, 511, 128], strides = [1, 1, 1]} : vector<8x512x128xf32> to vector<8x511x128xf32>
    %concatenate3A = tpu.concatenate %slice3A, %slice3A_7 in 1 : vector<8x1x128xf32>, vector<8x511x128xf32> -> vector<8x512x128xf32>
    %reshape3A = vector.shape_cast %concatenate3A : vector<8x512x128xf32> to vector<4096x128xf32>
    %get3A_8 = arith.constant 0 : index
    %get3A_9 = arith.constant 0 : index
    %get3A_10 = arith.constant 0 : index
    %get3A_11 = vector.load %arg2[%get3A_8, %get3A_9, %get3A_10] : memref<6x128x128xf32, #tpu.memory_space<vmem>>, vector<1x128x128xf32>
    %get3A_12 = vector.shape_cast %get3A_11 : vector<1x128x128xf32> to vector<128x128xf32>
    %dot_general3A = arith.constant dense<0.000000e+00> : vector<4096x128xf32>
    %dot_general3A_13 = tpu.matmul %reshape3A, %get3A_12, %dot_general3A {dimension_numbers = #tpu.dot_dimension_numbers<[1], [0], [0], [1], [0, 0, 1, 1], [], []>, precision = #tpu.contract_precision<fp32>, transpose_lhs_hint = false} : vector<4096x128xf32>, vector<128x128xf32>, vector<4096x128xf32> -> vector<4096x128xf32>
    %slice3A_14 = vector.extract_strided_slice %get3A_6 {offsets = [0, 511, 0], sizes = [8, 1, 128], strides = [1, 1, 1]} : vector<8x512x128xf32> to vector<8x1x128xf32>
    %slice3A_15 = vector.extract_strided_slice %get3A_6 {offsets = [0, 0, 0], sizes = [8, 511, 128], strides = [1, 1, 1]} : vector<8x512x128xf32> to vector<8x511x128xf32>
    %concatenate3A_16 = tpu.concatenate %slice3A_14, %slice3A_15 in 1 : vector<8x1x128xf32>, vector<8x511x128xf32> -> vector<8x512x128xf32>
    %reshape3A_17 = vector.shape_cast %concatenate3A_16 : vector<8x512x128xf32> to vector<4096x128xf32>
    %get3A_18 = arith.constant 1 : index
    %get3A_19 = arith.constant 0 : index
    %get3A_20 = arith.constant 0 : index
    %get3A_21 = vector.load %arg2[%get3A_18, %get3A_19, %get3A_20] : memref<6x128x128xf32, #tpu.memory_space<vmem>>, vector<1x128x128xf32>
    %get3A_22 = vector.shape_cast %get3A_21 : vector<1x128x128xf32> to vector<128x128xf32>
    %dot_general3A_23 = arith.constant dense<0.000000e+00> : vector<4096x128xf32>
    %dot_general3A_24 = tpu.matmul %reshape3A_17, %get3A_22, %dot_general3A_23 {dimension_numbers = #tpu.dot_dimension_numbers<[1], [0], [0], [1], [0, 0, 1, 1], [], []>, precision = #tpu.contract_precision<fp32>, transpose_lhs_hint = false} : vector<4096x128xf32>, vector<128x128xf32>, vector<4096x128xf32> -> vector<4096x128xf32>
    %add3A = arith.addf %dot_general3A_13, %dot_general3A_24 : vector<4096x128xf32>
    %reshape3A_25 = vector.shape_cast %get3A_2 : vector<8x512x128xf32> to vector<4096x128xf32>
    %get3A_26 = arith.constant 2 : index
    %get3A_27 = arith.constant 0 : index
    %get3A_28 = arith.constant 0 : index
    %get3A_29 = vector.load %arg2[%get3A_26, %get3A_27, %get3A_28] : memref<6x128x128xf32, #tpu.memory_space<vmem>>, vector<1x128x128xf32>
    %get3A_30 = vector.shape_cast %get3A_29 : vector<1x128x128xf32> to vector<128x128xf32>
    %dot_general3A_31 = arith.constant dense<0.000000e+00> : vector<4096x128xf32>
    %dot_general3A_32 = tpu.matmul %reshape3A_25, %get3A_30, %dot_general3A_31 {dimension_numbers = #tpu.dot_dimension_numbers<[1], [0], [0], [1], [0, 0, 1, 1], [], []>, precision = #tpu.contract_precision<fp32>, transpose_lhs_hint = false} : vector<4096x128xf32>, vector<128x128xf32>, vector<4096x128xf32> -> vector<4096x128xf32>
    %add3A_33 = arith.addf %add3A, %dot_general3A_32 : vector<4096x128xf32>
    %reshape3A_34 = vector.shape_cast %get3A_6 : vector<8x512x128xf32> to vector<4096x128xf32>
    %get3A_35 = arith.constant 3 : index
    %get3A_36 = arith.constant 0 : index
    %get3A_37 = arith.constant 0 : index
    %get3A_38 = vector.load %arg2[%get3A_35, %get3A_36, %get3A_37] : memref<6x128x128xf32, #tpu.memory_space<vmem>>, vector<1x128x128xf32>
    %get3A_39 = vector.shape_cast %get3A_38 : vector<1x128x128xf32> to vector<128x128xf32>
    %dot_general3A_40 = arith.constant dense<0.000000e+00> : vector<4096x128xf32>
    %dot_general3A_41 = tpu.matmul %reshape3A_34, %get3A_39, %dot_general3A_40 {dimension_numbers = #tpu.dot_dimension_numbers<[1], [0], [0], [1], [0, 0, 1, 1], [], []>, precision = #tpu.contract_precision<fp32>, transpose_lhs_hint = false} : vector<4096x128xf32>, vector<128x128xf32>, vector<4096x128xf32> -> vector<4096x128xf32>
    %add3A_42 = arith.addf %add3A_33, %dot_general3A_41 : vector<4096x128xf32>
    %slice3A_43 = vector.extract_strided_slice %get3A_2 {offsets = [0, 1, 0], sizes = [8, 511, 128], strides = [1, 1, 1]} : vector<8x512x128xf32> to vector<8x511x128xf32>
    %slice3A_44 = vector.extract_strided_slice %get3A_2 {offsets = [0, 0, 0], sizes = [8, 1, 128], strides = [1, 1, 1]} : vector<8x512x128xf32> to vector<8x1x128xf32>
    %concatenate3A_45 = tpu.concatenate %slice3A_43, %slice3A_44 in 1 : vector<8x511x128xf32>, vector<8x1x128xf32> -> vector<8x512x128xf32>
    %reshape3A_46 = vector.shape_cast %concatenate3A_45 : vector<8x512x128xf32> to vector<4096x128xf32>
    %get3A_47 = arith.constant 4 : index
    %get3A_48 = arith.constant 0 : index
    %get3A_49 = arith.constant 0 : index
    %get3A_50 = vector.load %arg2[%get3A_47, %get3A_48, %get3A_49] : memref<6x128x128xf32, #tpu.memory_space<vmem>>, vector<1x128x128xf32>
    %get3A_51 = vector.shape_cast %get3A_50 : vector<1x128x128xf32> to vector<128x128xf32>
    %dot_general3A_52 = arith.constant dense<0.000000e+00> : vector<4096x128xf32>
    %dot_general3A_53 = tpu.matmul %reshape3A_46, %get3A_51, %dot_general3A_52 {dimension_numbers = #tpu.dot_dimension_numbers<[1], [0], [0], [1], [0, 0, 1, 1], [], []>, precision = #tpu.contract_precision<fp32>, transpose_lhs_hint = false} : vector<4096x128xf32>, vector<128x128xf32>, vector<4096x128xf32> -> vector<4096x128xf32>
    %add3A_54 = arith.addf %add3A_42, %dot_general3A_53 : vector<4096x128xf32>
    %slice3A_55 = vector.extract_strided_slice %get3A_6 {offsets = [0, 1, 0], sizes = [8, 511, 128], strides = [1, 1, 1]} : vector<8x512x128xf32> to vector<8x511x128xf32>
    %slice3A_56 = vector.extract_strided_slice %get3A_6 {offsets = [0, 0, 0], sizes = [8, 1, 128], strides = [1, 1, 1]} : vector<8x512x128xf32> to vector<8x1x128xf32>
    %concatenate3A_57 = tpu.concatenate %slice3A_55, %slice3A_56 in 1 : vector<8x511x128xf32>, vector<8x1x128xf32> -> vector<8x512x128xf32>
    %reshape3A_58 = vector.shape_cast %concatenate3A_57 : vector<8x512x128xf32> to vector<4096x128xf32>
    %get3A_59 = arith.constant 5 : index
    %get3A_60 = arith.constant 0 : index
    %get3A_61 = arith.constant 0 : index
    %get3A_62 = vector.load %arg2[%get3A_59, %get3A_60, %get3A_61] : memref<6x128x128xf32, #tpu.memory_space<vmem>>, vector<1x128x128xf32>
    %get3A_63 = vector.shape_cast %get3A_62 : vector<1x128x128xf32> to vector<128x128xf32>
    %dot_general3A_64 = arith.constant dense<0.000000e+00> : vector<4096x128xf32>
    %dot_general3A_65 = tpu.matmul %reshape3A_58, %get3A_63, %dot_general3A_64 {dimension_numbers = #tpu.dot_dimension_numbers<[1], [0], [0], [1], [0, 0, 1, 1], [], []>, precision = #tpu.contract_precision<fp32>, transpose_lhs_hint = false} : vector<4096x128xf32>, vector<128x128xf32>, vector<4096x128xf32> -> vector<4096x128xf32>
    %add3A_66 = arith.addf %add3A_54, %dot_general3A_65 : vector<4096x128xf32>
    %get3A_67 = arith.constant 0 : index
    %get3A_68 = arith.constant 0 : index
    %get3A_69 = vector.load %arg3[%get3A_67, %get3A_68] : memref<1x128xf32, #tpu.memory_space<vmem>>, vector<1x128xf32>
    %add3A_70 = vector.broadcast %get3A_69 : vector<1x128xf32> to vector<4096x128xf32>
    %add3A_71 = arith.addf %add3A_66, %add3A_70 : vector<4096x128xf32>
    %get3A_72 = arith.constant 0 : index
    %get3A_73 = arith.constant 0 : index
    %get3A_74 = vector.load %arg4[%get3A_72, %get3A_73] : memref<1x128xf32, #tpu.memory_space<vmem>>, vector<1x128xf32>
    %get3A_75 = arith.constant 0 : index
    %get3A_76 = arith.constant 0 : index
    %get3A_77 = vector.load %arg5[%get3A_75, %get3A_76] : memref<1x128xf32, #tpu.memory_space<vmem>>, vector<1x128xf32>
    %reduce_sum3A = arith.constant dense<0.000000e+00> : vector<128xf32>
    %reduce_sum3A_78 = vector.multi_reduction <add>, %add3A_71, %reduce_sum3A [0] : vector<4096x128xf32> to vector<128xf32>
    %broadcast_in_dim3A = vector.shape_cast %reduce_sum3A_78 : vector<128xf32> to vector<1x128xf32>
    %div3A = arith.constant 4.096000e+03 : f32
    %div3A_79 = vector.broadcast %div3A : f32 to vector<1x128xf32>
    %div3A_80 = arith.divf %broadcast_in_dim3A, %div3A_79 : vector<1x128xf32>
    %sub3A = vector.broadcast %div3A_80 : vector<1x128xf32> to vector<4096x128xf32>
    %sub3A_81 = arith.subf %add3A_71, %sub3A : vector<4096x128xf32>
    %sub3A_82 = vector.broadcast %div3A_80 : vector<1x128xf32> to vector<4096x128xf32>
    %sub3A_83 = arith.subf %add3A_71, %sub3A_82 : vector<4096x128xf32>
    %mul3A = arith.mulf %sub3A_81, %sub3A_83 : vector<4096x128xf32>
    %reduce_sum3A_84 = arith.constant dense<0.000000e+00> : vector<128xf32>
    %reduce_sum3A_85 = vector.multi_reduction <add>, %mul3A, %reduce_sum3A_84 [0] : vector<4096x128xf32> to vector<128xf32>
    %broadcast_in_dim3A_86 = vector.shape_cast %reduce_sum3A_85 : vector<128xf32> to vector<1x128xf32>
    %div3A_87 = arith.constant 4.096000e+03 : f32
    %div3A_88 = vector.broadcast %div3A_87 : f32 to vector<1x128xf32>
    %div3A_89 = arith.divf %broadcast_in_dim3A_86, %div3A_88 : vector<1x128xf32>
    %sub3A_90 = vector.broadcast %div3A_80 : vector<1x128xf32> to vector<4096x128xf32>
    %sub3A_91 = arith.subf %add3A_71, %sub3A_90 : vector<4096x128xf32>
    %add3A_92 = arith.constant 9.99999974E-6 : f32
    %add3A_93 = vector.broadcast %add3A_92 : f32 to vector<1x128xf32>
    %add3A_94 = arith.addf %div3A_89, %add3A_93 : vector<1x128xf32>
    %sqrt3A = math.sqrt %add3A_94 : vector<1x128xf32>
    %div3A_95 = vector.broadcast %sqrt3A : vector<1x128xf32> to vector<4096x128xf32>
    %div3A_96 = arith.divf %sub3A_91, %div3A_95 : vector<4096x128xf32>
    %mul3A_97 = vector.broadcast %get3A_74 : vector<1x128xf32> to vector<4096x128xf32>
    %mul3A_98 = arith.mulf %div3A_96, %mul3A_97 : vector<4096x128xf32>
    %add3A_99 = vector.broadcast %get3A_77 : vector<1x128xf32> to vector<4096x128xf32>
    %add3A_100 = arith.addf %mul3A_98, %add3A_99 : vector<4096x128xf32>
    %logistic3A = arith.negf %add3A_100 : vector<4096x128xf32>
    %logistic3A_101 = math.exp %logistic3A : vector<4096x128xf32>
    %logistic3A_102 = arith.constant 1.000000e+00 : f32
    %logistic3A_103 = vector.broadcast %logistic3A_102 : f32 to vector<4096x128xf32>
    %logistic3A_104 = arith.addf %logistic3A_103, %logistic3A_101 : vector<4096x128xf32>
    %logistic3A_105 = arith.divf %logistic3A_103, %logistic3A_104 : vector<4096x128xf32>
    %mul3A_106 = arith.mulf %add3A_100, %logistic3A_105 : vector<4096x128xf32>
    %swap3A = arith.constant 0 : index
    %swap3A_107 = arith.constant 0 : index
    %swap3A_108 = vector.load %arg6[%swap3A, %swap3A_107] : memref<4096x128xf32, #tpu.memory_space<vmem>>, vector<4096x128xf32>
    tpu.vector_store %arg6[%swap3A, %swap3A_107], %mul3A_106 {strides = array<i32>} : memref<4096x128xf32, #tpu.memory_space<vmem>>, vector<4096x128xf32>,
    return
  }
}

</mosaic_0001>

<sc_bundles>
// kernel: kernel.12.cloned.1.call-start
scs
__scs_entry_jumppad:
0x0: {  	(pc) =	sbr.rel $0x88, $3  }
0x1: {  	(tag) =	ssettag $0x0;
	lr =	simm.s32 $0x1  }
0x2: {  	[smem:$0x3F83] =	sst lr;
	_ =	strace $0xD0000000  }
0x3: {  	_ = 	snop  }
0x4: {  	_ = 	snop  }
0x5: {  	_ = 	snop  }
0x6: {  	_ = 	snop  }
0x7: {  	_ = 	snop  }
__scs_overlays_trampoline_lowered:
0x8: {  	[smem:$0x3F92] =	sst s0  }
0x9: {  	[smem:$0x3F93] =	sst s1  }
0xa: {  	[smem:$0x3F94] =	sst s2  }
0xb: {  	[smem:$0x3F95] =	sst s3  }
0xc: {  	[smem:$0x3F96] =	sst s4  }
0xd: {  	[smem:$0x3F97] =	sst s5  }
0xe: {  	[smem:$0x3F98] =	sst s6  }
0xf: {  	[smem:$0x3F99] =	sst s7  }
0x10: {  	[smem:$0x3F9A] =	sst s8  }
0x11: {  	[smem:$0x3F9B] =	sst s9;
	s0 =	simm.s32 @!p0 $0x0  }
0x12: {  	s1 =	sld [smem:$0x3F81];
	s0 =	simm.s32 @p0 $0x1  }
0x13: {  	[smem:$0x3F9C] =	sst s0;
	s0 =	simm.s32 @!p1 $0x0  }
0x14: {  	s2 =	sld [smem:$0x3F80];
	s0 =	simm.s32 @p1 $0x1  }
0x15: {  	[smem:$0x3F9D] =	sst s0;
	s0 =	simm.s32 @!p2 $0x0  }
0x16: {  	s3 =	sld [smem:$0x3FDB];
	s0 =	simm.s32 @p2 $0x1  }
0x17: {  	s4 =	simm.s32 $0x1BF5;
	[smem:$0x3F9F] =	sst s0  }
0x18: {  	s0 =	sld [smem:$0x3F82];
	_ =	swait.ge [sflag:s4], $0x0  }
0x19: {  	s7 =	sld [smem:$0x3F83]  }
0x1a: {  	s8 =	sadd.s32 $0xFFFFE003, lr  }
0x1b: {  	s9 =	sadd.s32 $0xFFFFFEF7, lr;
	s5 =	simm.s32 $0xFFFFFFFF;
	p2 =	slt.u32 s8, $0xFFFFF086  }
0x1c: {  	p1 =	slt.u32 s9, $0xF7A;
	s5 =	simm.s32 @!p2 $0x0  }
0x1d: {  	s5 =	simm.s32 @p1 $0x1;
	p0 =	seq.s32 s7, s2  }
0x1e: {  	s7 =	smul.u32 @!p0 $0xF7A, s2;
	p2 =	seq.s32 @!p0 s5, $0x0  }
0x1f: {  	s9 =	smul.u32 $0xF7A, s1;
	s8 =	simm.s32 @!p0 $0x1BF5;
	p2 =	por !p2, p0  }
0x20: {  	[sflag:s8] =	ssyncset.s32 @!p0 $0xFFFFF086;
	s6 =	sadd.s32 @!p0 s3, s7;
	s7 =	simm.s32 @!p0 $0x108  }
0x21: {  	s3 =	sadd.s32 s3, s9;
	s6 =	sadd.s32 @!p0 $0x88, s6;
	s7 =	simm.s32 @p2 $0x1082  }
0x22: {  	[simem:s7], [sflag:s8] =	dma.local @!p0 [hbm:s6], $0xF7A  }
0x23: {  	s9 =	sor.u32 $0xD0000000, s2;
	s6 =	simm.s32 $0x108;
	_ =	swait.ge @!p0 [sflag:s8], $0x0  }
0x24: {  	s3 =	sadd.s32 $0x88, s3;
	s6 =	simm.s32 @!p1 $0x1082;
	[sflag:s4] =	ssyncset.s32 $0xFFFFF086  }
0x25: {  	[simem:s6], [sflag:s4] =	dma.local [hbm:s3], $0xF7A  }
0x26: {  	[smem:$0x3F83] =	sst s1;
	(tag) =	ssettag s2;
	_ =	strace s9  }
0x27: {  	s1 =	sld [smem:$0x3F93]  }
0x28: {  	s2 =	sld [smem:$0x3F94]  }
0x29: {  	s4 =	sld [smem:$0x3F96]  }
0x2a: {  	p0 =	seq.s32 s5, $0x0;
	s5 =	sld [smem:$0x3F97]  }
0x2b: {  	s6 =	sld [smem:$0x3F98]  }
0x2c: {  	s7 =	sld [smem:$0x3F99]  }
0x2d: {  	s3 =	simm.s32 $0x108;
	s8 =	sld [smem:$0x3F9A]  }
0x2e: {  	s3 =	simm.s32 @!p0 $0x1082;
	s9 =	sld [smem:$0x3F9B]  }
0x2f: {  	lr =	sadd.s32 s0, s3;
	s0 =	sld [smem:$0x3F92]  }
0x30: {  	s3 =	sld [smem:$0x3F95]  }
0x31: {  	[smem:$0x3F9E] =	sst s10  }
0x32: {  	s10 =	sld [smem:$0x3F9C];
	_ =	sdelay $0x3  }
0x33: {  	p0 =	seq.s32 s10, $0x1;
	s10 =	sld [smem:$0x3F9E];
	_ =	sdelay $0x3  }
0x34: {  	[smem:$0x3F9E] =	sst s10  }
0x35: {  	s10 =	sld [smem:$0x3F9D];
	_ =	sdelay $0x3  }
0x36: {  	p1 =	seq.s32 s10, $0x1;
	s10 =	sld [smem:$0x3F9E];
	_ =	sdelay $0x3  }
0x37: {  	[smem:$0x3F9E] =	sst s10  }
0x38: {  	s10 =	sld [smem:$0x3F9F]  }
0x39: {  	_ = 	snop;
	(pc) =	sbr.ind lr, $3  }
0x3a: {  	_ = 	snop  }
0x3b: {  	_ = 	snop  }
0x3c: {  	p2 =	seq.s32 s10, $0x1;
	s10 =	sld [smem:$0x3F9E]  }
0x3d: {  	_ =	shalt  }
0x3e: {  	_ =	shalt  }
0x3f: {  	_ =	shalt  }
0x40: {  	_ =	shalt  }
0x41: {  	_ =	shalt  }
0x42: {  	_ =	shalt  }
0x43: {  	_ =	shalt  }
0x44: {  	_ =	shalt  }
0x45: {  	_ =	shalt  }
0x46: {  	_ =	shalt  }
0x47: {  	_ =	shalt  }
0x48: {  	_ =	shalt  }
0x49: {  	_ =	shalt  }
0x4a: {  	_ =	shalt  }
0x4b: {  	_ =	shalt  }
0x4c: {  	_ =	shalt  }
0x4d: {  	_ =	shalt  }
0x4e: {  	_ =	shalt  }
0x4f: {  	_ =	shalt  }
0x50: {  	_ =	shalt  }
0x51: {  	_ =	shalt  }
0x52: {  	_ =	shalt  }
0x53: {  	_ =	shalt  }
0x54: {  	_ =	shalt  }
0x55: {  	_ =	shalt  }
0x56: {  	_ =	shalt  }
0x57: {  	_ =	shalt  }
0x58: {  	_ =	shalt  }
0x59: {  	_ =	shalt  }
0x5a: {  	_ =	shalt  }
0x5b: {  	_ =	shalt  }
0x5c: {  	_ =	shalt  }
0x5d: {  	_ =	shalt  }
0x5e: {  	_ =	shalt  }
0x5f: {  	_ =	shalt  }
0x60: {  	_ =	shalt  }
0x61: {  	_ =	shalt  }
0x62: {  	_ =	shalt  }
0x63: {  	_ =	shalt  }
0x64: {  	_ =	shalt  }
0x65: {  	_ =	shalt  }
0x66: {  	_ =	shalt  }
0x67: {  	_ =	shalt  }
0x68: {  	_ =	shalt  }
0x69: {  	_ =	shalt  }
0x6a: {  	_ =	shalt  }
0x6b: {  	_ =	shalt  }
0x6c: {  	_ =	shalt  }
0x6d: {  	_ =	shalt  }
0x6e: {  	_ =	shalt  }
0x6f: {  	_ =	shalt  }
0x70: {  	_ =	shalt  }
0x71: {  	_ =	shalt  }
0x72: {  	_ =	shalt  }
0x73: {  	_ =	shalt  }
0x74: {  	_ =	shalt  }
0x75: {  	_ =	shalt  }
0x76: {  	_ =	shalt  }
0x77: {  	_ =	shalt  }
0x78: {  	_ =	shalt  }
0x79: {  	_ =	shalt  }
0x7a: {  	_ =	shalt  }
0x7b: {  	_ =	shalt  }
0x7c: {  	_ =	shalt  }
0x7d: {  	_ =	shalt  }
0x7e: {  	_ =	shalt  }
0x7f: {  	_ =	shalt  }
0x80: {  	_ =	shalt  }
0x81: {  	_ =	shalt  }
0x82: {  	_ =	shalt  }
0x83: {  	_ =	shalt  }
0x84: {  	_ =	shalt  }
0x85: {  	_ =	shalt  }
0x86: {  	_ =	shalt  }
0x87: {  	_ =	shalt  }
.Lfunc_end0:
.L_simem_size_0:
called_computation_lowered:
.L_overlay_start_0:
0x88: {  	s2 =	sld [smem:$0x3FD9]  }
0x89: {  	s3 =	sld [smem:$0x3FFE];
	_ =	sdelay $0x1  }
0x8a: {  	s1 =	srdreg.scid  }
0x8b: {  	s0 =	sand.u32 $0x1, s1  }
0x8c: {  	s14 =	sshll.u32 s0, $0xA;
	s2 =	sadd.s32 s3, s2  }
0x8d: {  	s2 =	sadd.s32 s2, s14  }
0x8e: {  	[smem:$0x3FAA] =	sst s2  }
0x8f: {  	_ = 	snop  }
0x90: {  	s2 =	sld [smem:$0x3FD0];
	_ =	sdelay $0x2  }
0x91: {  	s15 =	simm.s32 $0xA;
	s4 =	simm.s32 $0x10  }
0x92: {  	[smem:s4], [sflag:s15] =	dma.local [hbm:s2], $0x1  }
0x93: {  	_ =	swait.eq [sflag:s15], $0x1  }
0x94: {  	[sflag:s15] =	ssyncset.done $0x0  }
0x95: {  	[sflag:s15] =	ssyncadd.s32 $0xFFFFFFFF  }
0x96: {  	s16 =	sld [smem:$0x11];
	(tm) =	ssettm $0x1  }
0x97: {  	s17 =	sld [smem:$0x3FFB];
	_ =	sdelay $0x3  }
0x98: {  	_ =	strace s17  }
0x99: {  	s3 =	sld [smem:$0x3FFC];
	_ =	sdelay $0x3  }
0x9a: {  	_ =	strace s3  }
0x9b: {  	s3 =	sld [smem:$0x3FFD];
	_ =	sdelay $0x3  }
0x9c: {  	_ =	strace s3  }
0x9d: {  	_ =	strace $0x8FFFFFFF  }
0x9e: {  	s18 =	sld [smem:$0x3FDB];
	_ =	sdelay $0x1  }
0x9f: {  	s19 =	simm.s32 $_scs_section_size  }
0xa0: {  	s5 =	simm.s32 $_size__tile_overlayer_lowered;
	s6 =	simm.s32 $_tile_overlayer_lowered  }
0xa1: {  	s22 =	simm.s32 $0x1BFF;
	s21 =	sshll.u32 s6, $0x1;
	s3 =	sadd.s32 s19, s18  }
0xa2: {  	s7 =	simm.s32 $0x0;
	s20 =	sshll.u32 s5, $0x1;
	s5 =	sadd.s32 s21, s3  }
0xa3: {  	[timem:s7], [sflag:s22] =	dma.local [hbm:s5], s20  }
0xa4: {  	_ =	swait.ge [sflag:s22], s20  }
0xa5: {  	s4 =	ssub.s32 $0x0, s20;
	[sflag:s22] =	ssyncset.done $0x0  }
0xa6: {  	[sflag:s22] =	ssyncadd.s32 s4;
	_ =	sdelay $0x1  }
0xa7: {  	s23 =	simm.s32 $0x1B8B  }
0xa8: {  	_ =	swait.ge [sflag:s23], $0x1  }
0xa9: {  	[sflag:s23] =	ssyncset.done $0x0  }
0xaa: {  	s25 =	simm.s32 $0x1B8E;
	s24 =	sld [smem:$0x3FFE];
	[sflag:s23] =	ssyncadd.s32 $0xFFFFFFFF  }
0xab: {  	s26 =	simm.s32 $execute0_lowered;
	[smem:$0x3FD2] =	sst s25  }
0xac: {  	s5 =	sshll.u32 s26, $0x1;
	_ =	strace $0x80000046;
	[dreg:$0x1] =	wrdreg $0xFFFFFFFF  }
0xad: {  	s28 =	simm.s32 $_size_execute0_lowered;
	s3 =	sadd.s32 s3, s5;
	[dreg:$0x0] =	wrdreg $0x0  }
0xae: {  	s5 =	sshll.u32 s28, $0x1;
	[dreg:$0x2] =	wrdreg s3  }
0xaf: {  	[dreg:$0x3] =	wrdreg s5  }
0xb0: {  	[dreg:$0x4] =	wrdreg $0xC0  }
0xb1: {  	_ =	task [dreg:s7], $0x5FFFF  }
0xb2: {  	[dreg:$0x1] =	wrdreg $0xFFFFFFFF  }
0xb3: {  	[dreg:$0x0] =	wrdreg $0x60  }
0xb4: {  	[dreg:$0x2] =	wrdreg s24  }
0xb5: {  	[dreg:$0x3] =	wrdreg s16  }
0xb6: {  	[dreg:$0x4] =	wrdreg $0x9  }
0xb7: {  	_ =	task.clear_ibuf [dreg:s7], $0x5FFFF;
	_ =	strace $0x90000046  }
0xb8: {  	s29 =	simm.s32 $0x9;
	_ =	strace $0x80000048  }
0xb9: {  	_ =	swait.ge [sflag:s29], $0x1  }
0xba: {  	[sflag:s29] =	ssyncadd.s32 $0xFFFFFFFF  }
0xbb: {  	_ =	strace $0x90000048  }
0xbc: {  	_ =	sfence  }
0xbd: {  	s30 =	sld [smem:$0x0];
	_ =	sdelay $0x2  }
0xbe: {  	s31 =	sshll.u32 s1, $0xD;
	s1 =	sshrl.u32 s1, $0x2  }
0xbf: {  	s3 =	sand.u32 $0x4000, s31;
	s1 =	sadd.s32 s1, s30  }
0xc0: {  	s0 =	sor.u32 s3, s0;
	s1 =	sshll.u32 s1, $0x11  }
0xc1: {  	s0 =	sor.u32 s1, s0  }
0xc2: {  	s0 =	sadd.s32 $0x8F2B, s0  }
0xc3: {  	[sflag:s0] =	ssyncadd.remote.s32 $0x1  }
0xc4: {  	_ =	sfence.sel $0xFFFF  }
0xc5: {  	[dreg:$0x0] =	wrdreg $0xFFFFFFFF;
	(pc) =	sbr.abs _section_cstart, $3  }
0xc6: {  	[dreg:$0x1] =	wrdreg $0xFFFFFFFF  }
0xc7: {  	_ =	task.clear_ibuf [dreg:s7], $0x2FFFF;
	_ =	strace $0x9FFFFFFF  }
0xc8: {  	(tm) =	ssettm $0x7FFFFFFF  }
0xc9: {  	_ =	shalt  }
tec
execute0_lowered:
.L_overlay_start_1:
0x0: {  	(tag) =	ssettag $0x1  }
0x1: {  	s1 =	srdreg.scid;
	s0 =	stileid.u32  }
0x2: {  	s9 =	rddreg [dreg:$0x0];
	s25 =	sand.u32 $0x1, s1;
	s31 =	sshll.u32 s0, $0x1  }
0x3: {  	s3 =	rddreg [dreg:$0x1];
	s11 =	sor.u32 s25, s31  }
0x4: {  	s2 =	simm.s32 $0x0;
	s1 =	rddreg [dreg:$0x2];
	s4 =	smul.u32 $0x140, s11  }
0x5: {  	[smem:$0x7FF] =	sst s2  }
0x6: {  	_ =	strace $0x80000047;
	s4 =	sadd.s32 s3, s4;
	s3 =	simm.s32 $0x2  }
0x7: {  	[tilespmem:s2], [sflag:$0x2] =	stream.linear.gather [hbm4b:s4+s2], $0xA00, $0x38;
	[tilespmem:$0x8A00] =	vst v63  }
0x8: {  	_ =	swait.ge [sflag:s3], $0xA00  }
0x9: {  	s6 =	simm.s32 $0x100;
	s7 =	simm.s32 $0xA00;
	[sflag:s3] =	ssyncset.done $0x0  }
0xa: {  	s8 =	simm.s32 $0x1;
	s5 =	sadd.s32 $0x4C00, s9;
	[sflag:s3] =	ssyncadd.s32 $0xFFFFF600  }
0xb: {  	[tilespmem:s7], [sflag:$0x1] =	stream.indirect.gather [hbm4b:s5+s6], $0x80, s2, s6, $0xb8;
	[tilespmem:$0x8A00] =	vst v63  }
0xc: {  	s10 =	smul.u32 $0xA000, s11;
	_ =	swait.ge [sflag:s8], $0x8000  }
0xd: {  	s12 =	sadd.s32 $0x24C00, s9;
	[sflag:s8] =	ssyncset.done $0x0  }
0xe: {  	s9 =	sadd.s32 s12, s10;
	[sflag:s8] =	ssyncadd.s32 $0xFFFF8000  }
0xf: {  	[hbm4b:s9+s2] =	stream.linear.scatter [tilespmem:s7], [sflag:$0x2], $0x8000, $0x38;
	[tilespmem:$0x8A00] =	vst v63  }
0x10: {  	_ =	swait.ge [sflag:s3], $0x8000  }
0x11: {  	[sflag:s3] =	ssyncset.done $0x0  }
0x12: {  	[sflag:s3] =	ssyncadd.s32 $0xFFFF8000  }
0x13: {  	[tilespmem:s7], [sflag:$0x1] =	stream.indirect.gather [hbm4b:s5+s6], $0x80, s6, s6, $0xb8;
	[tilespmem:$0x8A00] =	vst v63  }
0x14: {  	_ =	swait.ge [sflag:s8], $0x8000  }
0x15: {  	[sflag:s8] =	ssyncset.done $0x0  }
0x16: {  	s10 =	sadd.s32 $0x1000, s9;
	[sflag:s8] =	ssyncadd.s32 $0xFFFF8000  }
0x17: {  	[hbm4b:s10+s2] =	stream.linear.scatter [tilespmem:s7], [sflag:$0x2], $0x8000, $0x38;
	[tilespmem:$0x8A00] =	vst v63  }
0x18: {  	_ =	swait.ge [sflag:s3], $0x8000  }
0x19: {  	[sflag:s3] =	ssyncset.done $0x0  }
0x1a: {  	s13 =	smul.u32 $0x50000, s11;
	s11 =	simm.s32 $0x200;
	[sflag:s3] =	ssyncadd.s32 $0xFFFF8000  }
0x1b: {  	[tilespmem:s7], [sflag:$0x1] =	stream.indirect.gather [hbm4b:s5+s6], $0x80, s11, s6, $0xb8;
	[tilespmem:$0x8A00] =	vst v63  }
0x1c: {  	s13 =	sshrl.u32 s13, $0x3;
	_ =	swait.ge [sflag:s8], $0x8000  }
0x1d: {  	s26 =	sadd.s32 s12, s13;
	[sflag:s8] =	ssyncset.done $0x0  }
0x1e: {  	s12 =	sadd.s32 $0x2000, s26;
	[sflag:s8] =	ssyncadd.s32 $0xFFFF8000  }
0x1f: {  	[hbm4b:s12+s2] =	stream.linear.scatter [tilespmem:s7], [sflag:$0x2], $0x8000, $0x38;
	[tilespmem:$0x8A00] =	vst v63  }
0x20: {  	_ =	swait.ge [sflag:s3], $0x8000  }
0x21: {  	[sflag:s3] =	ssyncset.done $0x0  }
0x22: {  	s13 =	simm.s32 $0x300;
	[sflag:s3] =	ssyncadd.s32 $0xFFFF8000  }
0x23: {  	[tilespmem:s7], [sflag:$0x1] =	stream.indirect.gather [hbm4b:s5+s6], $0x80, s13, s6, $0xb8;
	[tilespmem:$0x8A00] =	vst v63  }
0x24: {  	_ =	swait.ge [sflag:s8], $0x8000  }
0x25: {  	[sflag:s8] =	ssyncset.done $0x0  }
0x26: {  	s14 =	sadd.s32 $0x3000, s26;
	[sflag:s8] =	ssyncadd.s32 $0xFFFF8000  }
0x27: {  	[hbm4b:s14+s2] =	stream.linear.scatter [tilespmem:s7], [sflag:$0x2], $0x8000, $0x38;
	[tilespmem:$0x8A00] =	vst v63  }
0x28: {  	_ =	swait.ge [sflag:s3], $0x8000  }
0x29: {  	[sflag:s3] =	ssyncset.done $0x0  }
0x2a: {  	s15 =	simm.s32 $0x400;
	[sflag:s3] =	ssyncadd.s32 $0xFFFF8000  }
0x2b: {  	[tilespmem:s7], [sflag:$0x1] =	stream.indirect.gather [hbm4b:s5+s6], $0x80, s15, s6, $0xb8;
	[tilespmem:$0x8A00] =	vst v63  }
0x2c: {  	_ =	swait.ge [sflag:s8], $0x8000  }
0x2d: {  	[sflag:s8] =	ssyncset.done $0x0  }
0x2e: {  	s16 =	sadd.s32 $0x4000, s26;
	[sflag:s8] =	ssyncadd.s32 $0xFFFF8000  }
0x2f: {  	[hbm4b:s16+s2] =	stream.linear.scatter [tilespmem:s7], [sflag:$0x2], $0x8000, $0x38;
	[tilespmem:$0x8A00] =	vst v63  }
0x30: {  	_ =	swait.ge [sflag:s3], $0x8000  }
0x31: {  	[sflag:s3] =	ssyncset.done $0x0  }
0x32: {  	s17 =	simm.s32 $0x500;
	[sflag:s3] =	ssyncadd.s32 $0xFFFF8000  }
0x33: {  	[tilespmem:s7], [sflag:$0x1] =	stream.indirect.gather [hbm4b:s5+s6], $0x80, s17, s6, $0xb8;
	[tilespmem:$0x8A00] =	vst v63  }
0x34: {  	_ =	swait.ge [sflag:s8], $0x8000  }
0x35: {  	[sflag:s8] =	ssyncset.done $0x0  }
0x36: {  	s18 =	sadd.s32 $0x5000, s26;
	[sflag:s8] =	ssyncadd.s32 $0xFFFF8000  }
0x37: {  	[hbm4b:s18+s2] =	stream.linear.scatter [tilespmem:s7], [sflag:$0x2], $0x8000, $0x38;
	[tilespmem:$0x8A00] =	vst v63  }
0x38: {  	_ =	swait.ge [sflag:s3], $0x8000  }
0x39: {  	[sflag:s3] =	ssyncset.done $0x0  }
0x3a: {  	s19 =	simm.s32 $0x600;
	[sflag:s3] =	ssyncadd.s32 $0xFFFF8000  }
0x3b: {  	[tilespmem:s7], [sflag:$0x1] =	stream.indirect.gather [hbm4b:s5+s6], $0x80, s19, s6, $0xb8;
	[tilespmem:$0x8A00] =	vst v63  }
0x3c: {  	_ =	swait.ge [sflag:s8], $0x8000  }
0x3d: {  	[sflag:s8] =	ssyncset.done $0x0  }
0x3e: {  	s20 =	sadd.s32 $0x6000, s26;
	[sflag:s8] =	ssyncadd.s32 $0xFFFF8000  }
0x3f: {  	[hbm4b:s20+s2] =	stream.linear.scatter [tilespmem:s7], [sflag:$0x2], $0x8000, $0x38;
	[tilespmem:$0x8A00] =	vst v63  }
0x40: {  	_ =	swait.ge [sflag:s3], $0x8000  }
0x41: {  	[sflag:s3] =	ssyncset.done $0x0  }
0x42: {  	s21 =	simm.s32 $0x700;
	[sflag:s3] =	ssyncadd.s32 $0xFFFF8000  }
0x43: {  	[tilespmem:s7], [sflag:$0x1] =	stream.indirect.gather [hbm4b:s5+s6], $0x80, s21, s6, $0xb8;
	[tilespmem:$0x8A00] =	vst v63  }
0x44: {  	_ =	swait.ge [sflag:s8], $0x8000  }
0x45: {  	[sflag:s8] =	ssyncset.done $0x0  }
0x46: {  	s22 =	sadd.s32 $0x7000, s26;
	[sflag:s8] =	ssyncadd.s32 $0xFFFF8000  }
0x47: {  	[hbm4b:s22+s2] =	stream.linear.scatter [tilespmem:s7], [sflag:$0x2], $0x8000, $0x38;
	[tilespmem:$0x8A00] =	vst v63  }
0x48: {  	_ =	swait.ge [sflag:s3], $0x8000  }
0x49: {  	[sflag:s3] =	ssyncset.done $0x0  }
0x4a: {  	s23 =	simm.s32 $0x800;
	[sflag:s3] =	ssyncadd.s32 $0xFFFF8000  }
0x4b: {  	[tilespmem:s7], [sflag:$0x1] =	stream.indirect.gather [hbm4b:s5+s6], $0x80, s23, s6, $0xb8;
	[tilespmem:$0x8A00] =	vst v63  }
0x4c: {  	_ =	swait.ge [sflag:s8], $0x8000  }
0x4d: {  	[sflag:s8] =	ssyncset.done $0x0  }
0x4e: {  	s28 =	ssub.s32 $0x2, s25;
	s24 =	sadd.s32 $0x8000, s26;
	[sflag:s8] =	ssyncadd.s32 $0xFFFF8000  }
0x4f: {  	[hbm4b:s24+s2] =	stream.linear.scatter [tilespmem:s7], [sflag:$0x2], $0x8000, $0x38;
	[tilespmem:$0x8A00] =	vst v63  }
0x50: {  	s29 =	sshrl.u32 s28, $0x1;
	_ =	swait.ge [sflag:s3], $0x8000  }
0x51: {  	s28 =	ssub.s32 s28, s29;
	[sflag:s3] =	ssyncset.done $0x0  }
0x52: {  	s25 =	simm.s32 $0x900;
	s28 =	smax.u32 s28, $0x1;
	[sflag:s3] =	ssyncadd.s32 $0xFFFF8000  }
0x53: {  	[tilespmem:s7], [sflag:$0x1] =	stream.indirect.gather [hbm4b:s5+s6], $0x80, s25, s6, $0xb8;
	[tilespmem:$0x8A00] =	vst v63  }
0x54: {  	p0 =	sne.s32 s28, $0x1;
	_ =	swait.ge [sflag:s8], $0x8000  }
.Ltmp0:
0x55: {  	[sflag:s8] =	ssyncset.done $0x0;
	(pc) =	sbr.rel @!p0 .LBB2_2-.Ltmp0, $4  }
0x56: {  	s26 =	sadd.s32 $0x9000, s26;
	[sflag:s8] =	ssyncadd.s32 $0xFFFF8000  }
0x57: {  	[hbm4b:s26+s2] =	stream.linear.scatter [tilespmem:s7], [sflag:$0x2], $0x8000, $0x38;
	[tilespmem:$0x8A00] =	vst v63  }
0x58: {  	_ =	swait.ge [sflag:s3], $0x8000  }
0x59: {  	s28 =	sadd.s32 $0xFFFFFFFF, s28;
	[sflag:s3] =	ssyncset.done $0x0  }
.LBB2_1:
0x5a: {  	p0 =	sne.s32 s28, $0x1;
	s28 =	sadd.s32 $0xFFFFFFFF, s28;
	[sflag:s3] =	ssyncadd.s32 $0xFFFF8000  }
0x5b: {  	[tilespmem:s2], [sflag:$0x2] =	stream.linear.gather [hbm4b:s4+s2], $0xA00, $0x38;
	[tilespmem:$0x8A00] =	vst v63  }
0x5c: {  	_ =	swait.ge [sflag:s3], $0xA00  }
0x5d: {  	[sflag:s3] =	ssyncset.done $0x0  }
0x5e: {  	[sflag:s3] =	ssyncadd.s32 $0xFFFFF600  }
0x5f: {  	[tilespmem:s7], [sflag:$0x1] =	stream.indirect.gather [hbm4b:s5+s6], $0x80, s2, s6, $0xb8;
	[tilespmem:$0x8A00] =	vst v63  }
0x60: {  	_ =	swait.ge [sflag:s8], $0x8000  }
0x61: {  	[sflag:s8] =	ssyncset.done $0x0  }
0x62: {  	[sflag:s8] =	ssyncadd.s32 $0xFFFF8000  }
0x63: {  	[hbm4b:s9+s2] =	stream.linear.scatter [tilespmem:s7], [sflag:$0x2], $0x8000, $0x38;
	[tilespmem:$0x8A00] =	vst v63  }
0x64: {  	_ =	swait.ge [sflag:s3], $0x8000  }
0x65: {  	[sflag:s3] =	ssyncset.done $0x0  }
0x66: {  	[sflag:s3] =	ssyncadd.s32 $0xFFFF8000  }
0x67: {  	[tilespmem:s7], [sflag:$0x1] =	stream.indirect.gather [hbm4b:s5+s6], $0x80, s6, s6, $0xb8;
	[tilespmem:$0x8A00] =	vst v63  }
0x68: {  	_ =	swait.ge [sflag:s8], $0x8000  }
0x69: {  	[sflag:s8] =	ssyncset.done $0x0  }
0x6a: {  	[sflag:s8] =	ssyncadd.s32 $0xFFFF8000  }
0x6b: {  	[hbm4b:s10+s2] =	stream.linear.scatter [tilespmem:s7], [sflag:$0x2], $0x8000, $0x38;
	[tilespmem:$0x8A00] =	vst v63  }
0x6c: {  	_ =	swait.ge [sflag:s3], $0x8000  }
0x6d: {  	[sflag:s3] =	ssyncset.done $0x0  }
0x6e: {  	[sflag:s3] =	ssyncadd.s32 $0xFFFF8000  }
0x6f: {  	[tilespmem:s7], [sflag:$0x1] =	stream.indirect.gather [hbm4b:s5+s6], $0x80, s11, s6, $0xb8;
	[tilespmem:$0x8A00] =	vst v63  }
0x70: {  	_ =	swait.ge [sflag:s8], $0x8000  }
0x71: {  	[sflag:s8] =	ssyncset.done $0x0  }
0x72: {  	[sflag:s8] =	ssyncadd.s32 $0xFFFF8000  }
0x73: {  	[hbm4b:s12+s2] =	stream.linear.scatter [tilespmem:s7], [sflag:$0x2], $0x8000, $0x38;
	[tilespmem:$0x8A00] =	vst v63  }
0x74: {  	_ =	swait.ge [sflag:s3], $0x8000  }
0x75: {  	[sflag:s3] =	ssyncset.done $0x0  }
0x76: {  	[sflag:s3] =	ssyncadd.s32 $0xFFFF8000  }
0x77: {  	[tilespmem:s7], [sflag:$0x1] =	stream.indirect.gather [hbm4b:s5+s6], $0x80, s13, s6, $0xb8;
	[tilespmem:$0x8A00] =	vst v63  }
0x78: {  	_ =	swait.ge [sflag:s8], $0x8000  }
0x79: {  	[sflag:s8] =	ssyncset.done $0x0  }
0x7a: {  	[sflag:s8] =	ssyncadd.s32 $0xFFFF8000  }
0x7b: {  	[hbm4b:s14+s2] =	stream.linear.scatter [tilespmem:s7], [sflag:$0x2], $0x8000, $0x38;
	[tilespmem:$0x8A00] =	vst v63  }
0x7c: {  	_ =	swait.ge [sflag:s3], $0x8000  }
0x7d: {  	[sflag:s3] =	ssyncset.done $0x0  }
0x7e: {  	[sflag:s3] =	ssyncadd.s32 $0xFFFF8000  }
0x7f: {  	[tilespmem:s7], [sflag:$0x1] =	stream.indirect.gather [hbm4b:s5+s6], $0x80, s15, s6, $0xb8;
	[tilespmem:$0x8A00] =	vst v63  }
0x80: {  	_ =	swait.ge [sflag:s8], $0x8000  }
0x81: {  	[sflag:s8] =	ssyncset.done $0x0  }
0x82: {  	[sflag:s8] =	ssyncadd.s32 $0xFFFF8000  }
0x83: {  	[hbm4b:s16+s2] =	stream.linear.scatter [tilespmem:s7], [sflag:$0x2], $0x8000, $0x38;
	[tilespmem:$0x8A00] =	vst v63  }
0x84: {  	_ =	swait.ge [sflag:s3], $0x8000  }
0x85: {  	[sflag:s3] =	ssyncset.done $0x0  }
0x86: {  	[sflag:s3] =	ssyncadd.s32 $0xFFFF8000  }
0x87: {  	[tilespmem:s7], [sflag:$0x1] =	stream.indirect.gather [hbm4b:s5+s6], $0x80, s17, s6, $0xb8;
	[tilespmem:$0x8A00] =	vst v63  }
0x88: {  	_ =	swait.ge [sflag:s8], $0x8000  }
0x89: {  	[sflag:s8] =	ssyncset.done $0x0  }
0x8a: {  	[sflag:s8] =	ssyncadd.s32 $0xFFFF8000  }
0x8b: {  	[hbm4b:s18+s2] =	stream.linear.scatter [tilespmem:s7], [sflag:$0x2], $0x8000, $0x38;
	[tilespmem:$0x8A00] =	vst v63  }
0x8c: {  	_ =	swait.ge [sflag:s3], $0x8000  }
0x8d: {  	[sflag:s3] =	ssyncset.done $0x0  }
0x8e: {  	[sflag:s3] =	ssyncadd.s32 $0xFFFF8000  }
0x8f: {  	[tilespmem:s7], [sflag:$0x1] =	stream.indirect.gather [hbm4b:s5+s6], $0x80, s19, s6, $0xb8;
	[tilespmem:$0x8A00] =	vst v63  }
0x90: {  	_ =	swait.ge [sflag:s8], $0x8000  }
0x91: {  	[sflag:s8] =	ssyncset.done $0x0  }
0x92: {  	[sflag:s8] =	ssyncadd.s32 $0xFFFF8000  }
0x93: {  	[hbm4b:s20+s2] =	stream.linear.scatter [tilespmem:s7], [sflag:$0x2], $0x8000, $0x38;
	[tilespmem:$0x8A00] =	vst v63  }
0x94: {  	_ =	swait.ge [sflag:s3], $0x8000  }
0x95: {  	[sflag:s3] =	ssyncset.done $0x0  }
0x96: {  	[sflag:s3] =	ssyncadd.s32 $0xFFFF8000  }
0x97: {  	[tilespmem:s7], [sflag:$0x1] =	stream.indirect.gather [hbm4b:s5+s6], $0x80, s21, s6, $0xb8;
	[tilespmem:$0x8A00] =	vst v63  }
0x98: {  	_ =	swait.ge [sflag:s8], $0x8000  }
0x99: {  	[sflag:s8] =	ssyncset.done $0x0  }
0x9a: {  	[sflag:s8] =	ssyncadd.s32 $0xFFFF8000  }
0x9b: {  	[hbm4b:s22+s2] =	stream.linear.scatter [tilespmem:s7], [sflag:$0x2], $0x8000, $0x38;
	[tilespmem:$0x8A00] =	vst v63  }
0x9c: {  	_ =	swait.ge [sflag:s3], $0x8000  }
0x9d: {  	[sflag:s3] =	ssyncset.done $0x0  }
0x9e: {  	[sflag:s3] =	ssyncadd.s32 $0xFFFF8000  }
0x9f: {  	[tilespmem:s7], [sflag:$0x1] =	stream.indirect.gather [hbm4b:s5+s6], $0x80, s23, s6, $0xb8;
	[tilespmem:$0x8A00] =	vst v63  }
0xa0: {  	_ =	swait.ge [sflag:s8], $0x8000  }
0xa1: {  	[sflag:s8] =	ssyncset.done $0x0  }
0xa2: {  	[sflag:s8] =	ssyncadd.s32 $0xFFFF8000  }
0xa3: {  	[hbm4b:s24+s2] =	stream.linear.scatter [tilespmem:s7], [sflag:$0x2], $0x8000, $0x38;
	[tilespmem:$0x8A00] =	vst v63  }
0xa4: {  	_ =	swait.ge [sflag:s3], $0x8000  }
0xa5: {  	[sflag:s3] =	ssyncset.done $0x0  }
0xa6: {  	[sflag:s3] =	ssyncadd.s32 $0xFFFF8000  }
0xa7: {  	[tilespmem:s7], [sflag:$0x1] =	stream.indirect.gather [hbm4b:s5+s6], $0x80, s25, s6, $0xb8;
	[tilespmem:$0x8A00] =	vst v63  }
0xa8: {  	_ =	swait.ge [sflag:s8], $0x8000  }
.Ltmp1:
0xa9: {  	[sflag:s8] =	ssyncset.done $0x0;
	(pc) =	sbr.rel @p0 .LBB2_1-.Ltmp1, $4  }
0xaa: {  	[sflag:s8] =	ssyncadd.s32 $0xFFFF8000  }
0xab: {  	[hbm4b:s26+s2] =	stream.linear.scatter [tilespmem:s7], [sflag:$0x2], $0x8000, $0x38;
	[tilespmem:$0x8A00] =	vst v63  }
0xac: {  	_ =	swait.ge [sflag:s3], $0x8000  }
0xad: {  	[sflag:s3] =	ssyncset.done $0x0  }
.LBB2_2:
0xae: {  	[sflag:s3] =	ssyncadd.s32 $0xFFFF8000  }
0xaf: {  	_ =	sfence.sel $0x180000  }
0xb0: {  	[bflag:$0x0] =	sbarrier.arrive $0xFFFF  }
0xb1: {  	p0 =	sne.s32 s0, $0x0;
	_ =	strace $0x90000047  }
0xb2: {  	s0 =	sadd.s32 @!p0 $0x100000, s1;
	[bflag:$0x2] =	sbarrier.arrive $0xFFFF  }
0xb3: {  	[sflag:s0] =	ssyncadd.tile.s32 @!p0 $0x1;
	_ =	shalt  }
.Lfunc_end2:
_tile_overlayer_lowered:
.L_overlay_start_2:
0xb4: {  	(tag) =	ssettag $0x2  }
0xb5: {  	s0 =	rddreg [dreg:$0x0];
	s2 =	stileid.u32  }
0xb6: {  	s1 =	rddreg [dreg:$0x1];
	p0 =	sne.s32 s2, $0x0  }
0xb7: {  	s3 =	rddreg [dreg:$0x2];
	[bflag:$0x3] =	sbarrier.arrive $0xFFFF;
	s2 =	simm.s32 @!p0 $0x1C02  }
0xb8: {  	[timem:s3], [sflag:s2] =	dma.local @!p0 [hbm:s0], s1  }
0xb9: {  	s0 =	simm.s32 @!p0 $0x2  }
0xba: {  	_ =	swait.ge @!p0 [sflag:s0], s1  }
0xbb: {  	s1 =	ssub.s32 @!p0 $0x0, s1;
	[sflag:s0] =	ssyncset.done @!p0 $0x0  }
0xbc: {  	[sflag:s0] =	ssyncadd.s32 @!p0 s1  }
0xbd: {  	[bflag:$0x3] =	sbarrier.arrive $0xFFFF  }
0xbe: {  	_ =	shalt  }

</sc_bundles>
